<compile_context>
chip_gen: v7x
topology: tpu7x:2x2x1
jax: 0.10.2.dev20260603
libtpu: 0.0.44.dev20260713+nightly
codegen_flags: <defaults>
</compile_context>

<pallas_src>
import functools

import numpy as np
import jax
import jax.numpy as jnp
from jax import lax
from jax.experimental import pallas as pl
from jax.experimental.pallas import tpu as pltpu
from jax.experimental.pallas import tpu_sc as plsc

N = 10000; E = 320000; D = 128; H = 8; DH = 16; HOP = 5; ALPHA = 0.15; DFF = 512
NC = 2; NS = 16; NW = NC * NS
BLK = 128
NBLK = 80
EPT = BLK * NBLK
EPAD = NW * EPT
NACC = 10112
ROWS_PT = NACC // NS
RB = 1000
F32 = jnp.float32

_mesh = plsc.VectorSubcoreMesh(core_axis_name="c", subcore_axis_name="s")


def _wid():
    return lax.axis_index("s") * NC + lax.axis_index("c")


def _zero_acc_stripe(acc, zer_v):
    base = lax.axis_index("s") * ROWS_PT
    for j in range(ROWS_PT // BLK):
        pltpu.sync_copy(zer_v, acc.at[pl.ds(base + j * BLK, BLK)])
    tail = ROWS_PT % BLK
    if tail:
        pltpu.sync_copy(zer_v.at[pl.ds(0, tail)],
                        acc.at[pl.ds(base + (ROWS_PT // BLK) * BLK, tail)])


def _flush_acc_stripe(acc, out_hbm):
    c = lax.axis_index("c")
    base = lax.axis_index("s") * ROWS_PT
    for j in range(ROWS_PT // BLK):
        pltpu.sync_copy(acc.at[pl.ds(base + j * BLK, BLK)],
                        out_hbm.at[pl.ds(c * NACC + base + j * BLK, BLK)])
    tail = ROWS_PT % BLK
    if tail:
        off = (ROWS_PT // BLK) * BLK
        pltpu.sync_copy(acc.at[pl.ds(base + off, tail)],
                        out_hbm.at[pl.ds(c * NACC + base + off, tail)])


_DEGB = 4000


def _degtc_body(d_r, out_r):
    d = d_r[...]
    lo = jnp.bitwise_and(d, 127)
    hi = lax.shift_right_logical(d, 7)
    ior = lax.broadcasted_iota(jnp.int32, (1, 128), 1)
    ohlo = (lo == ior).astype(jnp.bfloat16)
    ohhi = (hi == ior).astype(jnp.bfloat16)
    p = lax.dot_general(ohlo, ohhi, (((0,), (0,)), ((), ())),
                        preferred_element_type=F32)
    i = pl.program_id(0)

    @pl.when(i == 0)
    def _():
        out_r[...] = p

    @pl.when(i > 0)
    def _():
        out_r[...] = out_r[...] + p


def _degtc_call(dst_col):
    return pl.pallas_call(
        _degtc_body,
        grid=(E // _DEGB,),
        in_specs=[pl.BlockSpec((_DEGB, 1), lambda i: (i, 0))],
        out_specs=pl.BlockSpec((128, 128), lambda i: (0, 0)),
        out_shape=jax.ShapeDtypeStruct((128, 128), F32),
    )(dst_col)


@functools.partial(
    pl.kernel,
    out_type=jax.ShapeDtypeStruct((EPAD, 16), F32),
    mesh=_mesh,
    scratch_types=[
        pltpu.VMEM((BLK,), jnp.int32),
        pltpu.VMEM((BLK,), jnp.int32),
        pltpu.VMEM((BLK, 256), F32),
        pltpu.VMEM((BLK, 256), F32),
        pltpu.VMEM((BLK, 16), F32),
        pltpu.VMEM((8, 16), F32),
        pltpu.SemaphoreType.DMA,
    ],
)
def _edge_ac_kernel(s_hbm, t_hbm, g_hbm, sidx_hbm, didxg_hbm, tag_hbm,
                    sblk_v, dblk_v, srow_v, trow_v, tag_v, g_v, sem):
    wid = _wid()
    pltpu.sync_copy(g_hbm, g_v)
    gvec = g_v[0, :]

    lane = lax.broadcasted_iota(jnp.int32, (16,), 0)
    perms = [jnp.bitwise_xor(lane, k) for k in (8, 4, 2, 1)]
    lane8 = jnp.full((16,), 8, jnp.int32)
    msk = lane < H

    def _splat_sum(p):
        for pm in perms:
            p = p + p.at[pm].get(mode="promise_in_bounds",
                                 unique_indices=True)
        return p

    def blk(j, _):
        base = (wid * NBLK + j) * BLK
        pltpu.sync_copy(sidx_hbm.at[pl.ds(base, BLK)], sblk_v)
        pltpu.sync_copy(didxg_hbm.at[pl.ds(base, BLK)], dblk_v)
        pltpu.async_copy(s_hbm.at[sblk_v], srow_v, sem).wait()
        pltpu.async_copy(t_hbm.at[dblk_v], trow_v, sem).wait()

        def edge(e, _2):
            sext = srow_v[e, pl.ds(128, 16)]
            text = trow_v[e, pl.ds(128, 16)]
            gate = 1.0 / (1.0 + jnp.exp(-(sext + text)))
            lgs = text.at[lane8].get(mode="promise_in_bounds") * (1.0 / DH)
            svec = jnp.zeros((16,), F32)
            for h in range(H):
                p = srow_v[e, pl.ds(h * 16, 16)] * trow_v[e, pl.ds(h * 16, 16)]
                sco = _splat_sum(p) * lgs
                svec = jnp.where(lane == h, sco, svec)
            t = jnp.exp(svec - gvec) * gate
            tag_v[e, :] = jnp.where(msk, t, 0.0)
            return 0
        lax.fori_loop(0, BLK, edge, 0)
        pltpu.sync_copy(tag_v, tag_hbm.at[pl.ds(base, BLK)])
        return 0
    lax.fori_loop(0, NBLK, blk, 0)


@functools.partial(
    pl.kernel,
    out_type=jax.ShapeDtypeStruct((NC * NACC, D), F32),
    mesh=_mesh,
    scratch_types=[
        pltpu.VMEM((BLK,), jnp.int32),
        pltpu.VMEM((BLK,), jnp.int32),
        pltpu.VMEM((BLK, D), F32),
        pltpu.VMEM((BLK, 16), F32),
        pltpu.VMEM_SHARED((NACC, D), F32),
        pltpu.SemaphoreType.DMA,
    ],
)
def _hop_kernel(f_hbm, tag_hbm, sidx_hbm, didx_hbm, out_hbm,
                sblk_v, dblk_v, rows_v, tag_v, acc, sem):
    wid = _wid()
    z16 = jnp.zeros((16,), F32)

    def fill(i, _):
        for hh in range(D // 16):
            rows_v[i, pl.ds(hh * 16, 16)] = z16
        return 0
    lax.fori_loop(0, BLK, fill, 0)
    _zero_acc_stripe(acc, rows_v)
    plsc.subcore_barrier()

    lane = lax.broadcasted_iota(jnp.int32, (16,), 0)
    hsplats = [lane * 0 + h for h in range(H)]

    def blk(j, _):
        base = (wid * NBLK + j) * BLK
        pltpu.sync_copy(sidx_hbm.at[pl.ds(base, BLK)], sblk_v)
        pltpu.sync_copy(didx_hbm.at[pl.ds(base, BLK)], dblk_v)
        pltpu.async_copy(f_hbm.at[sblk_v], rows_v, sem).wait()
        pltpu.sync_copy(tag_hbm.at[pl.ds(base, BLK)], tag_v)

        def edge(e, _2):
            trow = tag_v[e, pl.ds(0, 16)]
            for h in range(H):
                sp = trow.at[hsplats[h]].get(mode="promise_in_bounds")
                rows_v[e, pl.ds(h * 16, 16)] = rows_v[e, pl.ds(h * 16, 16)] * sp
            return 0
        lax.fori_loop(0, BLK, edge, 0)
        pltpu.sync_copy(rows_v, acc.at[dblk_v], add=True)
        return 0
    lax.fori_loop(0, NBLK, blk, 0)
    plsc.subcore_barrier()
    _flush_acc_stripe(acc, out_hbm)


def _prep_body(feat_r, g1_r, b1_r, wh_r, wt_r, we_r, attn_r, ghr_r, gtr_r,
               mg_r, dg_r,
               fh_o, fta_o, fe_o, ghp_o, gtp_o, lg_o, msf_o, mst_o):
    xf = feat_r[...]
    mu = jnp.mean(xf, axis=1, keepdims=True)
    xc = xf - mu
    var = jnp.mean(xc * xc, axis=1, keepdims=True)
    x = xc * lax.rsqrt(var + 1e-5) * g1_r[...] + b1_r[...]
    dn = (((1,), (1,)), ((), ()))
    fh = lax.dot_general(x, wh_r[...], dn, preferred_element_type=F32)
    ft = lax.dot_general(x, wt_r[...], dn, preferred_element_type=F32)
    fe = lax.dot_general(x, we_r[...], dn, preferred_element_type=F32)
    fta = ft * attn_r[...]
    fh_o[...] = fh
    fta_o[...] = fta
    fe_o[...] = fe
    dng = (((1,), (0,)), ((), ()))
    ghp_o[...] = lax.dot_general(fh * ghr_r[...], mg_r[...], dng,
                                 preferred_element_type=F32)
    gtp_o[...] = lax.dot_general(ft * gtr_r[...], mg_r[...], dng,
                                 preferred_element_type=F32)
    lg = jnp.log(jnp.maximum(dg_r[...], 1.0))
    lg_o[...] = lg
    fhsq = lax.dot_general(fh * fh, mg_r[...], dng, preferred_element_type=F32)
    ftasq = lax.dot_general(fta * fta, mg_r[...], dng,
                            preferred_element_type=F32)
    ftasq = ftasq * (lg[:, :1] * lg[:, :1])
    bmax_f = jnp.max(fhsq, axis=0, keepdims=True)
    bmax_t = jnp.max(ftasq, axis=0, keepdims=True)
    i = pl.program_id(0)

    @pl.when(i == 0)
    def _():
        msf_o[...] = bmax_f
        mst_o[...] = bmax_t

    @pl.when(i > 0)
    def _():
        msf_o[...] = jnp.maximum(msf_o[...], bmax_f)
        mst_o[...] = jnp.maximum(mst_o[...], bmax_t)


def _prep_call(feat, g1, b1, wh, wt, we, attnrep, ghrep, gtrep, mg, dg):
    row = lambda i: (i, 0)
    full = lambda i: (0, 0)
    return pl.pallas_call(
        _prep_body,
        grid=(N // RB,),
        in_specs=[
            pl.BlockSpec((RB, D), row),
            pl.BlockSpec((1, D), full), pl.BlockSpec((1, D), full),
            pl.BlockSpec((D, D), full), pl.BlockSpec((D, D), full),
            pl.BlockSpec((D, D), full),
            pl.BlockSpec((1, D), full), pl.BlockSpec((1, D), full),
            pl.BlockSpec((1, D), full), pl.BlockSpec((D, D), full),
            pl.BlockSpec((RB, 16), row),
        ],
        out_specs=[
            pl.BlockSpec((RB, D), row), pl.BlockSpec((RB, D), row),
            pl.BlockSpec((RB, D), row), pl.BlockSpec((RB, D), row),
            pl.BlockSpec((RB, D), row), pl.BlockSpec((RB, 16), row),
            pl.BlockSpec((1, D), full), pl.BlockSpec((1, D), full),
        ],
        out_shape=[
            jax.ShapeDtypeStruct((N, D), F32), jax.ShapeDtypeStruct((N, D), F32),
            jax.ShapeDtypeStruct((N, D), F32), jax.ShapeDtypeStruct((N, D), F32),
            jax.ShapeDtypeStruct((N, D), F32), jax.ShapeDtypeStruct((N, 16), F32),
            jax.ShapeDtypeStruct((1, D), F32), jax.ShapeDtypeStruct((1, D), F32),
        ],
    )(feat, g1, b1, wh, wt, we, attnrep, ghrep, gtrep, mg, dg)


def _rinv_body(s0_r, s1_r, out_r):
    den = s0_r[...] + s1_r[...]
    out_r[...] = (1.0 - ALPHA) / jnp.maximum(den, 1e-30)


def _rinv_call(s0, s1):
    row = lambda i: (i, 0)
    return pl.pallas_call(
        _rinv_body,
        grid=(N // RB,),
        in_specs=[pl.BlockSpec((RB, D), row), pl.BlockSpec((RB, D), row)],
        out_specs=pl.BlockSpec((RB, D), row),
        out_shape=jax.ShapeDtypeStruct((N, D), F32),
    )(s0, s1)


def _comb_body(h0_r, h1_r, ri_r, fe_r, out_r):
    out_r[...] = ri_r[...] * (h0_r[...] + h1_r[...]) + ALPHA * fe_r[...]


def _comb_call(h0, h1, rinvrep, fe):
    row = lambda i: (i, 0)
    return pl.pallas_call(
        _comb_body,
        grid=(N // RB,),
        in_specs=[pl.BlockSpec((RB, D), row)] * 4,
        out_specs=pl.BlockSpec((RB, D), row),
        out_shape=jax.ShapeDtypeStruct((N, D), F32),
    )(h0, h1, rinvrep, fe)


def _final_body(f_r, feat_r, g2_r, b2_r, w1_r, bf1_r, w2_r, bf2_r, out_r):
    rst = f_r[...] + feat_r[...]
    mu = jnp.mean(rst, axis=1, keepdims=True)
    xc = rst - mu
    var = jnp.mean(xc * xc, axis=1, keepdims=True)
    y = xc * lax.rsqrt(var + 1e-5) * g2_r[...] + b2_r[...]
    dn = (((1,), (1,)), ((), ()))
    h1 = jnp.maximum(
        lax.dot_general(y, w1_r[...], dn, preferred_element_type=F32)
        + bf1_r[...], 0.0)
    out_r[...] = (lax.dot_general(h1, w2_r[...], dn,
                                  preferred_element_type=F32)
                  + bf2_r[...] + rst)


def _final_call(f, feat, g2, b2, w1, bf1, w2, bf2):
    row = lambda i: (i, 0)
    full = lambda i: (0, 0)
    return pl.pallas_call(
        _final_body,
        grid=(N // RB,),
        in_specs=[
            pl.BlockSpec((RB, D), row), pl.BlockSpec((RB, D), row),
            pl.BlockSpec((1, D), full), pl.BlockSpec((1, D), full),
            pl.BlockSpec((DFF, D), full), pl.BlockSpec((1, DFF), full),
            pl.BlockSpec((D, DFF), full), pl.BlockSpec((1, D), full),
        ],
        out_specs=pl.BlockSpec((RB, D), row),
        out_shape=jax.ShapeDtypeStruct((N, D), F32),
    )(f, feat, g2, b2, w1, bf1, w2, bf2)


_MG = np.zeros((D, D), np.float32)
for _j in range(D):
    _MG[_j, _j // DH] = 1.0


def kernel(feat, edge_index, ln1_g, ln1_b, W_head, W_tail, W_ent, attn,
           g_head, g_tail, ln2_g, ln2_b, W_ff1, b_ff1, W_ff2, b_ff2):
    src = edge_index[0]
    dst = edge_index[1]
    npad = EPAD - E
    sidx1d = jnp.pad(src, (0, npad), constant_values=0)
    didx_s1d = jnp.pad(dst, (0, npad), constant_values=N)
    didx_g1d = jnp.minimum(didx_s1d, N - 1)

    deg2d = _degtc_call(dst.reshape(E, 1))
    degflat = deg2d.T.reshape(128 * 128)[:N]
    deg16 = jnp.broadcast_to(degflat.reshape(N, 1), (N, 16))

    attnrep = attn.reshape(1, D)
    ghrep = g_head.reshape(1, D)
    gtrep = g_tail.reshape(1, D)
    mg = jnp.asarray(_MG)
    fh, fta, fe, ghp, gtp, lg16, msf, mst = _prep_call(
        feat, ln1_g.reshape(1, D), ln1_b.reshape(1, D), W_head, W_tail, W_ent,
        attnrep, ghrep, gtrep, mg, deg16)

    zpad = jnp.zeros((N, 120), F32)
    s_tab = jnp.concatenate([fh, ghp[:, :H], zpad], axis=1)
    t_tab = jnp.concatenate(
        [fta, gtp[:, :H], lg16[:, :1], zpad[:, :119]], axis=1)

    g8 = jnp.sqrt(msf[0, :H]) * jnp.sqrt(mst[0, :H]) * (1.0 / DH)
    g16 = jnp.broadcast_to(
        jnp.concatenate([g8, jnp.zeros((8,), F32)]).reshape(1, 16), (8, 16))

    tag = _edge_ac_kernel(s_tab, t_tab, g16, sidx1d, didx_g1d)

    def one_hop(i, carry):
        f, ri = carry
        hh = _hop_kernel(f, tag, sidx1d, didx_s1d)
        h0 = hh[:N]
        h1 = hh[NACC:NACC + N]
        ri_new = jnp.where(i == 0, _rinv_call(h0, h1), ri)
        f_new = jnp.where(i == 0, fe, _comb_call(h0, h1, ri_new, fe))
        return (f_new, ri_new)
    ones128 = jnp.ones((N, D), F32)
    f, _ = lax.fori_loop(0, HOP + 1, one_hop,
                         (ones128, jnp.zeros((N, D), F32)))

    return _final_call(f, feat, ln2_g.reshape(1, D), ln2_b.reshape(1, D),
                       W_ff1, b_ff1.reshape(1, DFF), W_ff2, b_ff2.reshape(1, D))

# --- scband reference (transcript-rebuilt; emitter-appended) ---
"""Pipeline reference for scband-gated-gdtlayer-1769526526467 (READ-ONLY COPY).

The authoritative reference and input builder live on the scoring server;
editing this copy changes nothing except your own understanding.
"""

import jax, jax.numpy as jnp
import numpy as np

N = 10000; E = 320000; D = 128; H = 8; DH = 16; HOP = 5; ALPHA = 0.15; DFF = 512

def _layer_norm(x, g, b):
    mu = jnp.mean(x, axis=-1, keepdims=True)
    var = jnp.var(x, axis=-1, keepdims=True)
    return (x - mu) / jnp.sqrt(var + 1e-5) * g + b

def setup_inputs(seed: int = 0):
    key = jax.random.key(seed)
    ks = jax.random.split(key, 16)
    s = 0.05
    inp = {}
    inp['feat'] = jax.random.normal(ks[0], (N, D), dtype=jnp.float32)
    inp['edge_index'] = jax.random.randint(ks[1], (2, E), 0, N, dtype=jnp.int32)
    inp['ln1_g'] = jnp.ones((D,), dtype=jnp.float32)
    inp['ln1_b'] = jnp.zeros((D,), dtype=jnp.float32)
    inp['W_head'] = jax.random.normal(ks[2], (D, D), dtype=jnp.float32) * s
    inp['W_tail'] = jax.random.normal(ks[3], (D, D), dtype=jnp.float32) * s
    inp['W_ent'] = jax.random.normal(ks[4], (D, D), dtype=jnp.float32) * s
    inp['attn'] = jax.random.normal(ks[5], (1, H, DH), dtype=jnp.float32) * s
    inp['g_head'] = jax.random.normal(ks[6], (1, H, DH), dtype=jnp.float32) * s
    inp['g_tail'] = jax.random.normal(ks[7], (1, H, DH), dtype=jnp.float32) * s
    inp['ln2_g'] = jnp.ones((D,), dtype=jnp.float32)
    inp['ln2_b'] = jnp.zeros((D,), dtype=jnp.float32)
    inp['W_ff1'] = jax.random.normal(ks[8], (DFF, D), dtype=jnp.float32) * s
    inp['b_ff1'] = jnp.zeros((DFF,), dtype=jnp.float32)
    inp['W_ff2'] = jax.random.normal(ks[9], (D, DFF), dtype=jnp.float32) * s
    inp['b_ff2'] = jnp.zeros((D,), dtype=jnp.float32)
    return inp

def reference(feat, edge_index, ln1_g, ln1_b, W_head, W_tail, W_ent, attn, g_head, g_tail, ln2_g, ln2_b, W_ff1, b_ff1, W_ff2, b_ff2):
    src = edge_index[0]
    dst = edge_index[1]
    # dropout layers are identity in eval mode
    x = _layer_norm(feat, ln1_g, ln1_b)
    fh = (x @ W_head.T).reshape(N, H, DH)
    ft = (x @ W_tail.T).reshape(N, H, DH)
    fe = (x @ W_ent.T).reshape(N, H, DH)
    # attention logits: u_mul_v then project on attn vector, scaled by head_dim
    e = (fh[src] * ft[dst] * attn).sum(axis=-1)[:, :, None] / DH  # [E, H, 1]
    # dst node data 'log_in' = log of in-degree (clamped to >=1)
    in_deg = jax.ops.segment_sum(jnp.ones((E,), dtype=jnp.float32), dst, num_segments=N)
    log_in = jnp.log(jnp.maximum(in_deg, 1.0))[:, None, None]  # [N, 1, 1]
    attn_score = e * log_in[dst]
    # gate scores
    gh = (fh * g_head).sum(axis=-1)[:, :, None]  # [N, H, 1]
    gt = (ft * g_tail).sum(axis=-1)[:, :, None]
    gate = jax.nn.sigmoid(gh[src] + gt[dst])  # [E, H, 1]
    # weighted edge softmax over incoming edges of each dst node
    max_a = jax.ops.segment_max(attn_score, dst, num_segments=N)
    ta = attn_score - max_a[dst]
    tag = jnp.exp(ta) * gate
    sum_ag = jax.ops.segment_sum(tag, dst, num_segments=N)
    a = tag / sum_ag[dst]  # [E, H, 1]
    # ppr estimation (hop_num propagation steps)
    feat0 = fe
    f = feat0
    for _ in range(HOP):
        m = f[src] * a
        h = jax.ops.segment_sum(m, dst, num_segments=N)
        f = (1.0 - ALPHA) * h + ALPHA * feat0
    # residual (Identity since in==out feats)
    rst = f + feat.reshape(N, H, DH)
    rst = rst.reshape(N, D)
    y = _layer_norm(rst, ln2_g, ln2_b)
    ff = jnp.maximum(y @ W_ff1.T + b_ff1, 0.0) @ W_ff2.T + b_ff2
    return ff + rst

if __name__ == "__main__":
    import jax
    _d = setup_inputs()
    print(jax.jit(kernel)(*tuple(_d.values())))

</pallas_src>

<mosaic_0001>
#map = affine_map<(d0, d1) -> (0, 0)>
#map1 = affine_map<(d0, d1) -> (0)>
module attributes {stable_mosaic.version = 14 : i64} {
  func.func @_hop_kernel(%arg0: i32, %arg1: i32, %arg2: memref<10000x128xf32, #tpu.memory_space<hbm>>, %arg3: memref<327680x16xf32, #tpu.memory_space<hbm>>, %arg4: memref<327680xi32, #tpu.memory_space<hbm>>, %arg5: memref<327680xi32, #tpu.memory_space<hbm>>, %arg6: memref<20224x128xf32, #tpu.memory_space<hbm>>, %arg7: memref<128xi32, #tpu.memory_space<vmem>>, %arg8: memref<128xi32, #tpu.memory_space<vmem>>, %arg9: memref<128x128xf32, #tpu.memory_space<vmem>>, %arg10: memref<128x16xf32, #tpu.memory_space<vmem>>, %arg11: memref<10112x128xf32, #tpu.memory_space<vmem_shared>>, %arg12: memref<!tpu.dma_semaphore, #tpu.memory_space<semaphore_mem>>) attributes {dimension_semantics = [#tpu.dimension_semantics<core_parallel>, #tpu.dimension_semantics<subcore_parallel>], iteration_bounds = array<i64: 2, 16>, scalar_prefetch = 0 : i64, scratch_operands = 6 : i64, tpu.core_type = #tpu.core_type<sc_vector_subcore>, window_params = [{transform_indices = #map}, {transform_indices = #map}, {transform_indices = #map1}, {transform_indices = #map1}, {transform_indices = #map}]} {
    %mul3A = arith.constant 2 : i32
    %mul3A_0 = arith.muli %arg1, %mul3A : i32
    %add3A = arith.addi %mul3A_0, %arg0 : i32
    %broadcast_in_dim3A = arith.constant 0.000000e+00 : f32
    %broadcast_in_dim3A_1 = vector.broadcast %broadcast_in_dim3A : f32 to vector<16xf32>
    %scan3A = arith.constant 0 : i32
    %scan3A_2 = arith.constant 0 : i32
    %scan3A_3 = arith.constant 128 : i32
    %scan3A_4 = arith.addi %scan3A_2, %scan3A_3 : i32
    %scan3A_5 = arith.constant 1 : i32
    %scan3A_6 = scf.for %scan3A_113 = %scan3A_2 to %scan3A_4 step %scan3A_5 iter_args(%scan3A_114 = %scan3A) -> (i32)  : i32 {
      %swap3A = arith.index_cast %scan3A_113 : i32 to index
      %swap3A_115 = arith.constant 0 : index
      %swap3A_116 = tpu.vector_load %arg9[%swap3A, %swap3A_115] {strides = array<i32>} : memref<128x128xf32, #tpu.memory_space<vmem>>, vector<1x16xf32>,
      %swap3A_117 = vector.shape_cast %swap3A_116 : vector<1x16xf32> to vector<16xf32>
      %swap3A_118 = vector.shape_cast %broadcast_in_dim3A_1 : vector<16xf32> to vector<1x16xf32>
      tpu.vector_store %arg9[%swap3A, %swap3A_115], %swap3A_118 {strides = array<i32>} : memref<128x128xf32, #tpu.memory_space<vmem>>, vector<1x16xf32>,
      %swap3A_119 = arith.index_cast %scan3A_113 : i32 to index
      %swap3A_120 = arith.constant 16 : index
      %swap3A_121 = tpu.vector_load %arg9[%swap3A_119, %swap3A_120] {strides = array<i32>} : memref<128x128xf32, #tpu.memory_space<vmem>>, vector<1x16xf32>,
      %swap3A_122 = vector.shape_cast %swap3A_121 : vector<1x16xf32> to vector<16xf32>
      %swap3A_123 = vector.shape_cast %broadcast_in_dim3A_1 : vector<16xf32> to vector<1x16xf32>
      tpu.vector_store %arg9[%swap3A_119, %swap3A_120], %swap3A_123 {strides = array<i32>} : memref<128x128xf32, #tpu.memory_space<vmem>>, vector<1x16xf32>,
      %swap3A_124 = arith.index_cast %scan3A_113 : i32 to index
      %swap3A_125 = arith.constant 32 : index
      %swap3A_126 = tpu.vector_load %arg9[%swap3A_124, %swap3A_125] {strides = array<i32>} : memref<128x128xf32, #tpu.memory_space<vmem>>, vector<1x16xf32>,
      %swap3A_127 = vector.shape_cast %swap3A_126 : vector<1x16xf32> to vector<16xf32>
      %swap3A_128 = vector.shape_cast %broadcast_in_dim3A_1 : vector<16xf32> to vector<1x16xf32>
      tpu.vector_store %arg9[%swap3A_124, %swap3A_125], %swap3A_128 {strides = array<i32>} : memref<128x128xf32, #tpu.memory_space<vmem>>, vector<1x16xf32>,
      %swap3A_129 = arith.index_cast %scan3A_113 : i32 to index
      %swap3A_130 = arith.constant 48 : index
      %swap3A_131 = tpu.vector_load %arg9[%swap3A_129, %swap3A_130] {strides = array<i32>} : memref<128x128xf32, #tpu.memory_space<vmem>>, vector<1x16xf32>,
      %swap3A_132 = vector.shape_cast %swap3A_131 : vector<1x16xf32> to vector<16xf32>
      %swap3A_133 = vector.shape_cast %broadcast_in_dim3A_1 : vector<16xf32> to vector<1x16xf32>
      tpu.vector_store %arg9[%swap3A_129, %swap3A_130], %swap3A_133 {strides = array<i32>} : memref<128x128xf32, #tpu.memory_space<vmem>>, vector<1x16xf32>,
      %swap3A_134 = arith.index_cast %scan3A_113 : i32 to index
      %swap3A_135 = arith.constant 64 : index
      %swap3A_136 = tpu.vector_load %arg9[%swap3A_134, %swap3A_135] {strides = array<i32>} : memref<128x128xf32, #tpu.memory_space<vmem>>, vector<1x16xf32>,
      %swap3A_137 = vector.shape_cast %swap3A_136 : vector<1x16xf32> to vector<16xf32>
      %swap3A_138 = vector.shape_cast %broadcast_in_dim3A_1 : vector<16xf32> to vector<1x16xf32>
      tpu.vector_store %arg9[%swap3A_134, %swap3A_135], %swap3A_138 {strides = array<i32>} : memref<128x128xf32, #tpu.memory_space<vmem>>, vector<1x16xf32>,
      %swap3A_139 = arith.index_cast %scan3A_113 : i32 to index
      %swap3A_140 = arith.constant 80 : index
      %swap3A_141 = tpu.vector_load %arg9[%swap3A_139, %swap3A_140] {strides = array<i32>} : memref<128x128xf32, #tpu.memory_space<vmem>>, vector<1x16xf32>,
      %swap3A_142 = vector.shape_cast %swap3A_141 : vector<1x16xf32> to vector<16xf32>
      %swap3A_143 = vector.shape_cast %broadcast_in_dim3A_1 : vector<16xf32> to vector<1x16xf32>
      tpu.vector_store %arg9[%swap3A_139, %swap3A_140], %swap3A_143 {strides = array<i32>} : memref<128x128xf32, #tpu.memory_space<vmem>>, vector<1x16xf32>,
      %swap3A_144 = arith.index_cast %scan3A_113 : i32 to index
      %swap3A_145 = arith.constant 96 : index
      %swap3A_146 = tpu.vector_load %arg9[%swap3A_144, %swap3A_145] {strides = array<i32>} : memref<128x128xf32, #tpu.memory_space<vmem>>, vector<1x16xf32>,
      %swap3A_147 = vector.shape_cast %swap3A_146 : vector<1x16xf32> to vector<16xf32>
      %swap3A_148 = vector.shape_cast %broadcast_in_dim3A_1 : vector<16xf32> to vector<1x16xf32>
      tpu.vector_store %arg9[%swap3A_144, %swap3A_145], %swap3A_148 {strides = array<i32>} : memref<128x128xf32, #tpu.memory_space<vmem>>, vector<1x16xf32>,
      %swap3A_149 = arith.index_cast %scan3A_113 : i32 to index
      %swap3A_150 = arith.constant 112 : index
      %swap3A_151 = tpu.vector_load %arg9[%swap3A_149, %swap3A_150] {strides = array<i32>} : memref<128x128xf32, #tpu.memory_space<vmem>>, vector<1x16xf32>,
      %swap3A_152 = vector.shape_cast %swap3A_151 : vector<1x16xf32> to vector<16xf32>
      %swap3A_153 = vector.shape_cast %broadcast_in_dim3A_1 : vector<16xf32> to vector<1x16xf32>
      tpu.vector_store %arg9[%swap3A_149, %swap3A_150], %swap3A_153 {strides = array<i32>} : memref<128x128xf32, #tpu.memory_space<vmem>>, vector<1x16xf32>,
      %scan3A_154 = arith.constant 0 : i32
      scf.yield %scan3A_154 : i32
    }
    %scan3A_7 = arith.constant 128 : i32
    %mul3A_8 = arith.constant 632 : i32
    %mul3A_9 = arith.muli %arg1, %mul3A_8 : i32
    %add3A_10 = arith.constant 0 : i32
    %add3A_11 = arith.addi %mul3A_9, %add3A_10 : i32
    "tpu.region"() ({
      %run_scoped3A = tpu.sem_alloc : memref<!tpu.dma_semaphore, #tpu.memory_space<semaphore_mem>>
      %dma_start3A = arith.constant 0 : i32
      %dma_start3A_113 = tpu.memref_slice %arg11[%add3A_11, %dma_start3A] : memref<10112x128xf32, #tpu.memory_space<vmem_shared>> -> memref<128x128xf32, #tpu.memory_space<vmem_shared>>
      %dma_start3A_114 = arith.constant 0 : i32
      %dma_start3A_115 = tpu.memref_slice %arg11[%add3A_11, %dma_start3A_114] : memref<10112x128xf32, #tpu.memory_space<vmem_shared>> -> memref<128x128xf32, #tpu.memory_space<vmem_shared>>
      tpu.enqueue_dma source(%arg9 : memref<128x128xf32, #tpu.memory_space<vmem>>) target(%dma_start3A_115 : memref<128x128xf32, #tpu.memory_space<vmem_shared>>) target_semaphore(%run_scoped3A : memref<!tpu.dma_semaphore, #tpu.memory_space<semaphore_mem>>)
      %dma_wait3A = arith.constant 0 : i32
      %dma_wait3A_116 = tpu.memref_slice %arg11[%add3A_11, %dma_wait3A] : memref<10112x128xf32, #tpu.memory_space<vmem_shared>> -> memref<128x128xf32, #tpu.memory_space<vmem_shared>>
      %dma_wait3A_117 = arith.constant 0 : i32
      %dma_wait3A_118 = tpu.memref_slice %arg11[%add3A_11, %dma_wait3A_117] : memref<10112x128xf32, #tpu.memory_space<vmem_shared>> -> memref<128x128xf32, #tpu.memory_space<vmem_shared>>
      tpu.wait_dma2 semaphore(%run_scoped3A : memref<!tpu.dma_semaphore, #tpu.memory_space<semaphore_mem>>) src(%arg9 : memref<128x128xf32, #tpu.memory_space<vmem>>) dst(%dma_wait3A_118 : memref<128x128xf32, #tpu.memory_space<vmem_shared>>)
      tpu.yield
    }) : () -> ()
    %add3A_12 = arith.constant 128 : i32
    %add3A_13 = arith.addi %mul3A_9, %add3A_12 : i32
    "tpu.region"() ({
      %run_scoped3A = tpu.sem_alloc : memref<!tpu.dma_semaphore, #tpu.memory_space<semaphore_mem>>
      %dma_start3A = arith.constant 0 : i32
      %dma_start3A_113 = tpu.memref_slice %arg11[%add3A_13, %dma_start3A] : memref<10112x128xf32, #tpu.memory_space<vmem_shared>> -> memref<128x128xf32, #tpu.memory_space<vmem_shared>>
      %dma_start3A_114 = arith.constant 0 : i32
      %dma_start3A_115 = tpu.memref_slice %arg11[%add3A_13, %dma_start3A_114] : memref<10112x128xf32, #tpu.memory_space<vmem_shared>> -> memref<128x128xf32, #tpu.memory_space<vmem_shared>>
      tpu.enqueue_dma source(%arg9 : memref<128x128xf32, #tpu.memory_space<vmem>>) target(%dma_start3A_115 : memref<128x128xf32, #tpu.memory_space<vmem_shared>>) target_semaphore(%run_scoped3A : memref<!tpu.dma_semaphore, #tpu.memory_space<semaphore_mem>>)
      %dma_wait3A = arith.constant 0 : i32
      %dma_wait3A_116 = tpu.memref_slice %arg11[%add3A_13, %dma_wait3A] : memref<10112x128xf32, #tpu.memory_space<vmem_shared>> -> memref<128x128xf32, #tpu.memory_space<vmem_shared>>
      %dma_wait3A_117 = arith.constant 0 : i32
      %dma_wait3A_118 = tpu.memref_slice %arg11[%add3A_13, %dma_wait3A_117] : memref<10112x128xf32, #tpu.memory_space<vmem_shared>> -> memref<128x128xf32, #tpu.memory_space<vmem_shared>>
      tpu.wait_dma2 semaphore(%run_scoped3A : memref<!tpu.dma_semaphore, #tpu.memory_space<semaphore_mem>>) src(%arg9 : memref<128x128xf32, #tpu.memory_space<vmem>>) dst(%dma_wait3A_118 : memref<128x128xf32, #tpu.memory_space<vmem_shared>>)
      tpu.yield
    }) : () -> ()
    %add3A_14 = arith.constant 256 : i32
    %add3A_15 = arith.addi %mul3A_9, %add3A_14 : i32
    "tpu.region"() ({
      %run_scoped3A = tpu.sem_alloc : memref<!tpu.dma_semaphore, #tpu.memory_space<semaphore_mem>>
      %dma_start3A = arith.constant 0 : i32
      %dma_start3A_113 = tpu.memref_slice %arg11[%add3A_15, %dma_start3A] : memref<10112x128xf32, #tpu.memory_space<vmem_shared>> -> memref<128x128xf32, #tpu.memory_space<vmem_shared>>
      %dma_start3A_114 = arith.constant 0 : i32
      %dma_start3A_115 = tpu.memref_slice %arg11[%add3A_15, %dma_start3A_114] : memref<10112x128xf32, #tpu.memory_space<vmem_shared>> -> memref<128x128xf32, #tpu.memory_space<vmem_shared>>
      tpu.enqueue_dma source(%arg9 : memref<128x128xf32, #tpu.memory_space<vmem>>) target(%dma_start3A_115 : memref<128x128xf32, #tpu.memory_space<vmem_shared>>) target_semaphore(%run_scoped3A : memref<!tpu.dma_semaphore, #tpu.memory_space<semaphore_mem>>)
      %dma_wait3A = arith.constant 0 : i32
      %dma_wait3A_116 = tpu.memref_slice %arg11[%add3A_15, %dma_wait3A] : memref<10112x128xf32, #tpu.memory_space<vmem_shared>> -> memref<128x128xf32, #tpu.memory_space<vmem_shared>>
      %dma_wait3A_117 = arith.constant 0 : i32
      %dma_wait3A_118 = tpu.memref_slice %arg11[%add3A_15, %dma_wait3A_117] : memref<10112x128xf32, #tpu.memory_space<vmem_shared>> -> memref<128x128xf32, #tpu.memory_space<vmem_shared>>
      tpu.wait_dma2 semaphore(%run_scoped3A : memref<!tpu.dma_semaphore, #tpu.memory_space<semaphore_mem>>) src(%arg9 : memref<128x128xf32, #tpu.memory_space<vmem>>) dst(%dma_wait3A_118 : memref<128x128xf32, #tpu.memory_space<vmem_shared>>)
      tpu.yield
    }) : () -> ()
    %add3A_16 = arith.constant 384 : i32
    %add3A_17 = arith.addi %mul3A_9, %add3A_16 : i32
    "tpu.region"() ({
      %run_scoped3A = tpu.sem_alloc : memref<!tpu.dma_semaphore, #tpu.memory_space<semaphore_mem>>
      %dma_start3A = arith.constant 0 : i32
      %dma_start3A_113 = tpu.memref_slice %arg11[%add3A_17, %dma_start3A] : memref<10112x128xf32, #tpu.memory_space<vmem_shared>> -> memref<128x128xf32, #tpu.memory_space<vmem_shared>>
      %dma_start3A_114 = arith.constant 0 : i32
      %dma_start3A_115 = tpu.memref_slice %arg11[%add3A_17, %dma_start3A_114] : memref<10112x128xf32, #tpu.memory_space<vmem_shared>> -> memref<128x128xf32, #tpu.memory_space<vmem_shared>>
      tpu.enqueue_dma source(%arg9 : memref<128x128xf32, #tpu.memory_space<vmem>>) target(%dma_start3A_115 : memref<128x128xf32, #tpu.memory_space<vmem_shared>>) target_semaphore(%run_scoped3A : memref<!tpu.dma_semaphore, #tpu.memory_space<semaphore_mem>>)
      %dma_wait3A = arith.constant 0 : i32
      %dma_wait3A_116 = tpu.memref_slice %arg11[%add3A_17, %dma_wait3A] : memref<10112x128xf32, #tpu.memory_space<vmem_shared>> -> memref<128x128xf32, #tpu.memory_space<vmem_shared>>
      %dma_wait3A_117 = arith.constant 0 : i32
      %dma_wait3A_118 = tpu.memref_slice %arg11[%add3A_17, %dma_wait3A_117] : memref<10112x128xf32, #tpu.memory_space<vmem_shared>> -> memref<128x128xf32, #tpu.memory_space<vmem_shared>>
      tpu.wait_dma2 semaphore(%run_scoped3A : memref<!tpu.dma_semaphore, #tpu.memory_space<semaphore_mem>>) src(%arg9 : memref<128x128xf32, #tpu.memory_space<vmem>>) dst(%dma_wait3A_118 : memref<128x128xf32, #tpu.memory_space<vmem_shared>>)
      tpu.yield
    }) : () -> ()
    %add3A_18 = arith.constant 512 : i32
    %add3A_19 = arith.addi %mul3A_9, %add3A_18 : i32
    "tpu.region"() ({
      %run_scoped3A = tpu.sem_alloc : memref<!tpu.dma_semaphore, #tpu.memory_space<semaphore_mem>>
      %dma_start3A = arith.constant 0 : i32
      %dma_start3A_113 = arith.constant 0 : i32
      %dma_start3A_114 = tpu.memref_slice %arg9[%dma_start3A, %dma_start3A_113] : memref<128x128xf32, #tpu.memory_space<vmem>> -> memref<120x128xf32, #tpu.memory_space<vmem>>
      %dma_start3A_115 = arith.constant 0 : i32
      %dma_start3A_116 = tpu.memref_slice %arg11[%add3A_19, %dma_start3A_115] : memref<10112x128xf32, #tpu.memory_space<vmem_shared>> -> memref<120x128xf32, #tpu.memory_space<vmem_shared>>
      %dma_start3A_117 = arith.constant 0 : i32
      %dma_start3A_118 = tpu.memref_slice %arg11[%add3A_19, %dma_start3A_117] : memref<10112x128xf32, #tpu.memory_space<vmem_shared>> -> memref<120x128xf32, #tpu.memory_space<vmem_shared>>
      %dma_start3A_119 = arith.constant 0 : i32
      %dma_start3A_120 = arith.constant 0 : i32
      %dma_start3A_121 = tpu.memref_slice %arg9[%dma_start3A_119, %dma_start3A_120] : memref<128x128xf32, #tpu.memory_space<vmem>> -> memref<120x128xf32, #tpu.memory_space<vmem>>
      tpu.enqueue_dma source(%dma_start3A_121 : memref<120x128xf32, #tpu.memory_space<vmem>>) target(%dma_start3A_118 : memref<120x128xf32, #tpu.memory_space<vmem_shared>>) target_semaphore(%run_scoped3A : memref<!tpu.dma_semaphore, #tpu.memory_space<semaphore_mem>>)
      %dma_wait3A = arith.constant 0 : i32
      %dma_wait3A_122 = arith.constant 0 : i32
      %dma_wait3A_123 = tpu.memref_slice %arg9[%dma_wait3A, %dma_wait3A_122] : memref<128x128xf32, #tpu.memory_space<vmem>> -> memref<120x128xf32, #tpu.memory_space<vmem>>
      %dma_wait3A_124 = arith.constant 0 : i32
      %dma_wait3A_125 = tpu.memref_slice %arg11[%add3A_19, %dma_wait3A_124] : memref<10112x128xf32, #tpu.memory_space<vmem_shared>> -> memref<120x128xf32, #tpu.memory_space<vmem_shared>>
      %dma_wait3A_126 = arith.constant 0 : i32
      %dma_wait3A_127 = tpu.memref_slice %arg11[%add3A_19, %dma_wait3A_126] : memref<10112x128xf32, #tpu.memory_space<vmem_shared>> -> memref<120x128xf32, #tpu.memory_space<vmem_shared>>
      %dma_wait3A_128 = arith.constant 0 : i32
      %dma_wait3A_129 = arith.constant 0 : i32
      %dma_wait3A_130 = tpu.memref_slice %arg9[%dma_wait3A_128, %dma_wait3A_129] : memref<128x128xf32, #tpu.memory_space<vmem>> -> memref<120x128xf32, #tpu.memory_space<vmem>>
      tpu.wait_dma2 semaphore(%run_scoped3A : memref<!tpu.dma_semaphore, #tpu.memory_space<semaphore_mem>>) src(%dma_wait3A_130 : memref<120x128xf32, #tpu.memory_space<vmem>>) dst(%dma_wait3A_127 : memref<120x128xf32, #tpu.memory_space<vmem_shared>>)
      tpu.yield
    }) : () -> ()
    %barrier3A = arith.constant 0 : index
    tpu.barrier barrier_id(%barrier3A)
    %iota3A = tpu.iota {dimensions = array<i32: 0>} : vector<16xi32>
    %mul3A_20 = arith.constant 0 : i32
    %mul3A_21 = vector.broadcast %mul3A_20 : i32 to vector<16xi32>
    %mul3A_22 = arith.muli %iota3A, %mul3A_21 : vector<16xi32>
    %add3A_23 = arith.constant 0 : i32
    %add3A_24 = vector.broadcast %add3A_23 : i32 to vector<16xi32>
    %add3A_25 = arith.addi %mul3A_22, %add3A_24 : vector<16xi32>
    %mul3A_26 = arith.constant 0 : i32
    %mul3A_27 = vector.broadcast %mul3A_26 : i32 to vector<16xi32>
    %mul3A_28 = arith.muli %iota3A, %mul3A_27 : vector<16xi32>
    %add3A_29 = arith.constant 1 : i32
    %add3A_30 = vector.broadcast %add3A_29 : i32 to vector<16xi32>
    %add3A_31 = arith.addi %mul3A_28, %add3A_30 : vector<16xi32>
    %mul3A_32 = arith.constant 0 : i32
    %mul3A_33 = vector.broadcast %mul3A_32 : i32 to vector<16xi32>
    %mul3A_34 = arith.muli %iota3A, %mul3A_33 : vector<16xi32>
    %add3A_35 = arith.constant 2 : i32
    %add3A_36 = vector.broadcast %add3A_35 : i32 to vector<16xi32>
    %add3A_37 = arith.addi %mul3A_34, %add3A_36 : vector<16xi32>
    %mul3A_38 = arith.constant 0 : i32
    %mul3A_39 = vector.broadcast %mul3A_38 : i32 to vector<16xi32>
    %mul3A_40 = arith.muli %iota3A, %mul3A_39 : vector<16xi32>
    %add3A_41 = arith.constant 3 : i32
    %add3A_42 = vector.broadcast %add3A_41 : i32 to vector<16xi32>
    %add3A_43 = arith.addi %mul3A_40, %add3A_42 : vector<16xi32>
    %mul3A_44 = arith.constant 0 : i32
    %mul3A_45 = vector.broadcast %mul3A_44 : i32 to vector<16xi32>
    %mul3A_46 = arith.muli %iota3A, %mul3A_45 : vector<16xi32>
    %add3A_47 = arith.constant 4 : i32
    %add3A_48 = vector.broadcast %add3A_47 : i32 to vector<16xi32>
    %add3A_49 = arith.addi %mul3A_46, %add3A_48 : vector<16xi32>
    %mul3A_50 = arith.constant 0 : i32
    %mul3A_51 = vector.broadcast %mul3A_50 : i32 to vector<16xi32>
    %mul3A_52 = arith.muli %iota3A, %mul3A_51 : vector<16xi32>
    %add3A_53 = arith.constant 5 : i32
    %add3A_54 = vector.broadcast %add3A_53 : i32 to vector<16xi32>
    %add3A_55 = arith.addi %mul3A_52, %add3A_54 : vector<16xi32>
    %mul3A_56 = arith.constant 0 : i32
    %mul3A_57 = vector.broadcast %mul3A_56 : i32 to vector<16xi32>
    %mul3A_58 = arith.muli %iota3A, %mul3A_57 : vector<16xi32>
    %add3A_59 = arith.constant 6 : i32
    %add3A_60 = vector.broadcast %add3A_59 : i32 to vector<16xi32>
    %add3A_61 = arith.addi %mul3A_58, %add3A_60 : vector<16xi32>
    %mul3A_62 = arith.constant 0 : i32
    %mul3A_63 = vector.broadcast %mul3A_62 : i32 to vector<16xi32>
    %mul3A_64 = arith.muli %iota3A, %mul3A_63 : vector<16xi32>
    %add3A_65 = arith.constant 7 : i32
    %add3A_66 = vector.broadcast %add3A_65 : i32 to vector<16xi32>
    %add3A_67 = arith.addi %mul3A_64, %add3A_66 : vector<16xi32>
    %scan3A_68 = arith.constant 0 : i32
    %scan3A_69 = arith.constant 0 : i32
    %scan3A_70 = arith.constant 80 : i32
    %scan3A_71 = arith.addi %scan3A_69, %scan3A_70 : i32
    %scan3A_72 = arith.constant 1 : i32
    %scan3A_73 = scf.for %scan3A_113 = %scan3A_69 to %scan3A_71 step %scan3A_72 iter_args(%scan3A_114 = %scan3A_68) -> (i32)  : i32 {
      %mul3A_115 = arith.constant 80 : i32
      %mul3A_116 = arith.muli %add3A, %mul3A_115 : i32
      %add3A_117 = arith.addi %mul3A_116, %scan3A_113 : i32
      %mul3A_118 = arith.constant 128 : i32
      %mul3A_119 = arith.muli %add3A_117, %mul3A_118 : i32
      "tpu.region"() ({
        %run_scoped3A = tpu.sem_alloc : memref<!tpu.dma_semaphore, #tpu.memory_space<semaphore_mem>>
        %dma_start3A_132 = tpu.memref_slice %arg4[%mul3A_119] : memref<327680xi32, #tpu.memory_space<hbm>> -> memref<128xi32, #tpu.memory_space<hbm>>
        %dma_start3A_133 = tpu.memref_slice %arg4[%mul3A_119] : memref<327680xi32, #tpu.memory_space<hbm>> -> memref<128xi32, #tpu.memory_space<hbm>>
        tpu.enqueue_dma source(%dma_start3A_133 : memref<128xi32, #tpu.memory_space<hbm>>) target(%arg7 : memref<128xi32, #tpu.memory_space<vmem>>) target_semaphore(%run_scoped3A : memref<!tpu.dma_semaphore, #tpu.memory_space<semaphore_mem>>)
        %dma_wait3A_134 = tpu.memref_slice %arg4[%mul3A_119] : memref<327680xi32, #tpu.memory_space<hbm>> -> memref<128xi32, #tpu.memory_space<hbm>>
        %dma_wait3A_135 = tpu.memref_slice %arg4[%mul3A_119] : memref<327680xi32, #tpu.memory_space<hbm>> -> memref<128xi32, #tpu.memory_space<hbm>>
        tpu.wait_dma2 semaphore(%run_scoped3A : memref<!tpu.dma_semaphore, #tpu.memory_space<semaphore_mem>>) src(%dma_wait3A_135 : memref<128xi32, #tpu.memory_space<hbm>>) dst(%arg7 : memref<128xi32, #tpu.memory_space<vmem>>)
        tpu.yield
      }) : () -> ()
      "tpu.region"() ({
        %run_scoped3A = tpu.sem_alloc : memref<!tpu.dma_semaphore, #tpu.memory_space<semaphore_mem>>
        %dma_start3A_132 = tpu.memref_slice %arg5[%mul3A_119] : memref<327680xi32, #tpu.memory_space<hbm>> -> memref<128xi32, #tpu.memory_space<hbm>>
        %dma_start3A_133 = tpu.memref_slice %arg5[%mul3A_119] : memref<327680xi32, #tpu.memory_space<hbm>> -> memref<128xi32, #tpu.memory_space<hbm>>
        tpu.enqueue_dma source(%dma_start3A_133 : memref<128xi32, #tpu.memory_space<hbm>>) target(%arg8 : memref<128xi32, #tpu.memory_space<vmem>>) target_semaphore(%run_scoped3A : memref<!tpu.dma_semaphore, #tpu.memory_space<semaphore_mem>>)
        %dma_wait3A_134 = tpu.memref_slice %arg5[%mul3A_119] : memref<327680xi32, #tpu.memory_space<hbm>> -> memref<128xi32, #tpu.memory_space<hbm>>
        %dma_wait3A_135 = tpu.memref_slice %arg5[%mul3A_119] : memref<327680xi32, #tpu.memory_space<hbm>> -> memref<128xi32, #tpu.memory_space<hbm>>
        tpu.wait_dma2 semaphore(%run_scoped3A : memref<!tpu.dma_semaphore, #tpu.memory_space<semaphore_mem>>) src(%dma_wait3A_135 : memref<128xi32, #tpu.memory_space<hbm>>) dst(%arg8 : memref<128xi32, #tpu.memory_space<vmem>>)
        tpu.yield
      }) : () -> ()
      %dma_start3A = arith.constant 0 : i32
      %dma_start3A_120 = arith.constant 0 : i32
      %dma_start3A_121 = tpu.memref_slice %arg2[%dma_start3A, %dma_start3A_120] : memref<10000x128xf32, #tpu.memory_space<hbm>> -> memref<10000x128xf32, #tpu.memory_space<hbm>>
      tpu.enqueue_indirect_dma source(%dma_start3A_121 : memref<10000x128xf32, #tpu.memory_space<hbm>>) target(%arg9 : memref<128x128xf32, #tpu.memory_space<vmem>>) offsets(%arg7 : memref<128xi32, #tpu.memory_space<vmem>>) semaphore(%arg12 : memref<!tpu.dma_semaphore, #tpu.memory_space<semaphore_mem>>)
      %dma_wait3A = arith.constant 0 : i32
      %dma_wait3A_122 = arith.constant 0 : i32
      %dma_wait3A_123 = tpu.memref_slice %arg2[%dma_wait3A, %dma_wait3A_122] : memref<10000x128xf32, #tpu.memory_space<hbm>> -> memref<10000x128xf32, #tpu.memory_space<hbm>>
      tpu.wait_indirect_dma semaphore(%arg12 : memref<!tpu.dma_semaphore, #tpu.memory_space<semaphore_mem>>) src(%dma_wait3A_123 : memref<10000x128xf32, #tpu.memory_space<hbm>>) dst(%arg9 : memref<128x128xf32, #tpu.memory_space<vmem>>)
      "tpu.region"() ({
        %run_scoped3A = tpu.sem_alloc : memref<!tpu.dma_semaphore, #tpu.memory_space<semaphore_mem>>
        %dma_start3A_132 = arith.constant 0 : i32
        %dma_start3A_133 = tpu.memref_slice %arg3[%mul3A_119, %dma_start3A_132] : memref<327680x16xf32, #tpu.memory_space<hbm>> -> memref<128x16xf32, #tpu.memory_space<hbm>>
        %dma_start3A_134 = arith.constant 0 : i32
        %dma_start3A_135 = tpu.memref_slice %arg3[%mul3A_119, %dma_start3A_134] : memref<327680x16xf32, #tpu.memory_space<hbm>> -> memref<128x16xf32, #tpu.memory_space<hbm>>
        tpu.enqueue_dma source(%dma_start3A_135 : memref<128x16xf32, #tpu.memory_space<hbm>>) target(%arg10 : memref<128x16xf32, #tpu.memory_space<vmem>>) target_semaphore(%run_scoped3A : memref<!tpu.dma_semaphore, #tpu.memory_space<semaphore_mem>>)
        %dma_wait3A_136 = arith.constant 0 : i32
        %dma_wait3A_137 = tpu.memref_slice %arg3[%mul3A_119, %dma_wait3A_136] : memref<327680x16xf32, #tpu.memory_space<hbm>> -> memref<128x16xf32, #tpu.memory_space<hbm>>
        %dma_wait3A_138 = arith.constant 0 : i32
        %dma_wait3A_139 = tpu.memref_slice %arg3[%mul3A_119, %dma_wait3A_138] : memref<327680x16xf32, #tpu.memory_space<hbm>> -> memref<128x16xf32, #tpu.memory_space<hbm>>
        tpu.wait_dma2 semaphore(%run_scoped3A : memref<!tpu.dma_semaphore, #tpu.memory_space<semaphore_mem>>) src(%dma_wait3A_139 : memref<128x16xf32, #tpu.memory_space<hbm>>) dst(%arg10 : memref<128x16xf32, #tpu.memory_space<vmem>>)
        tpu.yield
      }) : () -> ()
      %scan3A_124 = arith.constant 0 : i32
      %scan3A_125 = arith.constant 0 : i32
      %scan3A_126 = arith.constant 128 : i32
      %scan3A_127 = arith.addi %scan3A_125, %scan3A_126 : i32
      %scan3A_128 = arith.constant 1 : i32
      %scan3A_129 = scf.for %scan3A_132 = %scan3A_125 to %scan3A_127 step %scan3A_128 iter_args(%scan3A_133 = %scan3A_124) -> (i32)  : i32 {
        %get3A = arith.index_cast %scan3A_132 : i32 to index
        %get3A_134 = arith.constant 0 : index
        %get3A_135 = tpu.vector_load %arg10[%get3A, %get3A_134] {strides = array<i32>} : memref<128x16xf32, #tpu.memory_space<vmem>>, vector<1x16xf32>,
        %get3A_136 = vector.shape_cast %get3A_135 : vector<1x16xf32> to vector<16xf32>
        %lt3A = arith.constant 0 : i32
        %lt3A_137 = vector.broadcast %lt3A : i32 to vector<16xi32>
        %lt3A_138 = arith.cmpi slt, %add3A_25, %lt3A_137 : vector<16xi32>
        %add3A_139 = arith.constant 16 : i32
        %add3A_140 = vector.broadcast %add3A_139 : i32 to vector<16xi32>
        %add3A_141 = arith.addi %add3A_25, %add3A_140 : vector<16xi32>
        %select_n3A = arith.select %lt3A_138, %add3A_141, %add3A_25 : vector<16xi1>, vector<16xi32>
        %broadcast_in_dim3A_142 = vector.shape_cast %select_n3A : vector<16xi32> to vector<16x1xi32>
        %gather3A = vector.shape_cast %broadcast_in_dim3A_142 : vector<16x1xi32> to vector<16xi32>
        %gather3A_143 = tpu.dynamic_gather %get3A_136[%gather3A] in [0] : vector<16xf32>, vector<16xi32> -> vector<16xf32>
        %get3A_144 = arith.index_cast %scan3A_132 : i32 to index
        %get3A_145 = arith.constant 0 : index
        %get3A_146 = tpu.vector_load %arg9[%get3A_144, %get3A_145] {strides = array<i32>} : memref<128x128xf32, #tpu.memory_space<vmem>>, vector<1x16xf32>,
        %get3A_147 = vector.shape_cast %get3A_146 : vector<1x16xf32> to vector<16xf32>
        %mul3A_148 = arith.mulf %get3A_147, %gather3A_143 : vector<16xf32>
        %swap3A = arith.index_cast %scan3A_132 : i32 to index
        %swap3A_149 = arith.constant 0 : index
        %swap3A_150 = tpu.vector_load %arg9[%swap3A, %swap3A_149] {strides = array<i32>} : memref<128x128xf32, #tpu.memory_space<vmem>>, vector<1x16xf32>,
        %swap3A_151 = vector.shape_cast %swap3A_150 : vector<1x16xf32> to vector<16xf32>
        %swap3A_152 = vector.shape_cast %mul3A_148 : vector<16xf32> to vector<1x16xf32>
        tpu.vector_store %arg9[%swap3A, %swap3A_149], %swap3A_152 {strides = array<i32>} : memref<128x128xf32, #tpu.memory_space<vmem>>, vector<1x16xf32>,
        %lt3A_153 = arith.constant 0 : i32
        %lt3A_154 = vector.broadcast %lt3A_153 : i32 to vector<16xi32>
        %lt3A_155 = arith.cmpi slt, %add3A_31, %lt3A_154 : vector<16xi32>
        %add3A_156 = arith.constant 16 : i32
        %add3A_157 = vector.broadcast %add3A_156 : i32 to vector<16xi32>
        %add3A_158 = arith.addi %add3A_31, %add3A_157 : vector<16xi32>
        %select_n3A_159 = arith.select %lt3A_155, %add3A_158, %add3A_31 : vector<16xi1>, vector<16xi32>
        %broadcast_in_dim3A_160 = vector.shape_cast %select_n3A_159 : vector<16xi32> to vector<16x1xi32>
        %gather3A_161 = vector.shape_cast %broadcast_in_dim3A_160 : vector<16x1xi32> to vector<16xi32>
        %gather3A_162 = tpu.dynamic_gather %get3A_136[%gather3A_161] in [0] : vector<16xf32>, vector<16xi32> -> vector<16xf32>
        %get3A_163 = arith.index_cast %scan3A_132 : i32 to index
        %get3A_164 = arith.constant 16 : index
        %get3A_165 = tpu.vector_load %arg9[%get3A_163, %get3A_164] {strides = array<i32>} : memref<128x128xf32, #tpu.memory_space<vmem>>, vector<1x16xf32>,
        %get3A_166 = vector.shape_cast %get3A_165 : vector<1x16xf32> to vector<16xf32>
        %mul3A_167 = arith.mulf %get3A_166, %gather3A_162 : vector<16xf32>
        %swap3A_168 = arith.index_cast %scan3A_132 : i32 to index
        %swap3A_169 = arith.constant 16 : index
        %swap3A_170 = tpu.vector_load %arg9[%swap3A_168, %swap3A_169] {strides = array<i32>} : memref<128x128xf32, #tpu.memory_space<vmem>>, vector<1x16xf32>,
        %swap3A_171 = vector.shape_cast %swap3A_170 : vector<1x16xf32> to vector<16xf32>
        %swap3A_172 = vector.shape_cast %mul3A_167 : vector<16xf32> to vector<1x16xf32>
        tpu.vector_store %arg9[%swap3A_168, %swap3A_169], %swap3A_172 {strides = array<i32>} : memref<128x128xf32, #tpu.memory_space<vmem>>, vector<1x16xf32>,
        %lt3A_173 = arith.constant 0 : i32
        %lt3A_174 = vector.broadcast %lt3A_173 : i32 to vector<16xi32>
        %lt3A_175 = arith.cmpi slt, %add3A_37, %lt3A_174 : vector<16xi32>
        %add3A_176 = arith.constant 16 : i32
        %add3A_177 = vector.broadcast %add3A_176 : i32 to vector<16xi32>
        %add3A_178 = arith.addi %add3A_37, %add3A_177 : vector<16xi32>
        %select_n3A_179 = arith.select %lt3A_175, %add3A_178, %add3A_37 : vector<16xi1>, vector<16xi32>
        %broadcast_in_dim3A_180 = vector.shape_cast %select_n3A_179 : vector<16xi32> to vector<16x1xi32>
        %gather3A_181 = vector.shape_cast %broadcast_in_dim3A_180 : vector<16x1xi32> to vector<16xi32>
        %gather3A_182 = tpu.dynamic_gather %get3A_136[%gather3A_181] in [0] : vector<16xf32>, vector<16xi32> -> vector<16xf32>
        %get3A_183 = arith.index_cast %scan3A_132 : i32 to index
        %get3A_184 = arith.constant 32 : index
        %get3A_185 = tpu.vector_load %arg9[%get3A_183, %get3A_184] {strides = array<i32>} : memref<128x128xf32, #tpu.memory_space<vmem>>, vector<1x16xf32>,
        %get3A_186 = vector.shape_cast %get3A_185 : vector<1x16xf32> to vector<16xf32>
        %mul3A_187 = arith.mulf %get3A_186, %gather3A_182 : vector<16xf32>
        %swap3A_188 = arith.index_cast %scan3A_132 : i32 to index
        %swap3A_189 = arith.constant 32 : index
        %swap3A_190 = tpu.vector_load %arg9[%swap3A_188, %swap3A_189] {strides = array<i32>} : memref<128x128xf32, #tpu.memory_space<vmem>>, vector<1x16xf32>,
        %swap3A_191 = vector.shape_cast %swap3A_190 : vector<1x16xf32> to vector<16xf32>
        %swap3A_192 = vector.shape_cast %mul3A_187 : vector<16xf32> to vector<1x16xf32>
        tpu.vector_store %arg9[%swap3A_188, %swap3A_189], %swap3A_192 {strides = array<i32>} : memref<128x128xf32, #tpu.memory_space<vmem>>, vector<1x16xf32>,
        %lt3A_193 = arith.constant 0 : i32
        %lt3A_194 = vector.broadcast %lt3A_193 : i32 to vector<16xi32>
        %lt3A_195 = arith.cmpi slt, %add3A_43, %lt3A_194 : vector<16xi32>
        %add3A_196 = arith.constant 16 : i32
        %add3A_197 = vector.broadcast %add3A_196 : i32 to vector<16xi32>
        %add3A_198 = arith.addi %add3A_43, %add3A_197 : vector<16xi32>
        %select_n3A_199 = arith.select %lt3A_195, %add3A_198, %add3A_43 : vector<16xi1>, vector<16xi32>
        %broadcast_in_dim3A_200 = vector.shape_cast %select_n3A_199 : vector<16xi32> to vector<16x1xi32>
        %gather3A_201 = vector.shape_cast %broadcast_in_dim3A_200 : vector<16x1xi32> to vector<16xi32>
        %gather3A_202 = tpu.dynamic_gather %get3A_136[%gather3A_201] in [0] : vector<16xf32>, vector<16xi32> -> vector<16xf32>
        %get3A_203 = arith.index_cast %scan3A_132 : i32 to index
        %get3A_204 = arith.constant 48 : index
        %get3A_205 = tpu.vector_load %arg9[%get3A_203, %get3A_204] {strides = array<i32>} : memref<128x128xf32, #tpu.memory_space<vmem>>, vector<1x16xf32>,
        %get3A_206 = vector.shape_cast %get3A_205 : vector<1x16xf32> to vector<16xf32>
        %mul3A_207 = arith.mulf %get3A_206, %gather3A_202 : vector<16xf32>
        %swap3A_208 = arith.index_cast %scan3A_132 : i32 to index
        %swap3A_209 = arith.constant 48 : index
        %swap3A_210 = tpu.vector_load %arg9[%swap3A_208, %swap3A_209] {strides = array<i32>} : memref<128x128xf32, #tpu.memory_space<vmem>>, vector<1x16xf32>,
        %swap3A_211 = vector.shape_cast %swap3A_210 : vector<1x16xf32> to vector<16xf32>
        %swap3A_212 = vector.shape_cast %mul3A_207 : vector<16xf32> to vector<1x16xf32>
        tpu.vector_store %arg9[%swap3A_208, %swap3A_209], %swap3A_212 {strides = array<i32>} : memref<128x128xf32, #tpu.memory_space<vmem>>, vector<1x16xf32>,
        %lt3A_213 = arith.constant 0 : i32
        %lt3A_214 = vector.broadcast %lt3A_213 : i32 to vector<16xi32>
        %lt3A_215 = arith.cmpi slt, %add3A_49, %lt3A_214 : vector<16xi32>
        %add3A_216 = arith.constant 16 : i32
        %add3A_217 = vector.broadcast %add3A_216 : i32 to vector<16xi32>
        %add3A_218 = arith.addi %add3A_49, %add3A_217 : vector<16xi32>
        %select_n3A_219 = arith.select %lt3A_215, %add3A_218, %add3A_49 : vector<16xi1>, vector<16xi32>
        %broadcast_in_dim3A_220 = vector.shape_cast %select_n3A_219 : vector<16xi32> to vector<16x1xi32>
        %gather3A_221 = vector.shape_cast %broadcast_in_dim3A_220 : vector<16x1xi32> to vector<16xi32>
        %gather3A_222 = tpu.dynamic_gather %get3A_136[%gather3A_221] in [0] : vector<16xf32>, vector<16xi32> -> vector<16xf32>
        %get3A_223 = arith.index_cast %scan3A_132 : i32 to index
        %get3A_224 = arith.constant 64 : index
        %get3A_225 = tpu.vector_load %arg9[%get3A_223, %get3A_224] {strides = array<i32>} : memref<128x128xf32, #tpu.memory_space<vmem>>, vector<1x16xf32>,
        %get3A_226 = vector.shape_cast %get3A_225 : vector<1x16xf32> to vector<16xf32>
        %mul3A_227 = arith.mulf %get3A_226, %gather3A_222 : vector<16xf32>
        %swap3A_228 = arith.index_cast %scan3A_132 : i32 to index
        %swap3A_229 = arith.constant 64 : index
        %swap3A_230 = tpu.vector_load %arg9[%swap3A_228, %swap3A_229] {strides = array<i32>} : memref<128x128xf32, #tpu.memory_space<vmem>>, vector<1x16xf32>,
        %swap3A_231 = vector.shape_cast %swap3A_230 : vector<1x16xf32> to vector<16xf32>
        %swap3A_232 = vector.shape_cast %mul3A_227 : vector<16xf32> to vector<1x16xf32>
        tpu.vector_store %arg9[%swap3A_228, %swap3A_229], %swap3A_232 {strides = array<i32>} : memref<128x128xf32, #tpu.memory_space<vmem>>, vector<1x16xf32>,
        %lt3A_233 = arith.constant 0 : i32
        %lt3A_234 = vector.broadcast %lt3A_233 : i32 to vector<16xi32>
        %lt3A_235 = arith.cmpi slt, %add3A_55, %lt3A_234 : vector<16xi32>
        %add3A_236 = arith.constant 16 : i32
        %add3A_237 = vector.broadcast %add3A_236 : i32 to vector<16xi32>
        %add3A_238 = arith.addi %add3A_55, %add3A_237 : vector<16xi32>
        %select_n3A_239 = arith.select %lt3A_235, %add3A_238, %add3A_55 : vector<16xi1>, vector<16xi32>
        %broadcast_in_dim3A_240 = vector.shape_cast %select_n3A_239 : vector<16xi32> to vector<16x1xi32>
        %gather3A_241 = vector.shape_cast %broadcast_in_dim3A_240 : vector<16x1xi32> to vector<16xi32>
        %gather3A_242 = tpu.dynamic_gather %get3A_136[%gather3A_241] in [0] : vector<16xf32>, vector<16xi32> -> vector<16xf32>
        %get3A_243 = arith.index_cast %scan3A_132 : i32 to index
        %get3A_244 = arith.constant 80 : index
        %get3A_245 = tpu.vector_load %arg9[%get3A_243, %get3A_244] {strides = array<i32>} : memref<128x128xf32, #tpu.memory_space<vmem>>, vector<1x16xf32>,
        %get3A_246 = vector.shape_cast %get3A_245 : vector<1x16xf32> to vector<16xf32>
        %mul3A_247 = arith.mulf %get3A_246, %gather3A_242 : vector<16xf32>
        %swap3A_248 = arith.index_cast %scan3A_132 : i32 to index
        %swap3A_249 = arith.constant 80 : index
        %swap3A_250 = tpu.vector_load %arg9[%swap3A_248, %swap3A_249] {strides = array<i32>} : memref<128x128xf32, #tpu.memory_space<vmem>>, vector<1x16xf32>,
        %swap3A_251 = vector.shape_cast %swap3A_250 : vector<1x16xf32> to vector<16xf32>
        %swap3A_252 = vector.shape_cast %mul3A_247 : vector<16xf32> to vector<1x16xf32>
        tpu.vector_store %arg9[%swap3A_248, %swap3A_249], %swap3A_252 {strides = array<i32>} : memref<128x128xf32, #tpu.memory_space<vmem>>, vector<1x16xf32>,
        %lt3A_253 = arith.constant 0 : i32
        %lt3A_254 = vector.broadcast %lt3A_253 : i32 to vector<16xi32>
        %lt3A_255 = arith.cmpi slt, %add3A_61, %lt3A_254 : vector<16xi32>
        %add3A_256 = arith.constant 16 : i32
        %add3A_257 = vector.broadcast %add3A_256 : i32 to vector<16xi32>
        %add3A_258 = arith.addi %add3A_61, %add3A_257 : vector<16xi32>
        %select_n3A_259 = arith.select %lt3A_255, %add3A_258, %add3A_61 : vector<16xi1>, vector<16xi32>
        %broadcast_in_dim3A_260 = vector.shape_cast %select_n3A_259 : vector<16xi32> to vector<16x1xi32>
        %gather3A_261 = vector.shape_cast %broadcast_in_dim3A_260 : vector<16x1xi32> to vector<16xi32>
        %gather3A_262 = tpu.dynamic_gather %get3A_136[%gather3A_261] in [0] : vector<16xf32>, vector<16xi32> -> vector<16xf32>
        %get3A_263 = arith.index_cast %scan3A_132 : i32 to index
        %get3A_264 = arith.constant 96 : index
        %get3A_265 = tpu.vector_load %arg9[%get3A_263, %get3A_264] {strides = array<i32>} : memref<128x128xf32, #tpu.memory_space<vmem>>, vector<1x16xf32>,
        %get3A_266 = vector.shape_cast %get3A_265 : vector<1x16xf32> to vector<16xf32>
        %mul3A_267 = arith.mulf %get3A_266, %gather3A_262 : vector<16xf32>
        %swap3A_268 = arith.index_cast %scan3A_132 : i32 to index
        %swap3A_269 = arith.constant 96 : index
        %swap3A_270 = tpu.vector_load %arg9[%swap3A_268, %swap3A_269] {strides = array<i32>} : memref<128x128xf32, #tpu.memory_space<vmem>>, vector<1x16xf32>,
        %swap3A_271 = vector.shape_cast %swap3A_270 : vector<1x16xf32> to vector<16xf32>
        %swap3A_272 = vector.shape_cast %mul3A_267 : vector<16xf32> to vector<1x16xf32>
        tpu.vector_store %arg9[%swap3A_268, %swap3A_269], %swap3A_272 {strides = array<i32>} : memref<128x128xf32, #tpu.memory_space<vmem>>, vector<1x16xf32>,
        %lt3A_273 = arith.constant 0 : i32
        %lt3A_274 = vector.broadcast %lt3A_273 : i32 to vector<16xi32>
        %lt3A_275 = arith.cmpi slt, %add3A_67, %lt3A_274 : vector<16xi32>
        %add3A_276 = arith.constant 16 : i32
        %add3A_277 = vector.broadcast %add3A_276 : i32 to vector<16xi32>
        %add3A_278 = arith.addi %add3A_67, %add3A_277 : vector<16xi32>
        %select_n3A_279 = arith.select %lt3A_275, %add3A_278, %add3A_67 : vector<16xi1>, vector<16xi32>
        %broadcast_in_dim3A_280 = vector.shape_cast %select_n3A_279 : vector<16xi32> to vector<16x1xi32>
        %gather3A_281 = vector.shape_cast %broadcast_in_dim3A_280 : vector<16x1xi32> to vector<16xi32>
        %gather3A_282 = tpu.dynamic_gather %get3A_136[%gather3A_281] in [0] : vector<16xf32>, vector<16xi32> -> vector<16xf32>
        %get3A_283 = arith.index_cast %scan3A_132 : i32 to index
        %get3A_284 = arith.constant 112 : index
        %get3A_285 = tpu.vector_load %arg9[%get3A_283, %get3A_284] {strides = array<i32>} : memref<128x128xf32, #tpu.memory_space<vmem>>, vector<1x16xf32>,
        %get3A_286 = vector.shape_cast %get3A_285 : vector<1x16xf32> to vector<16xf32>
        %mul3A_287 = arith.mulf %get3A_286, %gather3A_282 : vector<16xf32>
        %swap3A_288 = arith.index_cast %scan3A_132 : i32 to index
        %swap3A_289 = arith.constant 112 : index
        %swap3A_290 = tpu.vector_load %arg9[%swap3A_288, %swap3A_289] {strides = array<i32>} : memref<128x128xf32, #tpu.memory_space<vmem>>, vector<1x16xf32>,
        %swap3A_291 = vector.shape_cast %swap3A_290 : vector<1x16xf32> to vector<16xf32>
        %swap3A_292 = vector.shape_cast %mul3A_287 : vector<16xf32> to vector<1x16xf32>
        tpu.vector_store %arg9[%swap3A_288, %swap3A_289], %swap3A_292 {strides = array<i32>} : memref<128x128xf32, #tpu.memory_space<vmem>>, vector<1x16xf32>,
        %scan3A_293 = arith.constant 0 : i32
        scf.yield %scan3A_293 : i32
      }
      %scan3A_130 = arith.constant 128 : i32
      "tpu.region"() ({
        %run_scoped3A = tpu.sem_alloc : memref<!tpu.dma_semaphore, #tpu.memory_space<semaphore_mem>>
        %dma_start3A_132 = arith.constant 0 : i32
        %dma_start3A_133 = arith.constant 0 : i32
        %dma_start3A_134 = tpu.memref_slice %arg11[%dma_start3A_132, %dma_start3A_133] : memref<10112x128xf32, #tpu.memory_space<vmem_shared>> -> memref<10112x128xf32, #tpu.memory_space<vmem_shared>>
        tpu.enqueue_indirect_dma source(%arg9 : memref<128x128xf32, #tpu.memory_space<vmem>>) target(%dma_start3A_134 : memref<10112x128xf32, #tpu.memory_space<vmem_shared>>) offsets(%arg8 : memref<128xi32, #tpu.memory_space<vmem>>) semaphore(%run_scoped3A : memref<!tpu.dma_semaphore, #tpu.memory_space<semaphore_mem>>) {add = true}
        %dma_wait3A_135 = arith.constant 0 : i32
        %dma_wait3A_136 = arith.constant 0 : i32
        %dma_wait3A_137 = tpu.memref_slice %arg11[%dma_wait3A_135, %dma_wait3A_136] : memref<10112x128xf32, #tpu.memory_space<vmem_shared>> -> memref<10112x128xf32, #tpu.memory_space<vmem_shared>>
        tpu.wait_indirect_dma semaphore(%run_scoped3A : memref<!tpu.dma_semaphore, #tpu.memory_space<semaphore_mem>>) src(%arg9 : memref<128x128xf32, #tpu.memory_space<vmem>>) dst(%dma_wait3A_137 : memref<10112x128xf32, #tpu.memory_space<vmem_shared>>)
        tpu.yield
      }) : () -> ()
      %scan3A_131 = arith.constant 0 : i32
      scf.yield %scan3A_131 : i32
    }
    %scan3A_74 = arith.constant 80 : i32
    %barrier3A_75 = arith.constant 0 : index
    tpu.barrier barrier_id(%barrier3A_75)
    %mul3A_76 = arith.constant 632 : i32
    %mul3A_77 = arith.muli %arg1, %mul3A_76 : i32
    %add3A_78 = arith.constant 0 : i32
    %add3A_79 = arith.addi %mul3A_77, %add3A_78 : i32
    %mul3A_80 = arith.constant 10112 : i32
    %mul3A_81 = arith.muli %arg0, %mul3A_80 : i32
    %add3A_82 = arith.addi %mul3A_81, %mul3A_77 : i32
    %add3A_83 = arith.constant 0 : i32
    %add3A_84 = arith.addi %add3A_82, %add3A_83 : i32
    "tpu.region"() ({
      %run_scoped3A = tpu.sem_alloc : memref<!tpu.dma_semaphore, #tpu.memory_space<semaphore_mem>>
      %dma_start3A = arith.constant 0 : i32
      %dma_start3A_113 = tpu.memref_slice %arg6[%add3A_84, %dma_start3A] : memref<20224x128xf32, #tpu.memory_space<hbm>> -> memref<128x128xf32, #tpu.memory_space<hbm>>
      %dma_start3A_114 = arith.constant 0 : i32
      %dma_start3A_115 = tpu.memref_slice %arg11[%add3A_79, %dma_start3A_114] : memref<10112x128xf32, #tpu.memory_space<vmem_shared>> -> memref<128x128xf32, #tpu.memory_space<vmem_shared>>
      tpu.enqueue_dma source(%dma_start3A_115 : memref<128x128xf32, #tpu.memory_space<vmem_shared>>) target(%dma_start3A_113 : memref<128x128xf32, #tpu.memory_space<hbm>>) target_semaphore(%run_scoped3A : memref<!tpu.dma_semaphore, #tpu.memory_space<semaphore_mem>>)
      %dma_wait3A = arith.constant 0 : i32
      %dma_wait3A_116 = tpu.memref_slice %arg6[%add3A_84, %dma_wait3A] : memref<20224x128xf32, #tpu.memory_space<hbm>> -> memref<128x128xf32, #tpu.memory_space<hbm>>
      %dma_wait3A_117 = arith.constant 0 : i32
      %dma_wait3A_118 = tpu.memref_slice %arg11[%add3A_79, %dma_wait3A_117] : memref<10112x128xf32, #tpu.memory_space<vmem_shared>> -> memref<128x128xf32, #tpu.memory_space<vmem_shared>>
      tpu.wait_dma2 semaphore(%run_scoped3A : memref<!tpu.dma_semaphore, #tpu.memory_space<semaphore_mem>>) src(%dma_wait3A_118 : memref<128x128xf32, #tpu.memory_space<vmem_shared>>) dst(%dma_wait3A_116 : memref<128x128xf32, #tpu.memory_space<hbm>>)
      tpu.yield
    }) : () -> ()
    %add3A_85 = arith.constant 128 : i32
    %add3A_86 = arith.addi %mul3A_77, %add3A_85 : i32
    %mul3A_87 = arith.constant 10112 : i32
    %mul3A_88 = arith.muli %arg0, %mul3A_87 : i32
    %add3A_89 = arith.addi %mul3A_88, %mul3A_77 : i32
    %add3A_90 = arith.constant 128 : i32
    %add3A_91 = arith.addi %add3A_89, %add3A_90 : i32
    "tpu.region"() ({
      %run_scoped3A = tpu.sem_alloc : memref<!tpu.dma_semaphore, #tpu.memory_space<semaphore_mem>>
      %dma_start3A = arith.constant 0 : i32
      %dma_start3A_113 = tpu.memref_slice %arg6[%add3A_91, %dma_start3A] : memref<20224x128xf32, #tpu.memory_space<hbm>> -> memref<128x128xf32, #tpu.memory_space<hbm>>
      %dma_start3A_114 = arith.constant 0 : i32
      %dma_start3A_115 = tpu.memref_slice %arg11[%add3A_86, %dma_start3A_114] : memref<10112x128xf32, #tpu.memory_space<vmem_shared>> -> memref<128x128xf32, #tpu.memory_space<vmem_shared>>
      tpu.enqueue_dma source(%dma_start3A_115 : memref<128x128xf32, #tpu.memory_space<vmem_shared>>) target(%dma_start3A_113 : memref<128x128xf32, #tpu.memory_space<hbm>>) target_semaphore(%run_scoped3A : memref<!tpu.dma_semaphore, #tpu.memory_space<semaphore_mem>>)
      %dma_wait3A = arith.constant 0 : i32
      %dma_wait3A_116 = tpu.memref_slice %arg6[%add3A_91, %dma_wait3A] : memref<20224x128xf32, #tpu.memory_space<hbm>> -> memref<128x128xf32, #tpu.memory_space<hbm>>
      %dma_wait3A_117 = arith.constant 0 : i32
      %dma_wait3A_118 = tpu.memref_slice %arg11[%add3A_86, %dma_wait3A_117] : memref<10112x128xf32, #tpu.memory_space<vmem_shared>> -> memref<128x128xf32, #tpu.memory_space<vmem_shared>>
      tpu.wait_dma2 semaphore(%run_scoped3A : memref<!tpu.dma_semaphore, #tpu.memory_space<semaphore_mem>>) src(%dma_wait3A_118 : memref<128x128xf32, #tpu.memory_space<vmem_shared>>) dst(%dma_wait3A_116 : memref<128x128xf32, #tpu.memory_space<hbm>>)
      tpu.yield
    }) : () -> ()
    %add3A_92 = arith.constant 256 : i32
    %add3A_93 = arith.addi %mul3A_77, %add3A_92 : i32
    %mul3A_94 = arith.constant 10112 : i32
    %mul3A_95 = arith.muli %arg0, %mul3A_94 : i32
    %add3A_96 = arith.addi %mul3A_95, %mul3A_77 : i32
    %add3A_97 = arith.constant 256 : i32
    %add3A_98 = arith.addi %add3A_96, %add3A_97 : i32
    "tpu.region"() ({
      %run_scoped3A = tpu.sem_alloc : memref<!tpu.dma_semaphore, #tpu.memory_space<semaphore_mem>>
      %dma_start3A = arith.constant 0 : i32
      %dma_start3A_113 = tpu.memref_slice %arg6[%add3A_98, %dma_start3A] : memref<20224x128xf32, #tpu.memory_space<hbm>> -> memref<128x128xf32, #tpu.memory_space<hbm>>
      %dma_start3A_114 = arith.constant 0 : i32
      %dma_start3A_115 = tpu.memref_slice %arg11[%add3A_93, %dma_start3A_114] : memref<10112x128xf32, #tpu.memory_space<vmem_shared>> -> memref<128x128xf32, #tpu.memory_space<vmem_shared>>
      tpu.enqueue_dma source(%dma_start3A_115 : memref<128x128xf32, #tpu.memory_space<vmem_shared>>) target(%dma_start3A_113 : memref<128x128xf32, #tpu.memory_space<hbm>>) target_semaphore(%run_scoped3A : memref<!tpu.dma_semaphore, #tpu.memory_space<semaphore_mem>>)
      %dma_wait3A = arith.constant 0 : i32
      %dma_wait3A_116 = tpu.memref_slice %arg6[%add3A_98, %dma_wait3A] : memref<20224x128xf32, #tpu.memory_space<hbm>> -> memref<128x128xf32, #tpu.memory_space<hbm>>
      %dma_wait3A_117 = arith.constant 0 : i32
      %dma_wait3A_118 = tpu.memref_slice %arg11[%add3A_93, %dma_wait3A_117] : memref<10112x128xf32, #tpu.memory_space<vmem_shared>> -> memref<128x128xf32, #tpu.memory_space<vmem_shared>>
      tpu.wait_dma2 semaphore(%run_scoped3A : memref<!tpu.dma_semaphore, #tpu.memory_space<semaphore_mem>>) src(%dma_wait3A_118 : memref<128x128xf32, #tpu.memory_space<vmem_shared>>) dst(%dma_wait3A_116 : memref<128x128xf32, #tpu.memory_space<hbm>>)
      tpu.yield
    }) : () -> ()
    %add3A_99 = arith.constant 384 : i32
    %add3A_100 = arith.addi %mul3A_77, %add3A_99 : i32
    %mul3A_101 = arith.constant 10112 : i32
    %mul3A_102 = arith.muli %arg0, %mul3A_101 : i32
    %add3A_103 = arith.addi %mul3A_102, %mul3A_77 : i32
    %add3A_104 = arith.constant 384 : i32
    %add3A_105 = arith.addi %add3A_103, %add3A_104 : i32
    "tpu.region"() ({
      %run_scoped3A = tpu.sem_alloc : memref<!tpu.dma_semaphore, #tpu.memory_space<semaphore_mem>>
      %dma_start3A = arith.constant 0 : i32
      %dma_start3A_113 = tpu.memref_slice %arg6[%add3A_105, %dma_start3A] : memref<20224x128xf32, #tpu.memory_space<hbm>> -> memref<128x128xf32, #tpu.memory_space<hbm>>
      %dma_start3A_114 = arith.constant 0 : i32
      %dma_start3A_115 = tpu.memref_slice %arg11[%add3A_100, %dma_start3A_114] : memref<10112x128xf32, #tpu.memory_space<vmem_shared>> -> memref<128x128xf32, #tpu.memory_space<vmem_shared>>
      tpu.enqueue_dma source(%dma_start3A_115 : memref<128x128xf32, #tpu.memory_space<vmem_shared>>) target(%dma_start3A_113 : memref<128x128xf32, #tpu.memory_space<hbm>>) target_semaphore(%run_scoped3A : memref<!tpu.dma_semaphore, #tpu.memory_space<semaphore_mem>>)
      %dma_wait3A = arith.constant 0 : i32
      %dma_wait3A_116 = tpu.memref_slice %arg6[%add3A_105, %dma_wait3A] : memref<20224x128xf32, #tpu.memory_space<hbm>> -> memref<128x128xf32, #tpu.memory_space<hbm>>
      %dma_wait3A_117 = arith.constant 0 : i32
      %dma_wait3A_118 = tpu.memref_slice %arg11[%add3A_100, %dma_wait3A_117] : memref<10112x128xf32, #tpu.memory_space<vmem_shared>> -> memref<128x128xf32, #tpu.memory_space<vmem_shared>>
      tpu.wait_dma2 semaphore(%run_scoped3A : memref<!tpu.dma_semaphore, #tpu.memory_space<semaphore_mem>>) src(%dma_wait3A_118 : memref<128x128xf32, #tpu.memory_space<vmem_shared>>) dst(%dma_wait3A_116 : memref<128x128xf32, #tpu.memory_space<hbm>>)
      tpu.yield
    }) : () -> ()
    %add3A_106 = arith.constant 512 : i32
    %add3A_107 = arith.addi %mul3A_77, %add3A_106 : i32
    %mul3A_108 = arith.constant 10112 : i32
    %mul3A_109 = arith.muli %arg0, %mul3A_108 : i32
    %add3A_110 = arith.addi %mul3A_109, %mul3A_77 : i32
    %add3A_111 = arith.constant 512 : i32
    %add3A_112 = arith.addi %add3A_110, %add3A_111 : i32
    "tpu.region"() ({
      %run_scoped3A = tpu.sem_alloc : memref<!tpu.dma_semaphore, #tpu.memory_space<semaphore_mem>>
      %dma_start3A = arith.constant 0 : i32
      %dma_start3A_113 = tpu.memref_slice %arg6[%add3A_112, %dma_start3A] : memref<20224x128xf32, #tpu.memory_space<hbm>> -> memref<120x128xf32, #tpu.memory_space<hbm>>
      %dma_start3A_114 = arith.constant 0 : i32
      %dma_start3A_115 = tpu.memref_slice %arg11[%add3A_107, %dma_start3A_114] : memref<10112x128xf32, #tpu.memory_space<vmem_shared>> -> memref<120x128xf32, #tpu.memory_space<vmem_shared>>
      tpu.enqueue_dma source(%dma_start3A_115 : memref<120x128xf32, #tpu.memory_space<vmem_shared>>) target(%dma_start3A_113 : memref<120x128xf32, #tpu.memory_space<hbm>>) target_semaphore(%run_scoped3A : memref<!tpu.dma_semaphore, #tpu.memory_space<semaphore_mem>>)
      %dma_wait3A = arith.constant 0 : i32
      %dma_wait3A_116 = tpu.memref_slice %arg6[%add3A_112, %dma_wait3A] : memref<20224x128xf32, #tpu.memory_space<hbm>> -> memref<120x128xf32, #tpu.memory_space<hbm>>
      %dma_wait3A_117 = arith.constant 0 : i32
      %dma_wait3A_118 = tpu.memref_slice %arg11[%add3A_107, %dma_wait3A_117] : memref<10112x128xf32, #tpu.memory_space<vmem_shared>> -> memref<120x128xf32, #tpu.memory_space<vmem_shared>>
      tpu.wait_dma2 semaphore(%run_scoped3A : memref<!tpu.dma_semaphore, #tpu.memory_space<semaphore_mem>>) src(%dma_wait3A_118 : memref<120x128xf32, #tpu.memory_space<vmem_shared>>) dst(%dma_wait3A_116 : memref<120x128xf32, #tpu.memory_space<hbm>>)
      tpu.yield
    }) : () -> ()
    return
  }
}

#map = affine_map<(d0, d1) -> (0, 0)>
#map1 = affine_map<(d0, d1) -> (0)>
module attributes {stable_mosaic.version = 14 : i64} {
  func.func @_edge_ac_kernel(%arg0: i32, %arg1: i32, %arg2: memref<10000x256xf32, #tpu.memory_space<hbm>>, %arg3: memref<10000x256xf32, #tpu.memory_space<hbm>>, %arg4: memref<8x16xf32, #tpu.memory_space<hbm>>, %arg5: memref<327680xi32, #tpu.memory_space<hbm>>, %arg6: memref<327680xi32, #tpu.memory_space<hbm>>, %arg7: memref<327680x16xf32, #tpu.memory_space<hbm>>, %arg8: memref<128xi32, #tpu.memory_space<vmem>>, %arg9: memref<128xi32, #tpu.memory_space<vmem>>, %arg10: memref<128x256xf32, #tpu.memory_space<vmem>>, %arg11: memref<128x256xf32, #tpu.memory_space<vmem>>, %arg12: memref<128x16xf32, #tpu.memory_space<vmem>>, %arg13: memref<8x16xf32, #tpu.memory_space<vmem>>, %arg14: memref<!tpu.dma_semaphore, #tpu.memory_space<semaphore_mem>>) attributes {dimension_semantics = [#tpu.dimension_semantics<core_parallel>, #tpu.dimension_semantics<subcore_parallel>], iteration_bounds = array<i64: 2, 16>, scalar_prefetch = 0 : i64, scratch_operands = 7 : i64, tpu.core_type = #tpu.core_type<sc_vector_subcore>, window_params = [{transform_indices = #map}, {transform_indices = #map}, {transform_indices = #map}, {transform_indices = #map1}, {transform_indices = #map1}, {transform_indices = #map}]} {
    %mul3A = arith.constant 2 : i32
    %mul3A_0 = arith.muli %arg1, %mul3A : i32
    %add3A = arith.addi %mul3A_0, %arg0 : i32
    "tpu.region"() ({
      %run_scoped3A = tpu.sem_alloc : memref<!tpu.dma_semaphore, #tpu.memory_space<semaphore_mem>>
      tpu.enqueue_dma source(%arg4 : memref<8x16xf32, #tpu.memory_space<hbm>>) target(%arg13 : memref<8x16xf32, #tpu.memory_space<vmem>>) target_semaphore(%run_scoped3A : memref<!tpu.dma_semaphore, #tpu.memory_space<semaphore_mem>>)
      tpu.wait_dma2 semaphore(%run_scoped3A : memref<!tpu.dma_semaphore, #tpu.memory_space<semaphore_mem>>) src(%arg4 : memref<8x16xf32, #tpu.memory_space<hbm>>) dst(%arg13 : memref<8x16xf32, #tpu.memory_space<vmem>>)
      tpu.yield
    }) : () -> ()
    %get3A = arith.constant 0 : i32
    %get3A_1 = arith.index_cast %get3A : i32 to index
    %get3A_2 = arith.constant 0 : index
    %get3A_3 = tpu.vector_load %arg13[%get3A_1, %get3A_2] {strides = array<i32>} : memref<8x16xf32, #tpu.memory_space<vmem>>, vector<1x16xf32>,
    %get3A_4 = vector.shape_cast %get3A_3 : vector<1x16xf32> to vector<16xf32>
    %iota3A = tpu.iota {dimensions = array<i32: 0>} : vector<16xi32>
    %xor3A = arith.constant 8 : i32
    %xor3A_5 = vector.broadcast %xor3A : i32 to vector<16xi32>
    %xor3A_6 = arith.xori %iota3A, %xor3A_5 : vector<16xi32>
    %xor3A_7 = arith.constant 4 : i32
    %xor3A_8 = vector.broadcast %xor3A_7 : i32 to vector<16xi32>
    %xor3A_9 = arith.xori %iota3A, %xor3A_8 : vector<16xi32>
    %xor3A_10 = arith.constant 2 : i32
    %xor3A_11 = vector.broadcast %xor3A_10 : i32 to vector<16xi32>
    %xor3A_12 = arith.xori %iota3A, %xor3A_11 : vector<16xi32>
    %xor3A_13 = arith.constant 1 : i32
    %xor3A_14 = vector.broadcast %xor3A_13 : i32 to vector<16xi32>
    %xor3A_15 = arith.xori %iota3A, %xor3A_14 : vector<16xi32>
    %broadcast_in_dim3A = arith.constant 8 : i32
    %broadcast_in_dim3A_16 = vector.broadcast %broadcast_in_dim3A : i32 to vector<16xi32>
    %lt3A = arith.constant 8 : i32
    %lt3A_17 = vector.broadcast %lt3A : i32 to vector<16xi32>
    %lt3A_18 = arith.cmpi slt, %iota3A, %lt3A_17 : vector<16xi32>
    %scan3A = arith.constant 0 : i32
    %scan3A_19 = arith.constant 0 : i32
    %scan3A_20 = arith.constant 80 : i32
    %scan3A_21 = arith.addi %scan3A_19, %scan3A_20 : i32
    %scan3A_22 = arith.constant 1 : i32
    %scan3A_23 = scf.for %scan3A_25 = %scan3A_19 to %scan3A_21 step %scan3A_22 iter_args(%scan3A_26 = %scan3A) -> (i32)  : i32 {
      %mul3A_27 = arith.constant 80 : i32
      %mul3A_28 = arith.muli %add3A, %mul3A_27 : i32
      %add3A_29 = arith.addi %mul3A_28, %scan3A_25 : i32
      %mul3A_30 = arith.constant 128 : i32
      %mul3A_31 = arith.muli %add3A_29, %mul3A_30 : i32
      "tpu.region"() ({
        %run_scoped3A = tpu.sem_alloc : memref<!tpu.dma_semaphore, #tpu.memory_space<semaphore_mem>>
        %dma_start3A_50 = tpu.memref_slice %arg5[%mul3A_31] : memref<327680xi32, #tpu.memory_space<hbm>> -> memref<128xi32, #tpu.memory_space<hbm>>
        %dma_start3A_51 = tpu.memref_slice %arg5[%mul3A_31] : memref<327680xi32, #tpu.memory_space<hbm>> -> memref<128xi32, #tpu.memory_space<hbm>>
        tpu.enqueue_dma source(%dma_start3A_51 : memref<128xi32, #tpu.memory_space<hbm>>) target(%arg8 : memref<128xi32, #tpu.memory_space<vmem>>) target_semaphore(%run_scoped3A : memref<!tpu.dma_semaphore, #tpu.memory_space<semaphore_mem>>)
        %dma_wait3A_52 = tpu.memref_slice %arg5[%mul3A_31] : memref<327680xi32, #tpu.memory_space<hbm>> -> memref<128xi32, #tpu.memory_space<hbm>>
        %dma_wait3A_53 = tpu.memref_slice %arg5[%mul3A_31] : memref<327680xi32, #tpu.memory_space<hbm>> -> memref<128xi32, #tpu.memory_space<hbm>>
        tpu.wait_dma2 semaphore(%run_scoped3A : memref<!tpu.dma_semaphore, #tpu.memory_space<semaphore_mem>>) src(%dma_wait3A_53 : memref<128xi32, #tpu.memory_space<hbm>>) dst(%arg8 : memref<128xi32, #tpu.memory_space<vmem>>)
        tpu.yield
      }) : () -> ()
      "tpu.region"() ({
        %run_scoped3A = tpu.sem_alloc : memref<!tpu.dma_semaphore, #tpu.memory_space<semaphore_mem>>
        %dma_start3A_50 = tpu.memref_slice %arg6[%mul3A_31] : memref<327680xi32, #tpu.memory_space<hbm>> -> memref<128xi32, #tpu.memory_space<hbm>>
        %dma_start3A_51 = tpu.memref_slice %arg6[%mul3A_31] : memref<327680xi32, #tpu.memory_space<hbm>> -> memref<128xi32, #tpu.memory_space<hbm>>
        tpu.enqueue_dma source(%dma_start3A_51 : memref<128xi32, #tpu.memory_space<hbm>>) target(%arg9 : memref<128xi32, #tpu.memory_space<vmem>>) target_semaphore(%run_scoped3A : memref<!tpu.dma_semaphore, #tpu.memory_space<semaphore_mem>>)
        %dma_wait3A_52 = tpu.memref_slice %arg6[%mul3A_31] : memref<327680xi32, #tpu.memory_space<hbm>> -> memref<128xi32, #tpu.memory_space<hbm>>
        %dma_wait3A_53 = tpu.memref_slice %arg6[%mul3A_31] : memref<327680xi32, #tpu.memory_space<hbm>> -> memref<128xi32, #tpu.memory_space<hbm>>
        tpu.wait_dma2 semaphore(%run_scoped3A : memref<!tpu.dma_semaphore, #tpu.memory_space<semaphore_mem>>) src(%dma_wait3A_53 : memref<128xi32, #tpu.memory_space<hbm>>) dst(%arg9 : memref<128xi32, #tpu.memory_space<vmem>>)
        tpu.yield
      }) : () -> ()
      %dma_start3A = arith.constant 0 : i32
      %dma_start3A_32 = arith.constant 0 : i32
      %dma_start3A_33 = tpu.memref_slice %arg2[%dma_start3A, %dma_start3A_32] : memref<10000x256xf32, #tpu.memory_space<hbm>> -> memref<10000x256xf32, #tpu.memory_space<hbm>>
      tpu.enqueue_indirect_dma source(%dma_start3A_33 : memref<10000x256xf32, #tpu.memory_space<hbm>>) target(%arg10 : memref<128x256xf32, #tpu.memory_space<vmem>>) offsets(%arg8 : memref<128xi32, #tpu.memory_space<vmem>>) semaphore(%arg14 : memref<!tpu.dma_semaphore, #tpu.memory_space<semaphore_mem>>)
      %dma_wait3A = arith.constant 0 : i32
      %dma_wait3A_34 = arith.constant 0 : i32
      %dma_wait3A_35 = tpu.memref_slice %arg2[%dma_wait3A, %dma_wait3A_34] : memref<10000x256xf32, #tpu.memory_space<hbm>> -> memref<10000x256xf32, #tpu.memory_space<hbm>>
      tpu.wait_indirect_dma semaphore(%arg14 : memref<!tpu.dma_semaphore, #tpu.memory_space<semaphore_mem>>) src(%dma_wait3A_35 : memref<10000x256xf32, #tpu.memory_space<hbm>>) dst(%arg10 : memref<128x256xf32, #tpu.memory_space<vmem>>)
      %dma_start3A_36 = arith.constant 0 : i32
      %dma_start3A_37 = arith.constant 0 : i32
      %dma_start3A_38 = tpu.memref_slice %arg3[%dma_start3A_36, %dma_start3A_37] : memref<10000x256xf32, #tpu.memory_space<hbm>> -> memref<10000x256xf32, #tpu.memory_space<hbm>>
      tpu.enqueue_indirect_dma source(%dma_start3A_38 : memref<10000x256xf32, #tpu.memory_space<hbm>>) target(%arg11 : memref<128x256xf32, #tpu.memory_space<vmem>>) offsets(%arg9 : memref<128xi32, #tpu.memory_space<vmem>>) semaphore(%arg14 : memref<!tpu.dma_semaphore, #tpu.memory_space<semaphore_mem>>)
      %dma_wait3A_39 = arith.constant 0 : i32
      %dma_wait3A_40 = arith.constant 0 : i32
      %dma_wait3A_41 = tpu.memref_slice %arg3[%dma_wait3A_39, %dma_wait3A_40] : memref<10000x256xf32, #tpu.memory_space<hbm>> -> memref<10000x256xf32, #tpu.memory_space<hbm>>
      tpu.wait_indirect_dma semaphore(%arg14 : memref<!tpu.dma_semaphore, #tpu.memory_space<semaphore_mem>>) src(%dma_wait3A_41 : memref<10000x256xf32, #tpu.memory_space<hbm>>) dst(%arg11 : memref<128x256xf32, #tpu.memory_space<vmem>>)
      %scan3A_42 = arith.constant 0 : i32
      %scan3A_43 = arith.constant 0 : i32
      %scan3A_44 = arith.constant 128 : i32
      %scan3A_45 = arith.addi %scan3A_43, %scan3A_44 : i32
      %scan3A_46 = arith.constant 1 : i32
      %scan3A_47 = scf.for %scan3A_50 = %scan3A_43 to %scan3A_45 step %scan3A_46 iter_args(%scan3A_51 = %scan3A_42) -> (i32)  : i32 {
        %get3A_52 = arith.index_cast %scan3A_50 : i32 to index
        %get3A_53 = arith.constant 128 : index
        %get3A_54 = tpu.vector_load %arg10[%get3A_52, %get3A_53] {strides = array<i32>} : memref<128x256xf32, #tpu.memory_space<vmem>>, vector<1x16xf32>,
        %get3A_55 = vector.shape_cast %get3A_54 : vector<1x16xf32> to vector<16xf32>
        %get3A_56 = arith.index_cast %scan3A_50 : i32 to index
        %get3A_57 = arith.constant 128 : index
        %get3A_58 = tpu.vector_load %arg11[%get3A_56, %get3A_57] {strides = array<i32>} : memref<128x256xf32, #tpu.memory_space<vmem>>, vector<1x16xf32>,
        %get3A_59 = vector.shape_cast %get3A_58 : vector<1x16xf32> to vector<16xf32>
        %add3A_60 = arith.addf %get3A_55, %get3A_59 : vector<16xf32>
        %neg3A = arith.constant 0.000000e+00 : f32
        %neg3A_61 = vector.broadcast %neg3A : f32 to vector<16xf32>
        %neg3A_62 = arith.subf %neg3A_61, %add3A_60 : vector<16xf32>
        %exp3A = math.exp %neg3A_62 : vector<16xf32>
        %add3A_63 = arith.constant 1.000000e+00 : f32
        %add3A_64 = vector.broadcast %add3A_63 : f32 to vector<16xf32>
        %add3A_65 = arith.addf %add3A_64, %exp3A : vector<16xf32>
        %div3A = arith.constant 1.000000e+00 : f32
        %div3A_66 = vector.broadcast %div3A : f32 to vector<16xf32>
        %div3A_67 = arith.divf %div3A_66, %add3A_65 : vector<16xf32>
        %lt3A_68 = arith.constant 0 : i32
        %lt3A_69 = vector.broadcast %lt3A_68 : i32 to vector<16xi32>
        %lt3A_70 = arith.cmpi slt, %broadcast_in_dim3A_16, %lt3A_69 : vector<16xi32>
        %add3A_71 = arith.constant 16 : i32
        %add3A_72 = vector.broadcast %add3A_71 : i32 to vector<16xi32>
        %add3A_73 = arith.addi %broadcast_in_dim3A_16, %add3A_72 : vector<16xi32>
        %select_n3A = arith.select %lt3A_70, %add3A_73, %broadcast_in_dim3A_16 : vector<16xi1>, vector<16xi32>
        %broadcast_in_dim3A_74 = vector.shape_cast %select_n3A : vector<16xi32> to vector<16x1xi32>
        %gather3A = vector.shape_cast %broadcast_in_dim3A_74 : vector<16x1xi32> to vector<16xi32>
        %gather3A_75 = tpu.dynamic_gather %get3A_59[%gather3A] in [0] : vector<16xf32>, vector<16xi32> -> vector<16xf32>
        %mul3A_76 = arith.constant 6.250000e-02 : f32
        %mul3A_77 = vector.broadcast %mul3A_76 : f32 to vector<16xf32>
        %mul3A_78 = arith.mulf %gather3A_75, %mul3A_77 : vector<16xf32>
        %broadcast_in_dim3A_79 = arith.constant 0.000000e+00 : f32
        %broadcast_in_dim3A_80 = vector.broadcast %broadcast_in_dim3A_79 : f32 to vector<16xf32>
        %get3A_81 = arith.index_cast %scan3A_50 : i32 to index
        %get3A_82 = arith.constant 0 : index
        %get3A_83 = tpu.vector_load %arg10[%get3A_81, %get3A_82] {strides = array<i32>} : memref<128x256xf32, #tpu.memory_space<vmem>>, vector<1x16xf32>,
        %get3A_84 = vector.shape_cast %get3A_83 : vector<1x16xf32> to vector<16xf32>
        %get3A_85 = arith.index_cast %scan3A_50 : i32 to index
        %get3A_86 = arith.constant 0 : index
        %get3A_87 = tpu.vector_load %arg11[%get3A_85, %get3A_86] {strides = array<i32>} : memref<128x256xf32, #tpu.memory_space<vmem>>, vector<1x16xf32>,
        %get3A_88 = vector.shape_cast %get3A_87 : vector<1x16xf32> to vector<16xf32>
        %mul3A_89 = arith.mulf %get3A_84, %get3A_88 : vector<16xf32>
        %lt3A_90 = arith.constant 0 : i32
        %lt3A_91 = vector.broadcast %lt3A_90 : i32 to vector<16xi32>
        %lt3A_92 = arith.cmpi slt, %xor3A_6, %lt3A_91 : vector<16xi32>
        %add3A_93 = arith.constant 16 : i32
        %add3A_94 = vector.broadcast %add3A_93 : i32 to vector<16xi32>
        %add3A_95 = arith.addi %xor3A_6, %add3A_94 : vector<16xi32>
        %select_n3A_96 = arith.select %lt3A_92, %add3A_95, %xor3A_6 : vector<16xi1>, vector<16xi32>
        %broadcast_in_dim3A_97 = vector.shape_cast %select_n3A_96 : vector<16xi32> to vector<16x1xi32>
        %gather3A_98 = vector.shape_cast %broadcast_in_dim3A_97 : vector<16x1xi32> to vector<16xi32>
        %gather3A_99 = tpu.dynamic_gather %mul3A_89[%gather3A_98] in [0] : vector<16xf32>, vector<16xi32> -> vector<16xf32>
        %add3A_100 = arith.addf %mul3A_89, %gather3A_99 : vector<16xf32>
        %lt3A_101 = arith.constant 0 : i32
        %lt3A_102 = vector.broadcast %lt3A_101 : i32 to vector<16xi32>
        %lt3A_103 = arith.cmpi slt, %xor3A_9, %lt3A_102 : vector<16xi32>
        %add3A_104 = arith.constant 16 : i32
        %add3A_105 = vector.broadcast %add3A_104 : i32 to vector<16xi32>
        %add3A_106 = arith.addi %xor3A_9, %add3A_105 : vector<16xi32>
        %select_n3A_107 = arith.select %lt3A_103, %add3A_106, %xor3A_9 : vector<16xi1>, vector<16xi32>
        %broadcast_in_dim3A_108 = vector.shape_cast %select_n3A_107 : vector<16xi32> to vector<16x1xi32>
        %gather3A_109 = vector.shape_cast %broadcast_in_dim3A_108 : vector<16x1xi32> to vector<16xi32>
        %gather3A_110 = tpu.dynamic_gather %add3A_100[%gather3A_109] in [0] : vector<16xf32>, vector<16xi32> -> vector<16xf32>
        %add3A_111 = arith.addf %add3A_100, %gather3A_110 : vector<16xf32>
        %lt3A_112 = arith.constant 0 : i32
        %lt3A_113 = vector.broadcast %lt3A_112 : i32 to vector<16xi32>
        %lt3A_114 = arith.cmpi slt, %xor3A_12, %lt3A_113 : vector<16xi32>
        %add3A_115 = arith.constant 16 : i32
        %add3A_116 = vector.broadcast %add3A_115 : i32 to vector<16xi32>
        %add3A_117 = arith.addi %xor3A_12, %add3A_116 : vector<16xi32>
        %select_n3A_118 = arith.select %lt3A_114, %add3A_117, %xor3A_12 : vector<16xi1>, vector<16xi32>
        %broadcast_in_dim3A_119 = vector.shape_cast %select_n3A_118 : vector<16xi32> to vector<16x1xi32>
        %gather3A_120 = vector.shape_cast %broadcast_in_dim3A_119 : vector<16x1xi32> to vector<16xi32>
        %gather3A_121 = tpu.dynamic_gather %add3A_111[%gather3A_120] in [0] : vector<16xf32>, vector<16xi32> -> vector<16xf32>
        %add3A_122 = arith.addf %add3A_111, %gather3A_121 : vector<16xf32>
        %lt3A_123 = arith.constant 0 : i32
        %lt3A_124 = vector.broadcast %lt3A_123 : i32 to vector<16xi32>
        %lt3A_125 = arith.cmpi slt, %xor3A_15, %lt3A_124 : vector<16xi32>
        %add3A_126 = arith.constant 16 : i32
        %add3A_127 = vector.broadcast %add3A_126 : i32 to vector<16xi32>
        %add3A_128 = arith.addi %xor3A_15, %add3A_127 : vector<16xi32>
        %select_n3A_129 = arith.select %lt3A_125, %add3A_128, %xor3A_15 : vector<16xi1>, vector<16xi32>
        %broadcast_in_dim3A_130 = vector.shape_cast %select_n3A_129 : vector<16xi32> to vector<16x1xi32>
        %gather3A_131 = vector.shape_cast %broadcast_in_dim3A_130 : vector<16x1xi32> to vector<16xi32>
        %gather3A_132 = tpu.dynamic_gather %add3A_122[%gather3A_131] in [0] : vector<16xf32>, vector<16xi32> -> vector<16xf32>
        %add3A_133 = arith.addf %add3A_122, %gather3A_132 : vector<16xf32>
        %mul3A_134 = arith.mulf %add3A_133, %mul3A_78 : vector<16xf32>
        %eq3A = arith.constant 0 : i32
        %eq3A_135 = vector.broadcast %eq3A : i32 to vector<16xi32>
        %eq3A_136 = arith.cmpi eq, %iota3A, %eq3A_135 : vector<16xi32>
        %select_n3A_137 = arith.select %eq3A_136, %mul3A_134, %broadcast_in_dim3A_80 : vector<16xi1>, vector<16xf32>
        %get3A_138 = arith.index_cast %scan3A_50 : i32 to index
        %get3A_139 = arith.constant 16 : index
        %get3A_140 = tpu.vector_load %arg10[%get3A_138, %get3A_139] {strides = array<i32>} : memref<128x256xf32, #tpu.memory_space<vmem>>, vector<1x16xf32>,
        %get3A_141 = vector.shape_cast %get3A_140 : vector<1x16xf32> to vector<16xf32>
        %get3A_142 = arith.index_cast %scan3A_50 : i32 to index
        %get3A_143 = arith.constant 16 : index
        %get3A_144 = tpu.vector_load %arg11[%get3A_142, %get3A_143] {strides = array<i32>} : memref<128x256xf32, #tpu.memory_space<vmem>>, vector<1x16xf32>,
        %get3A_145 = vector.shape_cast %get3A_144 : vector<1x16xf32> to vector<16xf32>
        %mul3A_146 = arith.mulf %get3A_141, %get3A_145 : vector<16xf32>
        %lt3A_147 = arith.constant 0 : i32
        %lt3A_148 = vector.broadcast %lt3A_147 : i32 to vector<16xi32>
        %lt3A_149 = arith.cmpi slt, %xor3A_6, %lt3A_148 : vector<16xi32>
        %add3A_150 = arith.constant 16 : i32
        %add3A_151 = vector.broadcast %add3A_150 : i32 to vector<16xi32>
        %add3A_152 = arith.addi %xor3A_6, %add3A_151 : vector<16xi32>
        %select_n3A_153 = arith.select %lt3A_149, %add3A_152, %xor3A_6 : vector<16xi1>, vector<16xi32>
        %broadcast_in_dim3A_154 = vector.shape_cast %select_n3A_153 : vector<16xi32> to vector<16x1xi32>
        %gather3A_155 = vector.shape_cast %broadcast_in_dim3A_154 : vector<16x1xi32> to vector<16xi32>
        %gather3A_156 = tpu.dynamic_gather %mul3A_146[%gather3A_155] in [0] : vector<16xf32>, vector<16xi32> -> vector<16xf32>
        %add3A_157 = arith.addf %mul3A_146, %gather3A_156 : vector<16xf32>
        %lt3A_158 = arith.constant 0 : i32
        %lt3A_159 = vector.broadcast %lt3A_158 : i32 to vector<16xi32>
        %lt3A_160 = arith.cmpi slt, %xor3A_9, %lt3A_159 : vector<16xi32>
        %add3A_161 = arith.constant 16 : i32
        %add3A_162 = vector.broadcast %add3A_161 : i32 to vector<16xi32>
        %add3A_163 = arith.addi %xor3A_9, %add3A_162 : vector<16xi32>
        %select_n3A_164 = arith.select %lt3A_160, %add3A_163, %xor3A_9 : vector<16xi1>, vector<16xi32>
        %broadcast_in_dim3A_165 = vector.shape_cast %select_n3A_164 : vector<16xi32> to vector<16x1xi32>
        %gather3A_166 = vector.shape_cast %broadcast_in_dim3A_165 : vector<16x1xi32> to vector<16xi32>
        %gather3A_167 = tpu.dynamic_gather %add3A_157[%gather3A_166] in [0] : vector<16xf32>, vector<16xi32> -> vector<16xf32>
        %add3A_168 = arith.addf %add3A_157, %gather3A_167 : vector<16xf32>
        %lt3A_169 = arith.constant 0 : i32
        %lt3A_170 = vector.broadcast %lt3A_169 : i32 to vector<16xi32>
        %lt3A_171 = arith.cmpi slt, %xor3A_12, %lt3A_170 : vector<16xi32>
        %add3A_172 = arith.constant 16 : i32
        %add3A_173 = vector.broadcast %add3A_172 : i32 to vector<16xi32>
        %add3A_174 = arith.addi %xor3A_12, %add3A_173 : vector<16xi32>
        %select_n3A_175 = arith.select %lt3A_171, %add3A_174, %xor3A_12 : vector<16xi1>, vector<16xi32>
        %broadcast_in_dim3A_176 = vector.shape_cast %select_n3A_175 : vector<16xi32> to vector<16x1xi32>
        %gather3A_177 = vector.shape_cast %broadcast_in_dim3A_176 : vector<16x1xi32> to vector<16xi32>
        %gather3A_178 = tpu.dynamic_gather %add3A_168[%gather3A_177] in [0] : vector<16xf32>, vector<16xi32> -> vector<16xf32>
        %add3A_179 = arith.addf %add3A_168, %gather3A_178 : vector<16xf32>
        %lt3A_180 = arith.constant 0 : i32
        %lt3A_181 = vector.broadcast %lt3A_180 : i32 to vector<16xi32>
        %lt3A_182 = arith.cmpi slt, %xor3A_15, %lt3A_181 : vector<16xi32>
        %add3A_183 = arith.constant 16 : i32
        %add3A_184 = vector.broadcast %add3A_183 : i32 to vector<16xi32>
        %add3A_185 = arith.addi %xor3A_15, %add3A_184 : vector<16xi32>
        %select_n3A_186 = arith.select %lt3A_182, %add3A_185, %xor3A_15 : vector<16xi1>, vector<16xi32>
        %broadcast_in_dim3A_187 = vector.shape_cast %select_n3A_186 : vector<16xi32> to vector<16x1xi32>
        %gather3A_188 = vector.shape_cast %broadcast_in_dim3A_187 : vector<16x1xi32> to vector<16xi32>
        %gather3A_189 = tpu.dynamic_gather %add3A_179[%gather3A_188] in [0] : vector<16xf32>, vector<16xi32> -> vector<16xf32>
        %add3A_190 = arith.addf %add3A_179, %gather3A_189 : vector<16xf32>
        %mul3A_191 = arith.mulf %add3A_190, %mul3A_78 : vector<16xf32>
        %eq3A_192 = arith.constant 1 : i32
        %eq3A_193 = vector.broadcast %eq3A_192 : i32 to vector<16xi32>
        %eq3A_194 = arith.cmpi eq, %iota3A, %eq3A_193 : vector<16xi32>
        %select_n3A_195 = arith.select %eq3A_194, %mul3A_191, %select_n3A_137 : vector<16xi1>, vector<16xf32>
        %get3A_196 = arith.index_cast %scan3A_50 : i32 to index
        %get3A_197 = arith.constant 32 : index
        %get3A_198 = tpu.vector_load %arg10[%get3A_196, %get3A_197] {strides = array<i32>} : memref<128x256xf32, #tpu.memory_space<vmem>>, vector<1x16xf32>,
        %get3A_199 = vector.shape_cast %get3A_198 : vector<1x16xf32> to vector<16xf32>
        %get3A_200 = arith.index_cast %scan3A_50 : i32 to index
        %get3A_201 = arith.constant 32 : index
        %get3A_202 = tpu.vector_load %arg11[%get3A_200, %get3A_201] {strides = array<i32>} : memref<128x256xf32, #tpu.memory_space<vmem>>, vector<1x16xf32>,
        %get3A_203 = vector.shape_cast %get3A_202 : vector<1x16xf32> to vector<16xf32>
        %mul3A_204 = arith.mulf %get3A_199, %get3A_203 : vector<16xf32>
        %lt3A_205 = arith.constant 0 : i32
        %lt3A_206 = vector.broadcast %lt3A_205 : i32 to vector<16xi32>
        %lt3A_207 = arith.cmpi slt, %xor3A_6, %lt3A_206 : vector<16xi32>
        %add3A_208 = arith.constant 16 : i32
        %add3A_209 = vector.broadcast %add3A_208 : i32 to vector<16xi32>
        %add3A_210 = arith.addi %xor3A_6, %add3A_209 : vector<16xi32>
        %select_n3A_211 = arith.select %lt3A_207, %add3A_210, %xor3A_6 : vector<16xi1>, vector<16xi32>
        %broadcast_in_dim3A_212 = vector.shape_cast %select_n3A_211 : vector<16xi32> to vector<16x1xi32>
        %gather3A_213 = vector.shape_cast %broadcast_in_dim3A_212 : vector<16x1xi32> to vector<16xi32>
        %gather3A_214 = tpu.dynamic_gather %mul3A_204[%gather3A_213] in [0] : vector<16xf32>, vector<16xi32> -> vector<16xf32>
        %add3A_215 = arith.addf %mul3A_204, %gather3A_214 : vector<16xf32>
        %lt3A_216 = arith.constant 0 : i32
        %lt3A_217 = vector.broadcast %lt3A_216 : i32 to vector<16xi32>
        %lt3A_218 = arith.cmpi slt, %xor3A_9, %lt3A_217 : vector<16xi32>
        %add3A_219 = arith.constant 16 : i32
        %add3A_220 = vector.broadcast %add3A_219 : i32 to vector<16xi32>
        %add3A_221 = arith.addi %xor3A_9, %add3A_220 : vector<16xi32>
        %select_n3A_222 = arith.select %lt3A_218, %add3A_221, %xor3A_9 : vector<16xi1>, vector<16xi32>
        %broadcast_in_dim3A_223 = vector.shape_cast %select_n3A_222 : vector<16xi32> to vector<16x1xi32>
        %gather3A_224 = vector.shape_cast %broadcast_in_dim3A_223 : vector<16x1xi32> to vector<16xi32>
        %gather3A_225 = tpu.dynamic_gather %add3A_215[%gather3A_224] in [0] : vector<16xf32>, vector<16xi32> -> vector<16xf32>
        %add3A_226 = arith.addf %add3A_215, %gather3A_225 : vector<16xf32>
        %lt3A_227 = arith.constant 0 : i32
        %lt3A_228 = vector.broadcast %lt3A_227 : i32 to vector<16xi32>
        %lt3A_229 = arith.cmpi slt, %xor3A_12, %lt3A_228 : vector<16xi32>
        %add3A_230 = arith.constant 16 : i32
        %add3A_231 = vector.broadcast %add3A_230 : i32 to vector<16xi32>
        %add3A_232 = arith.addi %xor3A_12, %add3A_231 : vector<16xi32>
        %select_n3A_233 = arith.select %lt3A_229, %add3A_232, %xor3A_12 : vector<16xi1>, vector<16xi32>
        %broadcast_in_dim3A_234 = vector.shape_cast %select_n3A_233 : vector<16xi32> to vector<16x1xi32>
        %gather3A_235 = vector.shape_cast %broadcast_in_dim3A_234 : vector<16x1xi32> to vector<16xi32>
        %gather3A_236 = tpu.dynamic_gather %add3A_226[%gather3A_235] in [0] : vector<16xf32>, vector<16xi32> -> vector<16xf32>
        %add3A_237 = arith.addf %add3A_226, %gather3A_236 : vector<16xf32>
        %lt3A_238 = arith.constant 0 : i32
        %lt3A_239 = vector.broadcast %lt3A_238 : i32 to vector<16xi32>
        %lt3A_240 = arith.cmpi slt, %xor3A_15, %lt3A_239 : vector<16xi32>
        %add3A_241 = arith.constant 16 : i32
        %add3A_242 = vector.broadcast %add3A_241 : i32 to vector<16xi32>
        %add3A_243 = arith.addi %xor3A_15, %add3A_242 : vector<16xi32>
        %select_n3A_244 = arith.select %lt3A_240, %add3A_243, %xor3A_15 : vector<16xi1>, vector<16xi32>
        %broadcast_in_dim3A_245 = vector.shape_cast %select_n3A_244 : vector<16xi32> to vector<16x1xi32>
        %gather3A_246 = vector.shape_cast %broadcast_in_dim3A_245 : vector<16x1xi32> to vector<16xi32>
        %gather3A_247 = tpu.dynamic_gather %add3A_237[%gather3A_246] in [0] : vector<16xf32>, vector<16xi32> -> vector<16xf32>
        %add3A_248 = arith.addf %add3A_237, %gather3A_247 : vector<16xf32>
        %mul3A_249 = arith.mulf %add3A_248, %mul3A_78 : vector<16xf32>
        %eq3A_250 = arith.constant 2 : i32
        %eq3A_251 = vector.broadcast %eq3A_250 : i32 to vector<16xi32>
        %eq3A_252 = arith.cmpi eq, %iota3A, %eq3A_251 : vector<16xi32>
        %select_n3A_253 = arith.select %eq3A_252, %mul3A_249, %select_n3A_195 : vector<16xi1>, vector<16xf32>
        %get3A_254 = arith.index_cast %scan3A_50 : i32 to index
        %get3A_255 = arith.constant 48 : index
        %get3A_256 = tpu.vector_load %arg10[%get3A_254, %get3A_255] {strides = array<i32>} : memref<128x256xf32, #tpu.memory_space<vmem>>, vector<1x16xf32>,
        %get3A_257 = vector.shape_cast %get3A_256 : vector<1x16xf32> to vector<16xf32>
        %get3A_258 = arith.index_cast %scan3A_50 : i32 to index
        %get3A_259 = arith.constant 48 : index
        %get3A_260 = tpu.vector_load %arg11[%get3A_258, %get3A_259] {strides = array<i32>} : memref<128x256xf32, #tpu.memory_space<vmem>>, vector<1x16xf32>,
        %get3A_261 = vector.shape_cast %get3A_260 : vector<1x16xf32> to vector<16xf32>
        %mul3A_262 = arith.mulf %get3A_257, %get3A_261 : vector<16xf32>
        %lt3A_263 = arith.constant 0 : i32
        %lt3A_264 = vector.broadcast %lt3A_263 : i32 to vector<16xi32>
        %lt3A_265 = arith.cmpi slt, %xor3A_6, %lt3A_264 : vector<16xi32>
        %add3A_266 = arith.constant 16 : i32
        %add3A_267 = vector.broadcast %add3A_266 : i32 to vector<16xi32>
        %add3A_268 = arith.addi %xor3A_6, %add3A_267 : vector<16xi32>
        %select_n3A_269 = arith.select %lt3A_265, %add3A_268, %xor3A_6 : vector<16xi1>, vector<16xi32>
        %broadcast_in_dim3A_270 = vector.shape_cast %select_n3A_269 : vector<16xi32> to vector<16x1xi32>
        %gather3A_271 = vector.shape_cast %broadcast_in_dim3A_270 : vector<16x1xi32> to vector<16xi32>
        %gather3A_272 = tpu.dynamic_gather %mul3A_262[%gather3A_271] in [0] : vector<16xf32>, vector<16xi32> -> vector<16xf32>
        %add3A_273 = arith.addf %mul3A_262, %gather3A_272 : vector<16xf32>
        %lt3A_274 = arith.constant 0 : i32
        %lt3A_275 = vector.broadcast %lt3A_274 : i32 to vector<16xi32>
        %lt3A_276 = arith.cmpi slt, %xor3A_9, %lt3A_275 : vector<16xi32>
        %add3A_277 = arith.constant 16 : i32
        %add3A_278 = vector.broadcast %add3A_277 : i32 to vector<16xi32>
        %add3A_279 = arith.addi %xor3A_9, %add3A_278 : vector<16xi32>
        %select_n3A_280 = arith.select %lt3A_276, %add3A_279, %xor3A_9 : vector<16xi1>, vector<16xi32>
        %broadcast_in_dim3A_281 = vector.shape_cast %select_n3A_280 : vector<16xi32> to vector<16x1xi32>
        %gather3A_282 = vector.shape_cast %broadcast_in_dim3A_281 : vector<16x1xi32> to vector<16xi32>
        %gather3A_283 = tpu.dynamic_gather %add3A_273[%gather3A_282] in [0] : vector<16xf32>, vector<16xi32> -> vector<16xf32>
        %add3A_284 = arith.addf %add3A_273, %gather3A_283 : vector<16xf32>
        %lt3A_285 = arith.constant 0 : i32
        %lt3A_286 = vector.broadcast %lt3A_285 : i32 to vector<16xi32>
        %lt3A_287 = arith.cmpi slt, %xor3A_12, %lt3A_286 : vector<16xi32>
        %add3A_288 = arith.constant 16 : i32
        %add3A_289 = vector.broadcast %add3A_288 : i32 to vector<16xi32>
        %add3A_290 = arith.addi %xor3A_12, %add3A_289 : vector<16xi32>
        %select_n3A_291 = arith.select %lt3A_287, %add3A_290, %xor3A_12 : vector<16xi1>, vector<16xi32>
        %broadcast_in_dim3A_292 = vector.shape_cast %select_n3A_291 : vector<16xi32> to vector<16x1xi32>
        %gather3A_293 = vector.shape_cast %broadcast_in_dim3A_292 : vector<16x1xi32> to vector<16xi32>
        %gather3A_294 = tpu.dynamic_gather %add3A_284[%gather3A_293] in [0] : vector<16xf32>, vector<16xi32> -> vector<16xf32>
        %add3A_295 = arith.addf %add3A_284, %gather3A_294 : vector<16xf32>
        %lt3A_296 = arith.constant 0 : i32
        %lt3A_297 = vector.broadcast %lt3A_296 : i32 to vector<16xi32>
        %lt3A_298 = arith.cmpi slt, %xor3A_15, %lt3A_297 : vector<16xi32>
        %add3A_299 = arith.constant 16 : i32
        %add3A_300 = vector.broadcast %add3A_299 : i32 to vector<16xi32>
        %add3A_301 = arith.addi %xor3A_15, %add3A_300 : vector<16xi32>
        %select_n3A_302 = arith.select %lt3A_298, %add3A_301, %xor3A_15 : vector<16xi1>, vector<16xi32>
        %broadcast_in_dim3A_303 = vector.shape_cast %select_n3A_302 : vector<16xi32> to vector<16x1xi32>
        %gather3A_304 = vector.shape_cast %broadcast_in_dim3A_303 : vector<16x1xi32> to vector<16xi32>
        %gather3A_305 = tpu.dynamic_gather %add3A_295[%gather3A_304] in [0] : vector<16xf32>, vector<16xi32> -> vector<16xf32>
        %add3A_306 = arith.addf %add3A_295, %gather3A_305 : vector<16xf32>
        %mul3A_307 = arith.mulf %add3A_306, %mul3A_78 : vector<16xf32>
        %eq3A_308 = arith.constant 3 : i32
        %eq3A_309 = vector.broadcast %eq3A_308 : i32 to vector<16xi32>
        %eq3A_310 = arith.cmpi eq, %iota3A, %eq3A_309 : vector<16xi32>
        %select_n3A_311 = arith.select %eq3A_310, %mul3A_307, %select_n3A_253 : vector<16xi1>, vector<16xf32>
        %get3A_312 = arith.index_cast %scan3A_50 : i32 to index
        %get3A_313 = arith.constant 64 : index
        %get3A_314 = tpu.vector_load %arg10[%get3A_312, %get3A_313] {strides = array<i32>} : memref<128x256xf32, #tpu.memory_space<vmem>>, vector<1x16xf32>,
        %get3A_315 = vector.shape_cast %get3A_314 : vector<1x16xf32> to vector<16xf32>
        %get3A_316 = arith.index_cast %scan3A_50 : i32 to index
        %get3A_317 = arith.constant 64 : index
        %get3A_318 = tpu.vector_load %arg11[%get3A_316, %get3A_317] {strides = array<i32>} : memref<128x256xf32, #tpu.memory_space<vmem>>, vector<1x16xf32>,
        %get3A_319 = vector.shape_cast %get3A_318 : vector<1x16xf32> to vector<16xf32>
        %mul3A_320 = arith.mulf %get3A_315, %get3A_319 : vector<16xf32>
        %lt3A_321 = arith.constant 0 : i32
        %lt3A_322 = vector.broadcast %lt3A_321 : i32 to vector<16xi32>
        %lt3A_323 = arith.cmpi slt, %xor3A_6, %lt3A_322 : vector<16xi32>
        %add3A_324 = arith.constant 16 : i32
        %add3A_325 = vector.broadcast %add3A_324 : i32 to vector<16xi32>
        %add3A_326 = arith.addi %xor3A_6, %add3A_325 : vector<16xi32>
        %select_n3A_327 = arith.select %lt3A_323, %add3A_326, %xor3A_6 : vector<16xi1>, vector<16xi32>
        %broadcast_in_dim3A_328 = vector.shape_cast %select_n3A_327 : vector<16xi32> to vector<16x1xi32>
        %gather3A_329 = vector.shape_cast %broadcast_in_dim3A_328 : vector<16x1xi32> to vector<16xi32>
        %gather3A_330 = tpu.dynamic_gather %mul3A_320[%gather3A_329] in [0] : vector<16xf32>, vector<16xi32> -> vector<16xf32>
        %add3A_331 = arith.addf %mul3A_320, %gather3A_330 : vector<16xf32>
        %lt3A_332 = arith.constant 0 : i32
        %lt3A_333 = vector.broadcast %lt3A_332 : i32 to vector<16xi32>
        %lt3A_334 = arith.cmpi slt, %xor3A_9, %lt3A_333 : vector<16xi32>
        %add3A_335 = arith.constant 16 : i32
        %add3A_336 = vector.broadcast %add3A_335 : i32 to vector<16xi32>
        %add3A_337 = arith.addi %xor3A_9, %add3A_336 : vector<16xi32>
        %select_n3A_338 = arith.select %lt3A_334, %add3A_337, %xor3A_9 : vector<16xi1>, vector<16xi32>
        %broadcast_in_dim3A_339 = vector.shape_cast %select_n3A_338 : vector<16xi32> to vector<16x1xi32>
        %gather3A_340 = vector.shape_cast %broadcast_in_dim3A_339 : vector<16x1xi32> to vector<16xi32>
        %gather3A_341 = tpu.dynamic_gather %add3A_331[%gather3A_340] in [0] : vector<16xf32>, vector<16xi32> -> vector<16xf32>
        %add3A_342 = arith.addf %add3A_331, %gather3A_341 : vector<16xf32>
        %lt3A_343 = arith.constant 0 : i32
        %lt3A_344 = vector.broadcast %lt3A_343 : i32 to vector<16xi32>
        %lt3A_345 = arith.cmpi slt, %xor3A_12, %lt3A_344 : vector<16xi32>
        %add3A_346 = arith.constant 16 : i32
        %add3A_347 = vector.broadcast %add3A_346 : i32 to vector<16xi32>
        %add3A_348 = arith.addi %xor3A_12, %add3A_347 : vector<16xi32>
        %select_n3A_349 = arith.select %lt3A_345, %add3A_348, %xor3A_12 : vector<16xi1>, vector<16xi32>
        %broadcast_in_dim3A_350 = vector.shape_cast %select_n3A_349 : vector<16xi32> to vector<16x1xi32>
        %gather3A_351 = vector.shape_cast %broadcast_in_dim3A_350 : vector<16x1xi32> to vector<16xi32>
        %gather3A_352 = tpu.dynamic_gather %add3A_342[%gather3A_351] in [0] : vector<16xf32>, vector<16xi32> -> vector<16xf32>
        %add3A_353 = arith.addf %add3A_342, %gather3A_352 : vector<16xf32>
        %lt3A_354 = arith.constant 0 : i32
        %lt3A_355 = vector.broadcast %lt3A_354 : i32 to vector<16xi32>
        %lt3A_356 = arith.cmpi slt, %xor3A_15, %lt3A_355 : vector<16xi32>
        %add3A_357 = arith.constant 16 : i32
        %add3A_358 = vector.broadcast %add3A_357 : i32 to vector<16xi32>
        %add3A_359 = arith.addi %xor3A_15, %add3A_358 : vector<16xi32>
        %select_n3A_360 = arith.select %lt3A_356, %add3A_359, %xor3A_15 : vector<16xi1>, vector<16xi32>
        %broadcast_in_dim3A_361 = vector.shape_cast %select_n3A_360 : vector<16xi32> to vector<16x1xi32>
        %gather3A_362 = vector.shape_cast %broadcast_in_dim3A_361 : vector<16x1xi32> to vector<16xi32>
        %gather3A_363 = tpu.dynamic_gather %add3A_353[%gather3A_362] in [0] : vector<16xf32>, vector<16xi32> -> vector<16xf32>
        %add3A_364 = arith.addf %add3A_353, %gather3A_363 : vector<16xf32>
        %mul3A_365 = arith.mulf %add3A_364, %mul3A_78 : vector<16xf32>
        %eq3A_366 = arith.constant 4 : i32
        %eq3A_367 = vector.broadcast %eq3A_366 : i32 to vector<16xi32>
        %eq3A_368 = arith.cmpi eq, %iota3A, %eq3A_367 : vector<16xi32>
        %select_n3A_369 = arith.select %eq3A_368, %mul3A_365, %select_n3A_311 : vector<16xi1>, vector<16xf32>
        %get3A_370 = arith.index_cast %scan3A_50 : i32 to index
        %get3A_371 = arith.constant 80 : index
        %get3A_372 = tpu.vector_load %arg10[%get3A_370, %get3A_371] {strides = array<i32>} : memref<128x256xf32, #tpu.memory_space<vmem>>, vector<1x16xf32>,
        %get3A_373 = vector.shape_cast %get3A_372 : vector<1x16xf32> to vector<16xf32>
        %get3A_374 = arith.index_cast %scan3A_50 : i32 to index
        %get3A_375 = arith.constant 80 : index
        %get3A_376 = tpu.vector_load %arg11[%get3A_374, %get3A_375] {strides = array<i32>} : memref<128x256xf32, #tpu.memory_space<vmem>>, vector<1x16xf32>,
        %get3A_377 = vector.shape_cast %get3A_376 : vector<1x16xf32> to vector<16xf32>
        %mul3A_378 = arith.mulf %get3A_373, %get3A_377 : vector<16xf32>
        %lt3A_379 = arith.constant 0 : i32
        %lt3A_380 = vector.broadcast %lt3A_379 : i32 to vector<16xi32>
        %lt3A_381 = arith.cmpi slt, %xor3A_6, %lt3A_380 : vector<16xi32>
        %add3A_382 = arith.constant 16 : i32
        %add3A_383 = vector.broadcast %add3A_382 : i32 to vector<16xi32>
        %add3A_384 = arith.addi %xor3A_6, %add3A_383 : vector<16xi32>
        %select_n3A_385 = arith.select %lt3A_381, %add3A_384, %xor3A_6 : vector<16xi1>, vector<16xi32>
        %broadcast_in_dim3A_386 = vector.shape_cast %select_n3A_385 : vector<16xi32> to vector<16x1xi32>
        %gather3A_387 = vector.shape_cast %broadcast_in_dim3A_386 : vector<16x1xi32> to vector<16xi32>
        %gather3A_388 = tpu.dynamic_gather %mul3A_378[%gather3A_387] in [0] : vector<16xf32>, vector<16xi32> -> vector<16xf32>
        %add3A_389 = arith.addf %mul3A_378, %gather3A_388 : vector<16xf32>
        %lt3A_390 = arith.constant 0 : i32
        %lt3A_391 = vector.broadcast %lt3A_390 : i32 to vector<16xi32>
        %lt3A_392 = arith.cmpi slt, %xor3A_9, %lt3A_391 : vector<16xi32>
        %add3A_393 = arith.constant 16 : i32
        %add3A_394 = vector.broadcast %add3A_393 : i32 to vector<16xi32>
        %add3A_395 = arith.addi %xor3A_9, %add3A_394 : vector<16xi32>
        %select_n3A_396 = arith.select %lt3A_392, %add3A_395, %xor3A_9 : vector<16xi1>, vector<16xi32>
        %broadcast_in_dim3A_397 = vector.shape_cast %select_n3A_396 : vector<16xi32> to vector<16x1xi32>
        %gather3A_398 = vector.shape_cast %broadcast_in_dim3A_397 : vector<16x1xi32> to vector<16xi32>
        %gather3A_399 = tpu.dynamic_gather %add3A_389[%gather3A_398] in [0] : vector<16xf32>, vector<16xi32> -> vector<16xf32>
        %add3A_400 = arith.addf %add3A_389, %gather3A_399 : vector<16xf32>
        %lt3A_401 = arith.constant 0 : i32
        %lt3A_402 = vector.broadcast %lt3A_401 : i32 to vector<16xi32>
        %lt3A_403 = arith.cmpi slt, %xor3A_12, %lt3A_402 : vector<16xi32>
        %add3A_404 = arith.constant 16 : i32
        %add3A_405 = vector.broadcast %add3A_404 : i32 to vector<16xi32>
        %add3A_406 = arith.addi %xor3A_12, %add3A_405 : vector<16xi32>
        %select_n3A_407 = arith.select %lt3A_403, %add3A_406, %xor3A_12 : vector<16xi1>, vector<16xi32>
        %broadcast_in_dim3A_408 = vector.shape_cast %select_n3A_407 : vector<16xi32> to vector<16x1xi32>
        %gather3A_409 = vector.shape_cast %broadcast_in_dim3A_408 : vector<16x1xi32> to vector<16xi32>
        %gather3A_410 = tpu.dynamic_gather %add3A_400[%gather3A_409] in [0] : vector<16xf32>, vector<16xi32> -> vector<16xf32>
        %add3A_411 = arith.addf %add3A_400, %gather3A_410 : vector<16xf32>
        %lt3A_412 = arith.constant 0 : i32
        %lt3A_413 = vector.broadcast %lt3A_412 : i32 to vector<16xi32>
        %lt3A_414 = arith.cmpi slt, %xor3A_15, %lt3A_413 : vector<16xi32>
        %add3A_415 = arith.constant 16 : i32
        %add3A_416 = vector.broadcast %add3A_415 : i32 to vector<16xi32>
        %add3A_417 = arith.addi %xor3A_15, %add3A_416 : vector<16xi32>
        %select_n3A_418 = arith.select %lt3A_414, %add3A_417, %xor3A_15 : vector<16xi1>, vector<16xi32>
        %broadcast_in_dim3A_419 = vector.shape_cast %select_n3A_418 : vector<16xi32> to vector<16x1xi32>
        %gather3A_420 = vector.shape_cast %broadcast_in_dim3A_419 : vector<16x1xi32> to vector<16xi32>
        %gather3A_421 = tpu.dynamic_gather %add3A_411[%gather3A_420] in [0] : vector<16xf32>, vector<16xi32> -> vector<16xf32>
        %add3A_422 = arith.addf %add3A_411, %gather3A_421 : vector<16xf32>
        %mul3A_423 = arith.mulf %add3A_422, %mul3A_78 : vector<16xf32>
        %eq3A_424 = arith.constant 5 : i32
        %eq3A_425 = vector.broadcast %eq3A_424 : i32 to vector<16xi32>
        %eq3A_426 = arith.cmpi eq, %iota3A, %eq3A_425 : vector<16xi32>
        %select_n3A_427 = arith.select %eq3A_426, %mul3A_423, %select_n3A_369 : vector<16xi1>, vector<16xf32>
        %get3A_428 = arith.index_cast %scan3A_50 : i32 to index
        %get3A_429 = arith.constant 96 : index
        %get3A_430 = tpu.vector_load %arg10[%get3A_428, %get3A_429] {strides = array<i32>} : memref<128x256xf32, #tpu.memory_space<vmem>>, vector<1x16xf32>,
        %get3A_431 = vector.shape_cast %get3A_430 : vector<1x16xf32> to vector<16xf32>
        %get3A_432 = arith.index_cast %scan3A_50 : i32 to index
        %get3A_433 = arith.constant 96 : index
        %get3A_434 = tpu.vector_load %arg11[%get3A_432, %get3A_433] {strides = array<i32>} : memref<128x256xf32, #tpu.memory_space<vmem>>, vector<1x16xf32>,
        %get3A_435 = vector.shape_cast %get3A_434 : vector<1x16xf32> to vector<16xf32>
        %mul3A_436 = arith.mulf %get3A_431, %get3A_435 : vector<16xf32>
        %lt3A_437 = arith.constant 0 : i32
        %lt3A_438 = vector.broadcast %lt3A_437 : i32 to vector<16xi32>
        %lt3A_439 = arith.cmpi slt, %xor3A_6, %lt3A_438 : vector<16xi32>
        %add3A_440 = arith.constant 16 : i32
        %add3A_441 = vector.broadcast %add3A_440 : i32 to vector<16xi32>
        %add3A_442 = arith.addi %xor3A_6, %add3A_441 : vector<16xi32>
        %select_n3A_443 = arith.select %lt3A_439, %add3A_442, %xor3A_6 : vector<16xi1>, vector<16xi32>
        %broadcast_in_dim3A_444 = vector.shape_cast %select_n3A_443 : vector<16xi32> to vector<16x1xi32>
        %gather3A_445 = vector.shape_cast %broadcast_in_dim3A_444 : vector<16x1xi32> to vector<16xi32>
        %gather3A_446 = tpu.dynamic_gather %mul3A_436[%gather3A_445] in [0] : vector<16xf32>, vector<16xi32> -> vector<16xf32>
        %add3A_447 = arith.addf %mul3A_436, %gather3A_446 : vector<16xf32>
        %lt3A_448 = arith.constant 0 : i32
        %lt3A_449 = vector.broadcast %lt3A_448 : i32 to vector<16xi32>
        %lt3A_450 = arith.cmpi slt, %xor3A_9, %lt3A_449 : vector<16xi32>
        %add3A_451 = arith.constant 16 : i32
        %add3A_452 = vector.broadcast %add3A_451 : i32 to vector<16xi32>
        %add3A_453 = arith.addi %xor3A_9, %add3A_452 : vector<16xi32>
        %select_n3A_454 = arith.select %lt3A_450, %add3A_453, %xor3A_9 : vector<16xi1>, vector<16xi32>
        %broadcast_in_dim3A_455 = vector.shape_cast %select_n3A_454 : vector<16xi32> to vector<16x1xi32>
        %gather3A_456 = vector.shape_cast %broadcast_in_dim3A_455 : vector<16x1xi32> to vector<16xi32>
        %gather3A_457 = tpu.dynamic_gather %add3A_447[%gather3A_456] in [0] : vector<16xf32>, vector<16xi32> -> vector<16xf32>
        %add3A_458 = arith.addf %add3A_447, %gather3A_457 : vector<16xf32>
        %lt3A_459 = arith.constant 0 : i32
        %lt3A_460 = vector.broadcast %lt3A_459 : i32 to vector<16xi32>
        %lt3A_461 = arith.cmpi slt, %xor3A_12, %lt3A_460 : vector<16xi32>
        %add3A_462 = arith.constant 16 : i32
        %add3A_463 = vector.broadcast %add3A_462 : i32 to vector<16xi32>
        %add3A_464 = arith.addi %xor3A_12, %add3A_463 : vector<16xi32>
        %select_n3A_465 = arith.select %lt3A_461, %add3A_464, %xor3A_12 : vector<16xi1>, vector<16xi32>
        %broadcast_in_dim3A_466 = vector.shape_cast %select_n3A_465 : vector<16xi32> to vector<16x1xi32>
        %gather3A_467 = vector.shape_cast %broadcast_in_dim3A_466 : vector<16x1xi32> to vector<16xi32>
        %gather3A_468 = tpu.dynamic_gather %add3A_458[%gather3A_467] in [0] : vector<16xf32>, vector<16xi32> -> vector<16xf32>
        %add3A_469 = arith.addf %add3A_458, %gather3A_468 : vector<16xf32>
        %lt3A_470 = arith.constant 0 : i32
        %lt3A_471 = vector.broadcast %lt3A_470 : i32 to vector<16xi32>
        %lt3A_472 = arith.cmpi slt, %xor3A_15, %lt3A_471 : vector<16xi32>
        %add3A_473 = arith.constant 16 : i32
        %add3A_474 = vector.broadcast %add3A_473 : i32 to vector<16xi32>
        %add3A_475 = arith.addi %xor3A_15, %add3A_474 : vector<16xi32>
        %select_n3A_476 = arith.select %lt3A_472, %add3A_475, %xor3A_15 : vector<16xi1>, vector<16xi32>
        %broadcast_in_dim3A_477 = vector.shape_cast %select_n3A_476 : vector<16xi32> to vector<16x1xi32>
        %gather3A_478 = vector.shape_cast %broadcast_in_dim3A_477 : vector<16x1xi32> to vector<16xi32>
        %gather3A_479 = tpu.dynamic_gather %add3A_469[%gather3A_478] in [0] : vector<16xf32>, vector<16xi32> -> vector<16xf32>
        %add3A_480 = arith.addf %add3A_469, %gather3A_479 : vector<16xf32>
        %mul3A_481 = arith.mulf %add3A_480, %mul3A_78 : vector<16xf32>
        %eq3A_482 = arith.constant 6 : i32
        %eq3A_483 = vector.broadcast %eq3A_482 : i32 to vector<16xi32>
        %eq3A_484 = arith.cmpi eq, %iota3A, %eq3A_483 : vector<16xi32>
        %select_n3A_485 = arith.select %eq3A_484, %mul3A_481, %select_n3A_427 : vector<16xi1>, vector<16xf32>
        %get3A_486 = arith.index_cast %scan3A_50 : i32 to index
        %get3A_487 = arith.constant 112 : index
        %get3A_488 = tpu.vector_load %arg10[%get3A_486, %get3A_487] {strides = array<i32>} : memref<128x256xf32, #tpu.memory_space<vmem>>, vector<1x16xf32>,
        %get3A_489 = vector.shape_cast %get3A_488 : vector<1x16xf32> to vector<16xf32>
        %get3A_490 = arith.index_cast %scan3A_50 : i32 to index
        %get3A_491 = arith.constant 112 : index
        %get3A_492 = tpu.vector_load %arg11[%get3A_490, %get3A_491] {strides = array<i32>} : memref<128x256xf32, #tpu.memory_space<vmem>>, vector<1x16xf32>,
        %get3A_493 = vector.shape_cast %get3A_492 : vector<1x16xf32> to vector<16xf32>
        %mul3A_494 = arith.mulf %get3A_489, %get3A_493 : vector<16xf32>
        %lt3A_495 = arith.constant 0 : i32
        %lt3A_496 = vector.broadcast %lt3A_495 : i32 to vector<16xi32>
        %lt3A_497 = arith.cmpi slt, %xor3A_6, %lt3A_496 : vector<16xi32>
        %add3A_498 = arith.constant 16 : i32
        %add3A_499 = vector.broadcast %add3A_498 : i32 to vector<16xi32>
        %add3A_500 = arith.addi %xor3A_6, %add3A_499 : vector<16xi32>
        %select_n3A_501 = arith.select %lt3A_497, %add3A_500, %xor3A_6 : vector<16xi1>, vector<16xi32>
        %broadcast_in_dim3A_502 = vector.shape_cast %select_n3A_501 : vector<16xi32> to vector<16x1xi32>
        %gather3A_503 = vector.shape_cast %broadcast_in_dim3A_502 : vector<16x1xi32> to vector<16xi32>
        %gather3A_504 = tpu.dynamic_gather %mul3A_494[%gather3A_503] in [0] : vector<16xf32>, vector<16xi32> -> vector<16xf32>
        %add3A_505 = arith.addf %mul3A_494, %gather3A_504 : vector<16xf32>
        %lt3A_506 = arith.constant 0 : i32
        %lt3A_507 = vector.broadcast %lt3A_506 : i32 to vector<16xi32>
        %lt3A_508 = arith.cmpi slt, %xor3A_9, %lt3A_507 : vector<16xi32>
        %add3A_509 = arith.constant 16 : i32
        %add3A_510 = vector.broadcast %add3A_509 : i32 to vector<16xi32>
        %add3A_511 = arith.addi %xor3A_9, %add3A_510 : vector<16xi32>
        %select_n3A_512 = arith.select %lt3A_508, %add3A_511, %xor3A_9 : vector<16xi1>, vector<16xi32>
        %broadcast_in_dim3A_513 = vector.shape_cast %select_n3A_512 : vector<16xi32> to vector<16x1xi32>
        %gather3A_514 = vector.shape_cast %broadcast_in_dim3A_513 : vector<16x1xi32> to vector<16xi32>
        %gather3A_515 = tpu.dynamic_gather %add3A_505[%gather3A_514] in [0] : vector<16xf32>, vector<16xi32> -> vector<16xf32>
        %add3A_516 = arith.addf %add3A_505, %gather3A_515 : vector<16xf32>
        %lt3A_517 = arith.constant 0 : i32
        %lt3A_518 = vector.broadcast %lt3A_517 : i32 to vector<16xi32>
        %lt3A_519 = arith.cmpi slt, %xor3A_12, %lt3A_518 : vector<16xi32>
        %add3A_520 = arith.constant 16 : i32
        %add3A_521 = vector.broadcast %add3A_520 : i32 to vector<16xi32>
        %add3A_522 = arith.addi %xor3A_12, %add3A_521 : vector<16xi32>
        %select_n3A_523 = arith.select %lt3A_519, %add3A_522, %xor3A_12 : vector<16xi1>, vector<16xi32>
        %broadcast_in_dim3A_524 = vector.shape_cast %select_n3A_523 : vector<16xi32> to vector<16x1xi32>
        %gather3A_525 = vector.shape_cast %broadcast_in_dim3A_524 : vector<16x1xi32> to vector<16xi32>
        %gather3A_526 = tpu.dynamic_gather %add3A_516[%gather3A_525] in [0] : vector<16xf32>, vector<16xi32> -> vector<16xf32>
        %add3A_527 = arith.addf %add3A_516, %gather3A_526 : vector<16xf32>
        %lt3A_528 = arith.constant 0 : i32
        %lt3A_529 = vector.broadcast %lt3A_528 : i32 to vector<16xi32>
        %lt3A_530 = arith.cmpi slt, %xor3A_15, %lt3A_529 : vector<16xi32>
        %add3A_531 = arith.constant 16 : i32
        %add3A_532 = vector.broadcast %add3A_531 : i32 to vector<16xi32>
        %add3A_533 = arith.addi %xor3A_15, %add3A_532 : vector<16xi32>
        %select_n3A_534 = arith.select %lt3A_530, %add3A_533, %xor3A_15 : vector<16xi1>, vector<16xi32>
        %broadcast_in_dim3A_535 = vector.shape_cast %select_n3A_534 : vector<16xi32> to vector<16x1xi32>
        %gather3A_536 = vector.shape_cast %broadcast_in_dim3A_535 : vector<16x1xi32> to vector<16xi32>
        %gather3A_537 = tpu.dynamic_gather %add3A_527[%gather3A_536] in [0] : vector<16xf32>, vector<16xi32> -> vector<16xf32>
        %add3A_538 = arith.addf %add3A_527, %gather3A_537 : vector<16xf32>
        %mul3A_539 = arith.mulf %add3A_538, %mul3A_78 : vector<16xf32>
        %eq3A_540 = arith.constant 7 : i32
        %eq3A_541 = vector.broadcast %eq3A_540 : i32 to vector<16xi32>
        %eq3A_542 = arith.cmpi eq, %iota3A, %eq3A_541 : vector<16xi32>
        %select_n3A_543 = arith.select %eq3A_542, %mul3A_539, %select_n3A_485 : vector<16xi1>, vector<16xf32>
        %sub3A = arith.subf %select_n3A_543, %get3A_4 : vector<16xf32>
        %exp3A_544 = math.exp %sub3A : vector<16xf32>
        %mul3A_545 = arith.mulf %exp3A_544, %div3A_67 : vector<16xf32>
        %jit3A = arith.constant 0.000000e+00 : f32
        %broadcast_in_dim3A_546 = vector.broadcast %jit3A : f32 to vector<16xf32>
        %select_n3A_547 = arith.select %lt3A_18, %mul3A_545, %broadcast_in_dim3A_546 : vector<16xi1>, vector<16xf32>
        %swap3A = arith.index_cast %scan3A_50 : i32 to index
        %swap3A_548 = arith.constant 0 : index
        %swap3A_549 = tpu.vector_load %arg12[%swap3A, %swap3A_548] {strides = array<i32>} : memref<128x16xf32, #tpu.memory_space<vmem>>, vector<1x16xf32>,
        %swap3A_550 = vector.shape_cast %swap3A_549 : vector<1x16xf32> to vector<16xf32>
        %swap3A_551 = vector.shape_cast %select_n3A_547 : vector<16xf32> to vector<1x16xf32>
        tpu.vector_store %arg12[%swap3A, %swap3A_548], %swap3A_551 {strides = array<i32>} : memref<128x16xf32, #tpu.memory_space<vmem>>, vector<1x16xf32>,
        %scan3A_552 = arith.constant 0 : i32
        scf.yield %scan3A_552 : i32
      }
      %scan3A_48 = arith.constant 128 : i32
      "tpu.region"() ({
        %run_scoped3A = tpu.sem_alloc : memref<!tpu.dma_semaphore, #tpu.memory_space<semaphore_mem>>
        %dma_start3A_50 = arith.constant 0 : i32
        %dma_start3A_51 = tpu.memref_slice %arg7[%mul3A_31, %dma_start3A_50] : memref<327680x16xf32, #tpu.memory_space<hbm>> -> memref<128x16xf32, #tpu.memory_space<hbm>>
        %dma_start3A_52 = arith.constant 0 : i32
        %dma_start3A_53 = tpu.memref_slice %arg7[%mul3A_31, %dma_start3A_52] : memref<327680x16xf32, #tpu.memory_space<hbm>> -> memref<128x16xf32, #tpu.memory_space<hbm>>
        tpu.enqueue_dma source(%arg12 : memref<128x16xf32, #tpu.memory_space<vmem>>) target(%dma_start3A_53 : memref<128x16xf32, #tpu.memory_space<hbm>>) target_semaphore(%run_scoped3A : memref<!tpu.dma_semaphore, #tpu.memory_space<semaphore_mem>>)
        %dma_wait3A_54 = arith.constant 0 : i32
        %dma_wait3A_55 = tpu.memref_slice %arg7[%mul3A_31, %dma_wait3A_54] : memref<327680x16xf32, #tpu.memory_space<hbm>> -> memref<128x16xf32, #tpu.memory_space<hbm>>
        %dma_wait3A_56 = arith.constant 0 : i32
        %dma_wait3A_57 = tpu.memref_slice %arg7[%mul3A_31, %dma_wait3A_56] : memref<327680x16xf32, #tpu.memory_space<hbm>> -> memref<128x16xf32, #tpu.memory_space<hbm>>
        tpu.wait_dma2 semaphore(%run_scoped3A : memref<!tpu.dma_semaphore, #tpu.memory_space<semaphore_mem>>) src(%arg12 : memref<128x16xf32, #tpu.memory_space<vmem>>) dst(%dma_wait3A_57 : memref<128x16xf32, #tpu.memory_space<hbm>>)
        tpu.yield
      }) : () -> ()
      %scan3A_49 = arith.constant 0 : i32
      scf.yield %scan3A_49 : i32
    }
    %scan3A_24 = arith.constant 80 : i32
    return
  }
}

module attributes {stable_mosaic.version = 14 : i64} {
  func.func @_degtc_body(%arg0: i32, %arg1: memref<4000x1xi32, #tpu.memory_space<vmem>>, %arg2: memref<128x128xf32, #tpu.memory_space<vmem>>) attributes {dimension_semantics = [#tpu.dimension_semantics<arbitrary>], iteration_bounds = array<i64: 80>, scalar_prefetch = 0 : i64, scratch_operands = 0 : i64, tpu.core_type = #tpu.core_type<tc>, window_params = [{transform_indices = @transform_0, window_bounds = array<i64: 4000, 1>}, {pipeline_mode = #tpu.pipeline_mode<synchronous>, transform_indices = @transform_1, window_bounds = array<i64: 128, 128>}]} {
    %get3A = arith.constant 0 : index
    %get3A_0 = arith.constant 0 : index
    %get3A_1 = vector.load %arg1[%get3A, %get3A_0] : memref<4000x1xi32, #tpu.memory_space<vmem>>, vector<4000x1xi32>
    %and3A = arith.constant 127 : i32
    %and3A_2 = vector.broadcast %and3A : i32 to vector<4000x1xi32>
    %and3A_3 = arith.andi %get3A_1, %and3A_2 : vector<4000x1xi32>
    %shift_right_logical3A = arith.constant 7 : i32
    %shift_right_logical3A_4 = vector.broadcast %shift_right_logical3A : i32 to vector<4000x1xi32>
    %shift_right_logical3A_5 = arith.shrui %get3A_1, %shift_right_logical3A_4 : vector<4000x1xi32>
    %iota3A = tpu.iota {dimensions = array<i32: 1>} : vector<1x128xi32>
    %eq3A = vector.broadcast %and3A_3 : vector<4000x1xi32> to vector<4000x128xi32>
    %eq3A_6 = vector.broadcast %iota3A : vector<1x128xi32> to vector<4000x128xi32>
    %eq3A_7 = arith.cmpi eq, %eq3A, %eq3A_6 : vector<4000x128xi32>
    %convert_element_type3A = arith.extui %eq3A_7 : vector<4000x128xi1> to vector<4000x128xi32>
    %convert_element_type3A_8 = arith.sitofp %convert_element_type3A : vector<4000x128xi32> to vector<4000x128xf32>
    %convert_element_type3A_9 = arith.truncf %convert_element_type3A_8 : vector<4000x128xf32> to vector<4000x128xbf16>
    %eq3A_10 = vector.broadcast %shift_right_logical3A_5 : vector<4000x1xi32> to vector<4000x128xi32>
    %eq3A_11 = vector.broadcast %iota3A : vector<1x128xi32> to vector<4000x128xi32>
    %eq3A_12 = arith.cmpi eq, %eq3A_10, %eq3A_11 : vector<4000x128xi32>
    %convert_element_type3A_13 = arith.extui %eq3A_12 : vector<4000x128xi1> to vector<4000x128xi32>
    %convert_element_type3A_14 = arith.sitofp %convert_element_type3A_13 : vector<4000x128xi32> to vector<4000x128xf32>
    %convert_element_type3A_15 = arith.truncf %convert_element_type3A_14 : vector<4000x128xf32> to vector<4000x128xbf16>
    %dot_general3A = arith.constant dense<0.000000e+00> : vector<128x128xf32>
    %dot_general3A_16 = tpu.matmul %convert_element_type3A_9, %convert_element_type3A_15, %dot_general3A {dimension_numbers = #tpu.dot_dimension_numbers<[0], [0], [1], [1], [0, 1, 1, 1], [], []>, transpose_lhs_hint = false} : vector<4000x128xbf16>, vector<4000x128xbf16>, vector<128x128xf32> -> vector<128x128xf32>
    %eq3A_17 = arith.constant 0 : i32
    %eq3A_18 = arith.cmpi eq, %arg0, %eq3A_17 : i32
    %convert_element_type3A_19 = arith.extui %eq3A_18 : i1 to i32
    %cond3A = arith.constant 0 : i32
    %cond3A_20 = arith.cmpi ne, %convert_element_type3A_19, %cond3A : i32
    scf.if %cond3A_20 {
      %swap3A = arith.constant 0 : index
      %swap3A_25 = arith.constant 0 : index
      %swap3A_26 = vector.load %arg2[%swap3A, %swap3A_25] : memref<128x128xf32, #tpu.memory_space<vmem>>, vector<128x128xf32>
      tpu.vector_store %arg2[%swap3A, %swap3A_25], %dot_general3A_16 {strides = array<i32>} : memref<128x128xf32, #tpu.memory_space<vmem>>, vector<128x128xf32>,
    } else {
    }
    %gt3A = arith.constant 0 : i32
    %gt3A_21 = arith.cmpi sgt, %arg0, %gt3A : i32
    %convert_element_type3A_22 = arith.extui %gt3A_21 : i1 to i32
    %cond3A_23 = arith.constant 0 : i32
    %cond3A_24 = arith.cmpi ne, %convert_element_type3A_22, %cond3A_23 : i32
    scf.if %cond3A_24 {
      %get3A_25 = arith.constant 0 : index
      %get3A_26 = arith.constant 0 : index
      %get3A_27 = vector.load %arg2[%get3A_25, %get3A_26] : memref<128x128xf32, #tpu.memory_space<vmem>>, vector<128x128xf32>
      %add3A = arith.addf %get3A_27, %dot_general3A_16 : vector<128x128xf32>
      %swap3A = arith.constant 0 : index
      %swap3A_28 = arith.constant 0 : index
      %swap3A_29 = vector.load %arg2[%swap3A, %swap3A_28] : memref<128x128xf32, #tpu.memory_space<vmem>>, vector<128x128xf32>
      tpu.vector_store %arg2[%swap3A, %swap3A_28], %add3A {strides = array<i32>} : memref<128x128xf32, #tpu.memory_space<vmem>>, vector<128x128xf32>,
    } else {
    }
    return
  }
  func.func @transform_0(%arg0: i32) -> (i32, i32) {
    %c0_i32 = arith.constant 0 : i32
    %c0_i32_0 = arith.constant 0 : i32
    return %arg0, %c0_i32 : i32, i32
  }
  func.func @transform_1(%arg0: i32) -> (i32, i32) {
    %c0_i32 = arith.constant 0 : i32
    %c0_i32_0 = arith.constant 0 : i32
    %c0_i32_1 = arith.constant 0 : i32
    return %c0_i32, %c0_i32_0 : i32, i32
  }
}

module attributes {stable_mosaic.version = 14 : i64} {
  func.func @_prep_body(%arg0: i32, %arg1: memref<1000x128xf32, #tpu.memory_space<vmem>>, %arg2: memref<1x128xf32, #tpu.memory_space<vmem>>, %arg3: memref<1x128xf32, #tpu.memory_space<vmem>>, %arg4: memref<128x128xf32, #tpu.memory_space<vmem>>, %arg5: memref<128x128xf32, #tpu.memory_space<vmem>>, %arg6: memref<128x128xf32, #tpu.memory_space<vmem>>, %arg7: memref<1x128xf32, #tpu.memory_space<vmem>>, %arg8: memref<1x128xf32, #tpu.memory_space<vmem>>, %arg9: memref<1x128xf32, #tpu.memory_space<vmem>>, %arg10: memref<128x128xf32, #tpu.memory_space<vmem>>, %arg11: memref<1000x16xf32, #tpu.memory_space<vmem>>, %arg12: memref<1000x128xf32, #tpu.memory_space<vmem>>, %arg13: memref<1000x128xf32, #tpu.memory_space<vmem>>, %arg14: memref<1000x128xf32, #tpu.memory_space<vmem>>, %arg15: memref<1000x128xf32, #tpu.memory_space<vmem>>, %arg16: memref<1000x128xf32, #tpu.memory_space<vmem>>, %arg17: memref<1000x16xf32, #tpu.memory_space<vmem>>, %arg18: memref<1x128xf32, #tpu.memory_space<vmem>>, %arg19: memref<1x128xf32, #tpu.memory_space<vmem>>) attributes {dimension_semantics = [#tpu.dimension_semantics<arbitrary>], iteration_bounds = array<i64: 10>, scalar_prefetch = 0 : i64, scratch_operands = 0 : i64, tpu.core_type = #tpu.core_type<tc>, window_params = [{transform_indices = @transform_0, window_bounds = array<i64: 1000, 128>}, {pipeline_mode = #tpu.pipeline_mode<synchronous>, transform_indices = @transform_1, window_bounds = array<i64: 1, 128>}, {pipeline_mode = #tpu.pipeline_mode<synchronous>, transform_indices = @transform_2, window_bounds = array<i64: 1, 128>}, {pipeline_mode = #tpu.pipeline_mode<synchronous>, transform_indices = @transform_3, window_bounds = array<i64: 128, 128>}, {pipeline_mode = #tpu.pipeline_mode<synchronous>, transform_indices = @transform_4, window_bounds = array<i64: 128, 128>}, {pipeline_mode = #tpu.pipeline_mode<synchronous>, transform_indices = @transform_5, window_bounds = array<i64: 128, 128>}, {pipeline_mode = #tpu.pipeline_mode<synchronous>, transform_indices = @transform_6, window_bounds = array<i64: 1, 128>}, {pipeline_mode = #tpu.pipeline_mode<synchronous>, transform_indices = @transform_7, window_bounds = array<i64: 1, 128>}, {pipeline_mode = #tpu.pipeline_mode<synchronous>, transform_indices = @transform_8, window_bounds = array<i64: 1, 128>}, {pipeline_mode = #tpu.pipeline_mode<synchronous>, transform_indices = @transform_9, window_bounds = array<i64: 128, 128>}, {transform_indices = @transform_10, window_bounds = array<i64: 1000, 16>}, {transform_indices = @transform_11, window_bounds = array<i64: 1000, 128>}, {transform_indices = @transform_12, window_bounds = array<i64: 1000, 128>}, {transform_indices = @transform_13, window_bounds = array<i64: 1000, 128>}, {transform_indices = @transform_14, window_bounds = array<i64: 1000, 128>}, {transform_indices = @transform_15, window_bounds = array<i64: 1000, 128>}, {transform_indices = @transform_16, window_bounds = array<i64: 1000, 16>}, {pipeline_mode = #tpu.pipeline_mode<synchronous>, transform_indices = @transform_17, window_bounds = array<i64: 1, 128>}, {pipeline_mode = #tpu.pipeline_mode<synchronous>, transform_indices = @transform_18, window_bounds = array<i64: 1, 128>}]} {
    %get3A = arith.constant 0 : index
    %get3A_0 = arith.constant 0 : index
    %get3A_1 = vector.load %arg1[%get3A, %get3A_0] : memref<1000x128xf32, #tpu.memory_space<vmem>>, vector<1000x128xf32>
    %reduce_sum3A = arith.constant dense<0.000000e+00> : vector<1000xf32>
    %reduce_sum3A_2 = vector.multi_reduction <add>, %get3A_1, %reduce_sum3A [1] : vector<1000x128xf32> to vector<1000xf32>
    %broadcast_in_dim3A = vector.shape_cast %reduce_sum3A_2 : vector<1000xf32> to vector<1000x1xf32>
    %div3A = arith.constant 1.280000e+02 : f32
    %div3A_3 = vector.broadcast %div3A : f32 to vector<1000x1xf32>
    %div3A_4 = arith.divf %broadcast_in_dim3A, %div3A_3 : vector<1000x1xf32>
    %sub3A = vector.broadcast %div3A_4 : vector<1000x1xf32> to vector<1000x128xf32>
    %sub3A_5 = arith.subf %get3A_1, %sub3A : vector<1000x128xf32>
    %mul3A = arith.mulf %sub3A_5, %sub3A_5 : vector<1000x128xf32>
    %reduce_sum3A_6 = arith.constant dense<0.000000e+00> : vector<1000xf32>
    %reduce_sum3A_7 = vector.multi_reduction <add>, %mul3A, %reduce_sum3A_6 [1] : vector<1000x128xf32> to vector<1000xf32>
    %broadcast_in_dim3A_8 = vector.shape_cast %reduce_sum3A_7 : vector<1000xf32> to vector<1000x1xf32>
    %div3A_9 = arith.constant 1.280000e+02 : f32
    %div3A_10 = vector.broadcast %div3A_9 : f32 to vector<1000x1xf32>
    %div3A_11 = arith.divf %broadcast_in_dim3A_8, %div3A_10 : vector<1000x1xf32>
    %add3A = arith.constant 9.99999974E-6 : f32
    %add3A_12 = vector.broadcast %add3A : f32 to vector<1000x1xf32>
    %add3A_13 = arith.addf %div3A_11, %add3A_12 : vector<1000x1xf32>
    %rsqrt3A = math.rsqrt %add3A_13 : vector<1000x1xf32>
    %mul3A_14 = vector.broadcast %rsqrt3A : vector<1000x1xf32> to vector<1000x128xf32>
    %mul3A_15 = arith.mulf %sub3A_5, %mul3A_14 : vector<1000x128xf32>
    %get3A_16 = arith.constant 0 : index
    %get3A_17 = arith.constant 0 : index
    %get3A_18 = vector.load %arg2[%get3A_16, %get3A_17] : memref<1x128xf32, #tpu.memory_space<vmem>>, vector<1x128xf32>
    %mul3A_19 = vector.broadcast %get3A_18 : vector<1x128xf32> to vector<1000x128xf32>
    %mul3A_20 = arith.mulf %mul3A_15, %mul3A_19 : vector<1000x128xf32>
    %get3A_21 = arith.constant 0 : index
    %get3A_22 = arith.constant 0 : index
    %get3A_23 = vector.load %arg3[%get3A_21, %get3A_22] : memref<1x128xf32, #tpu.memory_space<vmem>>, vector<1x128xf32>
    %add3A_24 = vector.broadcast %get3A_23 : vector<1x128xf32> to vector<1000x128xf32>
    %add3A_25 = arith.addf %mul3A_20, %add3A_24 : vector<1000x128xf32>
    %get3A_26 = arith.constant 0 : index
    %get3A_27 = arith.constant 0 : index
    %get3A_28 = vector.load %arg4[%get3A_26, %get3A_27] : memref<128x128xf32, #tpu.memory_space<vmem>>, vector<128x128xf32>
    %dot_general3A = arith.constant dense<0.000000e+00> : vector<1000x128xf32>
    %dot_general3A_29 = tpu.matmul %add3A_25, %get3A_28, %dot_general3A {dimension_numbers = #tpu.dot_dimension_numbers<[1], [1], [0], [0], [0, 0, 1, 0], [], []>, transpose_lhs_hint = false} : vector<1000x128xf32>, vector<128x128xf32>, vector<1000x128xf32> -> vector<1000x128xf32>
    %get3A_30 = arith.constant 0 : index
    %get3A_31 = arith.constant 0 : index
    %get3A_32 = vector.load %arg5[%get3A_30, %get3A_31] : memref<128x128xf32, #tpu.memory_space<vmem>>, vector<128x128xf32>
    %dot_general3A_33 = arith.constant dense<0.000000e+00> : vector<1000x128xf32>
    %dot_general3A_34 = tpu.matmul %add3A_25, %get3A_32, %dot_general3A_33 {dimension_numbers = #tpu.dot_dimension_numbers<[1], [1], [0], [0], [0, 0, 1, 0], [], []>, transpose_lhs_hint = false} : vector<1000x128xf32>, vector<128x128xf32>, vector<1000x128xf32> -> vector<1000x128xf32>
    %get3A_35 = arith.constant 0 : index
    %get3A_36 = arith.constant 0 : index
    %get3A_37 = vector.load %arg6[%get3A_35, %get3A_36] : memref<128x128xf32, #tpu.memory_space<vmem>>, vector<128x128xf32>
    %dot_general3A_38 = arith.constant dense<0.000000e+00> : vector<1000x128xf32>
    %dot_general3A_39 = tpu.matmul %add3A_25, %get3A_37, %dot_general3A_38 {dimension_numbers = #tpu.dot_dimension_numbers<[1], [1], [0], [0], [0, 0, 1, 0], [], []>, transpose_lhs_hint = false} : vector<1000x128xf32>, vector<128x128xf32>, vector<1000x128xf32> -> vector<1000x128xf32>
    %get3A_40 = arith.constant 0 : index
    %get3A_41 = arith.constant 0 : index
    %get3A_42 = vector.load %arg7[%get3A_40, %get3A_41] : memref<1x128xf32, #tpu.memory_space<vmem>>, vector<1x128xf32>
    %mul3A_43 = vector.broadcast %get3A_42 : vector<1x128xf32> to vector<1000x128xf32>
    %mul3A_44 = arith.mulf %dot_general3A_34, %mul3A_43 : vector<1000x128xf32>
    %swap3A = arith.constant 0 : index
    %swap3A_45 = arith.constant 0 : index
    %swap3A_46 = vector.load %arg12[%swap3A, %swap3A_45] : memref<1000x128xf32, #tpu.memory_space<vmem>>, vector<1000x128xf32>
    tpu.vector_store %arg12[%swap3A, %swap3A_45], %dot_general3A_29 {strides = array<i32>} : memref<1000x128xf32, #tpu.memory_space<vmem>>, vector<1000x128xf32>,
    %swap3A_47 = arith.constant 0 : index
    %swap3A_48 = arith.constant 0 : index
    %swap3A_49 = vector.load %arg13[%swap3A_47, %swap3A_48] : memref<1000x128xf32, #tpu.memory_space<vmem>>, vector<1000x128xf32>
    tpu.vector_store %arg13[%swap3A_47, %swap3A_48], %mul3A_44 {strides = array<i32>} : memref<1000x128xf32, #tpu.memory_space<vmem>>, vector<1000x128xf32>,
    %swap3A_50 = arith.constant 0 : index
    %swap3A_51 = arith.constant 0 : index
    %swap3A_52 = vector.load %arg14[%swap3A_50, %swap3A_51] : memref<1000x128xf32, #tpu.memory_space<vmem>>, vector<1000x128xf32>
    tpu.vector_store %arg14[%swap3A_50, %swap3A_51], %dot_general3A_39 {strides = array<i32>} : memref<1000x128xf32, #tpu.memory_space<vmem>>, vector<1000x128xf32>,
    %get3A_53 = arith.constant 0 : index
    %get3A_54 = arith.constant 0 : index
    %get3A_55 = vector.load %arg8[%get3A_53, %get3A_54] : memref<1x128xf32, #tpu.memory_space<vmem>>, vector<1x128xf32>
    %mul3A_56 = vector.broadcast %get3A_55 : vector<1x128xf32> to vector<1000x128xf32>
    %mul3A_57 = arith.mulf %dot_general3A_29, %mul3A_56 : vector<1000x128xf32>
    %get3A_58 = arith.constant 0 : index
    %get3A_59 = arith.constant 0 : index
    %get3A_60 = vector.load %arg10[%get3A_58, %get3A_59] : memref<128x128xf32, #tpu.memory_space<vmem>>, vector<128x128xf32>
    %dot_general3A_61 = arith.constant dense<0.000000e+00> : vector<1000x128xf32>
    %dot_general3A_62 = tpu.matmul %mul3A_57, %get3A_60, %dot_general3A_61 {dimension_numbers = #tpu.dot_dimension_numbers<[1], [0], [0], [1], [0, 0, 1, 1], [], []>, transpose_lhs_hint = false} : vector<1000x128xf32>, vector<128x128xf32>, vector<1000x128xf32> -> vector<1000x128xf32>
    %swap3A_63 = arith.constant 0 : index
    %swap3A_64 = arith.constant 0 : index
    %swap3A_65 = vector.load %arg15[%swap3A_63, %swap3A_64] : memref<1000x128xf32, #tpu.memory_space<vmem>>, vector<1000x128xf32>
    tpu.vector_store %arg15[%swap3A_63, %swap3A_64], %dot_general3A_62 {strides = array<i32>} : memref<1000x128xf32, #tpu.memory_space<vmem>>, vector<1000x128xf32>,
    %get3A_66 = arith.constant 0 : index
    %get3A_67 = arith.constant 0 : index
    %get3A_68 = vector.load %arg9[%get3A_66, %get3A_67] : memref<1x128xf32, #tpu.memory_space<vmem>>, vector<1x128xf32>
    %mul3A_69 = vector.broadcast %get3A_68 : vector<1x128xf32> to vector<1000x128xf32>
    %mul3A_70 = arith.mulf %dot_general3A_34, %mul3A_69 : vector<1000x128xf32>
    %get3A_71 = arith.constant 0 : index
    %get3A_72 = arith.constant 0 : index
    %get3A_73 = vector.load %arg10[%get3A_71, %get3A_72] : memref<128x128xf32, #tpu.memory_space<vmem>>, vector<128x128xf32>
    %dot_general3A_74 = arith.constant dense<0.000000e+00> : vector<1000x128xf32>
    %dot_general3A_75 = tpu.matmul %mul3A_70, %get3A_73, %dot_general3A_74 {dimension_numbers = #tpu.dot_dimension_numbers<[1], [0], [0], [1], [0, 0, 1, 1], [], []>, transpose_lhs_hint = false} : vector<1000x128xf32>, vector<128x128xf32>, vector<1000x128xf32> -> vector<1000x128xf32>
    %swap3A_76 = arith.constant 0 : index
    %swap3A_77 = arith.constant 0 : index
    %swap3A_78 = vector.load %arg16[%swap3A_76, %swap3A_77] : memref<1000x128xf32, #tpu.memory_space<vmem>>, vector<1000x128xf32>
    tpu.vector_store %arg16[%swap3A_76, %swap3A_77], %dot_general3A_75 {strides = array<i32>} : memref<1000x128xf32, #tpu.memory_space<vmem>>, vector<1000x128xf32>,
    %get3A_79 = arith.constant 0 : index
    %get3A_80 = arith.constant 0 : index
    %get3A_81 = vector.load %arg11[%get3A_79, %get3A_80] : memref<1000x16xf32, #tpu.memory_space<vmem>>, vector<1000x16xf32>
    %max3A = arith.constant 1.000000e+00 : f32
    %max3A_82 = vector.broadcast %max3A : f32 to vector<1000x16xf32>
    %max3A_83 = arith.maximumf %get3A_81, %max3A_82 : vector<1000x16xf32>
    %log3A = math.log %max3A_83 : vector<1000x16xf32>
    %swap3A_84 = arith.constant 0 : index
    %swap3A_85 = arith.constant 0 : index
    %swap3A_86 = vector.load %arg17[%swap3A_84, %swap3A_85] : memref<1000x16xf32, #tpu.memory_space<vmem>>, vector<1000x16xf32>
    tpu.vector_store %arg17[%swap3A_84, %swap3A_85], %log3A {strides = array<i32>} : memref<1000x16xf32, #tpu.memory_space<vmem>>, vector<1000x16xf32>,
    %mul3A_87 = arith.mulf %dot_general3A_29, %dot_general3A_29 : vector<1000x128xf32>
    %get3A_88 = arith.constant 0 : index
    %get3A_89 = arith.constant 0 : index
    %get3A_90 = vector.load %arg10[%get3A_88, %get3A_89] : memref<128x128xf32, #tpu.memory_space<vmem>>, vector<128x128xf32>
    %dot_general3A_91 = arith.constant dense<0.000000e+00> : vector<1000x128xf32>
    %dot_general3A_92 = tpu.matmul %mul3A_87, %get3A_90, %dot_general3A_91 {dimension_numbers = #tpu.dot_dimension_numbers<[1], [0], [0], [1], [0, 0, 1, 1], [], []>, transpose_lhs_hint = false} : vector<1000x128xf32>, vector<128x128xf32>, vector<1000x128xf32> -> vector<1000x128xf32>
    %mul3A_93 = arith.mulf %mul3A_44, %mul3A_44 : vector<1000x128xf32>
    %get3A_94 = arith.constant 0 : index
    %get3A_95 = arith.constant 0 : index
    %get3A_96 = vector.load %arg10[%get3A_94, %get3A_95] : memref<128x128xf32, #tpu.memory_space<vmem>>, vector<128x128xf32>
    %dot_general3A_97 = arith.constant dense<0.000000e+00> : vector<1000x128xf32>
    %dot_general3A_98 = tpu.matmul %mul3A_93, %get3A_96, %dot_general3A_97 {dimension_numbers = #tpu.dot_dimension_numbers<[1], [0], [0], [1], [0, 0, 1, 1], [], []>, transpose_lhs_hint = false} : vector<1000x128xf32>, vector<128x128xf32>, vector<1000x128xf32> -> vector<1000x128xf32>
    %slice3A = vector.extract_strided_slice %log3A {offsets = [0, 0], sizes = [1000, 1], strides = [1, 1]} : vector<1000x16xf32> to vector<1000x1xf32>
    %slice3A_99 = vector.extract_strided_slice %log3A {offsets = [0, 0], sizes = [1000, 1], strides = [1, 1]} : vector<1000x16xf32> to vector<1000x1xf32>
    %mul3A_100 = arith.mulf %slice3A, %slice3A_99 : vector<1000x1xf32>
    %mul3A_101 = vector.broadcast %mul3A_100 : vector<1000x1xf32> to vector<1000x128xf32>
    %mul3A_102 = arith.mulf %dot_general3A_98, %mul3A_101 : vector<1000x128xf32>
    %reduce_max3A = arith.constant dense<0xFF800000> : vector<128xf32>
    %reduce_max3A_103 = vector.multi_reduction <maximumf>, %dot_general3A_92, %reduce_max3A [0] : vector<1000x128xf32> to vector<128xf32>
    %broadcast_in_dim3A_104 = vector.shape_cast %reduce_max3A_103 : vector<128xf32> to vector<1x128xf32>
    %reduce_max3A_105 = arith.constant dense<0xFF800000> : vector<128xf32>
    %reduce_max3A_106 = vector.multi_reduction <maximumf>, %mul3A_102, %reduce_max3A_105 [0] : vector<1000x128xf32> to vector<128xf32>
    %broadcast_in_dim3A_107 = vector.shape_cast %reduce_max3A_106 : vector<128xf32> to vector<1x128xf32>
    %eq3A = arith.constant 0 : i32
    %eq3A_108 = arith.cmpi eq, %arg0, %eq3A : i32
    %convert_element_type3A = arith.extui %eq3A_108 : i1 to i32
    %cond3A = arith.constant 0 : i32
    %cond3A_109 = arith.cmpi ne, %convert_element_type3A, %cond3A : i32
    scf.if %cond3A_109 {
      %swap3A_114 = arith.constant 0 : index
      %swap3A_115 = arith.constant 0 : index
      %swap3A_116 = vector.load %arg18[%swap3A_114, %swap3A_115] : memref<1x128xf32, #tpu.memory_space<vmem>>, vector<1x128xf32>
      tpu.vector_store %arg18[%swap3A_114, %swap3A_115], %broadcast_in_dim3A_104 {strides = array<i32>} : memref<1x128xf32, #tpu.memory_space<vmem>>, vector<1x128xf32>,
      %swap3A_117 = arith.constant 0 : index
      %swap3A_118 = arith.constant 0 : index
      %swap3A_119 = vector.load %arg19[%swap3A_117, %swap3A_118] : memref<1x128xf32, #tpu.memory_space<vmem>>, vector<1x128xf32>
      tpu.vector_store %arg19[%swap3A_117, %swap3A_118], %broadcast_in_dim3A_107 {strides = array<i32>} : memref<1x128xf32, #tpu.memory_space<vmem>>, vector<1x128xf32>,
    } else {
    }
    %gt3A = arith.constant 0 : i32
    %gt3A_110 = arith.cmpi sgt, %arg0, %gt3A : i32
    %convert_element_type3A_111 = arith.extui %gt3A_110 : i1 to i32
    %cond3A_112 = arith.constant 0 : i32
    %cond3A_113 = arith.cmpi ne, %convert_element_type3A_111, %cond3A_112 : i32
    scf.if %cond3A_113 {
      %get3A_114 = arith.constant 0 : index
      %get3A_115 = arith.constant 0 : index
      %get3A_116 = vector.load %arg18[%get3A_114, %get3A_115] : memref<1x128xf32, #tpu.memory_space<vmem>>, vector<1x128xf32>
      %max3A_117 = arith.maximumf %get3A_116, %broadcast_in_dim3A_104 : vector<1x128xf32>
      %swap3A_118 = arith.constant 0 : index
      %swap3A_119 = arith.constant 0 : index
      %swap3A_120 = vector.load %arg18[%swap3A_118, %swap3A_119] : memref<1x128xf32, #tpu.memory_space<vmem>>, vector<1x128xf32>
      tpu.vector_store %arg18[%swap3A_118, %swap3A_119], %max3A_117 {strides = array<i32>} : memref<1x128xf32, #tpu.memory_space<vmem>>, vector<1x128xf32>,
      %get3A_121 = arith.constant 0 : index
      %get3A_122 = arith.constant 0 : index
      %get3A_123 = vector.load %arg19[%get3A_121, %get3A_122] : memref<1x128xf32, #tpu.memory_space<vmem>>, vector<1x128xf32>
      %max3A_124 = arith.maximumf %get3A_123, %broadcast_in_dim3A_107 : vector<1x128xf32>
      %swap3A_125 = arith.constant 0 : index
      %swap3A_126 = arith.constant 0 : index
      %swap3A_127 = vector.load %arg19[%swap3A_125, %swap3A_126] : memref<1x128xf32, #tpu.memory_space<vmem>>, vector<1x128xf32>
      tpu.vector_store %arg19[%swap3A_125, %swap3A_126], %max3A_124 {strides = array<i32>} : memref<1x128xf32, #tpu.memory_space<vmem>>, vector<1x128xf32>,
    } else {
    }
    return
  }
  func.func @transform_0(%arg0: i32) -> (i32, i32) {
    %c0_i32 = arith.constant 0 : i32
    %c0_i32_0 = arith.constant 0 : i32
    return %arg0, %c0_i32 : i32, i32
  }
  func.func @transform_1(%arg0: i32) -> (i32, i32) {
    %c0_i32 = arith.constant 0 : i32
    %c0_i32_0 = arith.constant 0 : i32
    %c0_i32_1 = arith.constant 0 : i32
    return %c0_i32, %c0_i32_0 : i32, i32
  }
  func.func @transform_2(%arg0: i32) -> (i32, i32) {
    %c0_i32 = arith.constant 0 : i32
    %c0_i32_0 = arith.constant 0 : i32
    %c0_i32_1 = arith.constant 0 : i32
    return %c0_i32, %c0_i32_0 : i32, i32
  }
  func.func @transform_3(%arg0: i32) -> (i32, i32) {
    %c0_i32 = arith.constant 0 : i32
    %c0_i32_0 = arith.constant 0 : i32
    %c0_i32_1 = arith.constant 0 : i32
    return %c0_i32, %c0_i32_0 : i32, i32
  }
  func.func @transform_4(%arg0: i32) -> (i32, i32) {
    %c0_i32 = arith.constant 0 : i32
    %c0_i32_0 = arith.constant 0 : i32
    %c0_i32_1 = arith.constant 0 : i32
    return %c0_i32, %c0_i32_0 : i32, i32
  }
  func.func @transform_5(%arg0: i32) -> (i32, i32) {
    %c0_i32 = arith.constant 0 : i32
    %c0_i32_0 = arith.constant 0 : i32
    %c0_i32_1 = arith.constant 0 : i32
    return %c0_i32, %c0_i32_0 : i32, i32
  }
  func.func @transform_6(%arg0: i32) -> (i32, i32) {
    %c0_i32 = arith.constant 0 : i32
    %c0_i32_0 = arith.constant 0 : i32
    %c0_i32_1 = arith.constant 0 : i32
    return %c0_i32, %c0_i32_0 : i32, i32
  }
  func.func @transform_7(%arg0: i32) -> (i32, i32) {
    %c0_i32 = arith.constant 0 : i32
    %c0_i32_0 = arith.constant 0 : i32
    %c0_i32_1 = arith.constant 0 : i32
    return %c0_i32, %c0_i32_0 : i32, i32
  }
  func.func @transform_8(%arg0: i32) -> (i32, i32) {
    %c0_i32 = arith.constant 0 : i32
    %c0_i32_0 = arith.constant 0 : i32
    %c0_i32_1 = arith.constant 0 : i32
    return %c0_i32, %c0_i32_0 : i32, i32
  }
  func.func @transform_9(%arg0: i32) -> (i32, i32) {
    %c0_i32 = arith.constant 0 : i32
    %c0_i32_0 = arith.constant 0 : i32
    %c0_i32_1 = arith.constant 0 : i32
    return %c0_i32, %c0_i32_0 : i32, i32
  }
  func.func @transform_10(%arg0: i32) -> (i32, i32) {
    %c0_i32 = arith.constant 0 : i32
    %c0_i32_0 = arith.constant 0 : i32
    return %arg0, %c0_i32 : i32, i32
  }
  func.func @transform_11(%arg0: i32) -> (i32, i32) {
    %c0_i32 = arith.constant 0 : i32
    %c0_i32_0 = arith.constant 0 : i32
    return %arg0, %c0_i32 : i32, i32
  }
  func.func @transform_12(%arg0: i32) -> (i32, i32) {
    %c0_i32 = arith.constant 0 : i32
    %c0_i32_0 = arith.constant 0 : i32
    return %arg0, %c0_i32 : i32, i32
  }
  func.func @transform_13(%arg0: i32) -> (i32, i32) {
    %c0_i32 = arith.constant 0 : i32
    %c0_i32_0 = arith.constant 0 : i32
    return %arg0, %c0_i32 : i32, i32
  }
  func.func @transform_14(%arg0: i32) -> (i32, i32) {
    %c0_i32 = arith.constant 0 : i32
    %c0_i32_0 = arith.constant 0 : i32
    return %arg0, %c0_i32 : i32, i32
  }
  func.func @transform_15(%arg0: i32) -> (i32, i32) {
    %c0_i32 = arith.constant 0 : i32
    %c0_i32_0 = arith.constant 0 : i32
    return %arg0, %c0_i32 : i32, i32
  }
  func.func @transform_16(%arg0: i32) -> (i32, i32) {
    %c0_i32 = arith.constant 0 : i32
    %c0_i32_0 = arith.constant 0 : i32
    return %arg0, %c0_i32 : i32, i32
  }
  func.func @transform_17(%arg0: i32) -> (i32, i32) {
    %c0_i32 = arith.constant 0 : i32
    %c0_i32_0 = arith.constant 0 : i32
    %c0_i32_1 = arith.constant 0 : i32
    return %c0_i32, %c0_i32_0 : i32, i32
  }
  func.func @transform_18(%arg0: i32) -> (i32, i32) {
    %c0_i32 = arith.constant 0 : i32
    %c0_i32_0 = arith.constant 0 : i32
    %c0_i32_1 = arith.constant 0 : i32
    return %c0_i32, %c0_i32_0 : i32, i32
  }
}

module attributes {stable_mosaic.version = 14 : i64} {
  func.func @_rinv_body(%arg0: i32, %arg1: memref<1000x128xf32, #tpu.memory_space<vmem>>, %arg2: memref<1000x128xf32, #tpu.memory_space<vmem>>, %arg3: memref<1000x128xf32, #tpu.memory_space<vmem>>) attributes {dimension_semantics = [#tpu.dimension_semantics<arbitrary>], iteration_bounds = array<i64: 10>, scalar_prefetch = 0 : i64, scratch_operands = 0 : i64, tpu.core_type = #tpu.core_type<tc>, window_params = [{transform_indices = @transform_0, window_bounds = array<i64: 1000, 128>}, {transform_indices = @transform_1, window_bounds = array<i64: 1000, 128>}, {transform_indices = @transform_2, window_bounds = array<i64: 1000, 128>}]} {
    %get3A = arith.constant 0 : index
    %get3A_0 = arith.constant 0 : index
    %get3A_1 = vector.load %arg1[%get3A, %get3A_0] : memref<1000x128xf32, #tpu.memory_space<vmem>>, vector<1000x128xf32>
    %get3A_2 = arith.constant 0 : index
    %get3A_3 = arith.constant 0 : index
    %get3A_4 = vector.load %arg2[%get3A_2, %get3A_3] : memref<1000x128xf32, #tpu.memory_space<vmem>>, vector<1000x128xf32>
    %add3A = arith.addf %get3A_1, %get3A_4 : vector<1000x128xf32>
    %max3A = arith.constant 1.000000e-30 : f32
    %max3A_5 = vector.broadcast %max3A : f32 to vector<1000x128xf32>
    %max3A_6 = arith.maximumf %add3A, %max3A_5 : vector<1000x128xf32>
    %div3A = arith.constant 8.500000e-01 : f32
    %div3A_7 = vector.broadcast %div3A : f32 to vector<1000x128xf32>
    %div3A_8 = arith.divf %div3A_7, %max3A_6 : vector<1000x128xf32>
    %swap3A = arith.constant 0 : index
    %swap3A_9 = arith.constant 0 : index
    %swap3A_10 = vector.load %arg3[%swap3A, %swap3A_9] : memref<1000x128xf32, #tpu.memory_space<vmem>>, vector<1000x128xf32>
    tpu.vector_store %arg3[%swap3A, %swap3A_9], %div3A_8 {strides = array<i32>} : memref<1000x128xf32, #tpu.memory_space<vmem>>, vector<1000x128xf32>,
    return
  }
  func.func @transform_0(%arg0: i32) -> (i32, i32) {
    %c0_i32 = arith.constant 0 : i32
    %c0_i32_0 = arith.constant 0 : i32
    return %arg0, %c0_i32 : i32, i32
  }
  func.func @transform_1(%arg0: i32) -> (i32, i32) {
    %c0_i32 = arith.constant 0 : i32
    %c0_i32_0 = arith.constant 0 : i32
    return %arg0, %c0_i32 : i32, i32
  }
  func.func @transform_2(%arg0: i32) -> (i32, i32) {
    %c0_i32 = arith.constant 0 : i32
    %c0_i32_0 = arith.constant 0 : i32
    return %arg0, %c0_i32 : i32, i32
  }
}

module attributes {stable_mosaic.version = 14 : i64} {
  func.func @_comb_body(%arg0: i32, %arg1: memref<1000x128xf32, #tpu.memory_space<vmem>>, %arg2: memref<1000x128xf32, #tpu.memory_space<vmem>>, %arg3: memref<1000x128xf32, #tpu.memory_space<vmem>>, %arg4: memref<1000x128xf32, #tpu.memory_space<vmem>>, %arg5: memref<1000x128xf32, #tpu.memory_space<vmem>>) attributes {dimension_semantics = [#tpu.dimension_semantics<arbitrary>], iteration_bounds = array<i64: 10>, scalar_prefetch = 0 : i64, scratch_operands = 0 : i64, tpu.core_type = #tpu.core_type<tc>, window_params = [{transform_indices = @transform_0, window_bounds = array<i64: 1000, 128>}, {transform_indices = @transform_1, window_bounds = array<i64: 1000, 128>}, {transform_indices = @transform_2, window_bounds = array<i64: 1000, 128>}, {transform_indices = @transform_3, window_bounds = array<i64: 1000, 128>}, {transform_indices = @transform_4, window_bounds = array<i64: 1000, 128>}]} {
    %get3A = arith.constant 0 : index
    %get3A_0 = arith.constant 0 : index
    %get3A_1 = vector.load %arg3[%get3A, %get3A_0] : memref<1000x128xf32, #tpu.memory_space<vmem>>, vector<1000x128xf32>
    %get3A_2 = arith.constant 0 : index
    %get3A_3 = arith.constant 0 : index
    %get3A_4 = vector.load %arg1[%get3A_2, %get3A_3] : memref<1000x128xf32, #tpu.memory_space<vmem>>, vector<1000x128xf32>
    %get3A_5 = arith.constant 0 : index
    %get3A_6 = arith.constant 0 : index
    %get3A_7 = vector.load %arg2[%get3A_5, %get3A_6] : memref<1000x128xf32, #tpu.memory_space<vmem>>, vector<1000x128xf32>
    %add3A = arith.addf %get3A_4, %get3A_7 : vector<1000x128xf32>
    %mul3A = arith.mulf %get3A_1, %add3A : vector<1000x128xf32>
    %get3A_8 = arith.constant 0 : index
    %get3A_9 = arith.constant 0 : index
    %get3A_10 = vector.load %arg4[%get3A_8, %get3A_9] : memref<1000x128xf32, #tpu.memory_space<vmem>>, vector<1000x128xf32>
    %mul3A_11 = arith.constant 1.500000e-01 : f32
    %mul3A_12 = vector.broadcast %mul3A_11 : f32 to vector<1000x128xf32>
    %mul3A_13 = arith.mulf %mul3A_12, %get3A_10 : vector<1000x128xf32>
    %add3A_14 = arith.addf %mul3A, %mul3A_13 : vector<1000x128xf32>
    %swap3A = arith.constant 0 : index
    %swap3A_15 = arith.constant 0 : index
    %swap3A_16 = vector.load %arg5[%swap3A, %swap3A_15] : memref<1000x128xf32, #tpu.memory_space<vmem>>, vector<1000x128xf32>
    tpu.vector_store %arg5[%swap3A, %swap3A_15], %add3A_14 {strides = array<i32>} : memref<1000x128xf32, #tpu.memory_space<vmem>>, vector<1000x128xf32>,
    return
  }
  func.func @transform_0(%arg0: i32) -> (i32, i32) {
    %c0_i32 = arith.constant 0 : i32
    %c0_i32_0 = arith.constant 0 : i32
    return %arg0, %c0_i32 : i32, i32
  }
  func.func @transform_1(%arg0: i32) -> (i32, i32) {
    %c0_i32 = arith.constant 0 : i32
    %c0_i32_0 = arith.constant 0 : i32
    return %arg0, %c0_i32 : i32, i32
  }
  func.func @transform_2(%arg0: i32) -> (i32, i32) {
    %c0_i32 = arith.constant 0 : i32
    %c0_i32_0 = arith.constant 0 : i32
    return %arg0, %c0_i32 : i32, i32
  }
  func.func @transform_3(%arg0: i32) -> (i32, i32) {
    %c0_i32 = arith.constant 0 : i32
    %c0_i32_0 = arith.constant 0 : i32
    return %arg0, %c0_i32 : i32, i32
  }
  func.func @transform_4(%arg0: i32) -> (i32, i32) {
    %c0_i32 = arith.constant 0 : i32
    %c0_i32_0 = arith.constant 0 : i32
    return %arg0, %c0_i32 : i32, i32
  }
}

module attributes {stable_mosaic.version = 14 : i64} {
  func.func @_final_body(%arg0: i32, %arg1: memref<1000x128xf32, #tpu.memory_space<vmem>>, %arg2: memref<1000x128xf32, #tpu.memory_space<vmem>>, %arg3: memref<1x128xf32, #tpu.memory_space<vmem>>, %arg4: memref<1x128xf32, #tpu.memory_space<vmem>>, %arg5: memref<512x128xf32, #tpu.memory_space<vmem>>, %arg6: memref<1x512xf32, #tpu.memory_space<vmem>>, %arg7: memref<128x512xf32, #tpu.memory_space<vmem>>, %arg8: memref<1x128xf32, #tpu.memory_space<vmem>>, %arg9: memref<1000x128xf32, #tpu.memory_space<vmem>>) attributes {dimension_semantics = [#tpu.dimension_semantics<arbitrary>], iteration_bounds = array<i64: 10>, scalar_prefetch = 0 : i64, scratch_operands = 0 : i64, tpu.core_type = #tpu.core_type<tc>, window_params = [{transform_indices = @transform_0, window_bounds = array<i64: 1000, 128>}, {transform_indices = @transform_1, window_bounds = array<i64: 1000, 128>}, {pipeline_mode = #tpu.pipeline_mode<synchronous>, transform_indices = @transform_2, window_bounds = array<i64: 1, 128>}, {pipeline_mode = #tpu.pipeline_mode<synchronous>, transform_indices = @transform_3, window_bounds = array<i64: 1, 128>}, {pipeline_mode = #tpu.pipeline_mode<synchronous>, transform_indices = @transform_4, window_bounds = array<i64: 512, 128>}, {pipeline_mode = #tpu.pipeline_mode<synchronous>, transform_indices = @transform_5, window_bounds = array<i64: 1, 512>}, {pipeline_mode = #tpu.pipeline_mode<synchronous>, transform_indices = @transform_6, window_bounds = array<i64: 128, 512>}, {pipeline_mode = #tpu.pipeline_mode<synchronous>, transform_indices = @transform_7, window_bounds = array<i64: 1, 128>}, {transform_indices = @transform_8, window_bounds = array<i64: 1000, 128>}]} {
    %get3A = arith.constant 0 : index
    %get3A_0 = arith.constant 0 : index
    %get3A_1 = vector.load %arg1[%get3A, %get3A_0] : memref<1000x128xf32, #tpu.memory_space<vmem>>, vector<1000x128xf32>
    %get3A_2 = arith.constant 0 : index
    %get3A_3 = arith.constant 0 : index
    %get3A_4 = vector.load %arg2[%get3A_2, %get3A_3] : memref<1000x128xf32, #tpu.memory_space<vmem>>, vector<1000x128xf32>
    %add3A = arith.addf %get3A_1, %get3A_4 : vector<1000x128xf32>
    %reduce_sum3A = arith.constant dense<0.000000e+00> : vector<1000xf32>
    %reduce_sum3A_5 = vector.multi_reduction <add>, %add3A, %reduce_sum3A [1] : vector<1000x128xf32> to vector<1000xf32>
    %broadcast_in_dim3A = vector.shape_cast %reduce_sum3A_5 : vector<1000xf32> to vector<1000x1xf32>
    %div3A = arith.constant 1.280000e+02 : f32
    %div3A_6 = vector.broadcast %div3A : f32 to vector<1000x1xf32>
    %div3A_7 = arith.divf %broadcast_in_dim3A, %div3A_6 : vector<1000x1xf32>
    %sub3A = vector.broadcast %div3A_7 : vector<1000x1xf32> to vector<1000x128xf32>
    %sub3A_8 = arith.subf %add3A, %sub3A : vector<1000x128xf32>
    %mul3A = arith.mulf %sub3A_8, %sub3A_8 : vector<1000x128xf32>
    %reduce_sum3A_9 = arith.constant dense<0.000000e+00> : vector<1000xf32>
    %reduce_sum3A_10 = vector.multi_reduction <add>, %mul3A, %reduce_sum3A_9 [1] : vector<1000x128xf32> to vector<1000xf32>
    %broadcast_in_dim3A_11 = vector.shape_cast %reduce_sum3A_10 : vector<1000xf32> to vector<1000x1xf32>
    %div3A_12 = arith.constant 1.280000e+02 : f32
    %div3A_13 = vector.broadcast %div3A_12 : f32 to vector<1000x1xf32>
    %div3A_14 = arith.divf %broadcast_in_dim3A_11, %div3A_13 : vector<1000x1xf32>
    %add3A_15 = arith.constant 9.99999974E-6 : f32
    %add3A_16 = vector.broadcast %add3A_15 : f32 to vector<1000x1xf32>
    %add3A_17 = arith.addf %div3A_14, %add3A_16 : vector<1000x1xf32>
    %rsqrt3A = math.rsqrt %add3A_17 : vector<1000x1xf32>
    %mul3A_18 = vector.broadcast %rsqrt3A : vector<1000x1xf32> to vector<1000x128xf32>
    %mul3A_19 = arith.mulf %sub3A_8, %mul3A_18 : vector<1000x128xf32>
    %get3A_20 = arith.constant 0 : index
    %get3A_21 = arith.constant 0 : index
    %get3A_22 = vector.load %arg3[%get3A_20, %get3A_21] : memref<1x128xf32, #tpu.memory_space<vmem>>, vector<1x128xf32>
    %mul3A_23 = vector.broadcast %get3A_22 : vector<1x128xf32> to vector<1000x128xf32>
    %mul3A_24 = arith.mulf %mul3A_19, %mul3A_23 : vector<1000x128xf32>
    %get3A_25 = arith.constant 0 : index
    %get3A_26 = arith.constant 0 : index
    %get3A_27 = vector.load %arg4[%get3A_25, %get3A_26] : memref<1x128xf32, #tpu.memory_space<vmem>>, vector<1x128xf32>
    %add3A_28 = vector.broadcast %get3A_27 : vector<1x128xf32> to vector<1000x128xf32>
    %add3A_29 = arith.addf %mul3A_24, %add3A_28 : vector<1000x128xf32>
    %get3A_30 = arith.constant 0 : index
    %get3A_31 = arith.constant 0 : index
    %get3A_32 = vector.load %arg5[%get3A_30, %get3A_31] : memref<512x128xf32, #tpu.memory_space<vmem>>, vector<512x128xf32>
    %dot_general3A = arith.constant dense<0.000000e+00> : vector<1000x512xf32>
    %dot_general3A_33 = tpu.matmul %add3A_29, %get3A_32, %dot_general3A {dimension_numbers = #tpu.dot_dimension_numbers<[1], [1], [0], [0], [0, 0, 1, 0], [], []>, transpose_lhs_hint = false} : vector<1000x128xf32>, vector<512x128xf32>, vector<1000x512xf32> -> vector<1000x512xf32>
    %get3A_34 = arith.constant 0 : index
    %get3A_35 = arith.constant 0 : index
    %get3A_36 = vector.load %arg6[%get3A_34, %get3A_35] : memref<1x512xf32, #tpu.memory_space<vmem>>, vector<1x512xf32>
    %add3A_37 = vector.broadcast %get3A_36 : vector<1x512xf32> to vector<1000x512xf32>
    %add3A_38 = arith.addf %dot_general3A_33, %add3A_37 : vector<1000x512xf32>
    %max3A = arith.constant 0.000000e+00 : f32
    %max3A_39 = vector.broadcast %max3A : f32 to vector<1000x512xf32>
    %max3A_40 = arith.maximumf %add3A_38, %max3A_39 : vector<1000x512xf32>
    %get3A_41 = arith.constant 0 : index
    %get3A_42 = arith.constant 0 : index
    %get3A_43 = vector.load %arg7[%get3A_41, %get3A_42] : memref<128x512xf32, #tpu.memory_space<vmem>>, vector<128x512xf32>
    %dot_general3A_44 = arith.constant dense<0.000000e+00> : vector<1000x128xf32>
    %dot_general3A_45 = tpu.matmul %max3A_40, %get3A_43, %dot_general3A_44 {dimension_numbers = #tpu.dot_dimension_numbers<[1], [1], [0], [0], [0, 0, 1, 0], [], []>, transpose_lhs_hint = false} : vector<1000x512xf32>, vector<128x512xf32>, vector<1000x128xf32> -> vector<1000x128xf32>
    %get3A_46 = arith.constant 0 : index
    %get3A_47 = arith.constant 0 : index
    %get3A_48 = vector.load %arg8[%get3A_46, %get3A_47] : memref<1x128xf32, #tpu.memory_space<vmem>>, vector<1x128xf32>
    %add3A_49 = vector.broadcast %get3A_48 : vector<1x128xf32> to vector<1000x128xf32>
    %add3A_50 = arith.addf %dot_general3A_45, %add3A_49 : vector<1000x128xf32>
    %add3A_51 = arith.addf %add3A_50, %add3A : vector<1000x128xf32>
    %swap3A = arith.constant 0 : index
    %swap3A_52 = arith.constant 0 : index
    %swap3A_53 = vector.load %arg9[%swap3A, %swap3A_52] : memref<1000x128xf32, #tpu.memory_space<vmem>>, vector<1000x128xf32>
    tpu.vector_store %arg9[%swap3A, %swap3A_52], %add3A_51 {strides = array<i32>} : memref<1000x128xf32, #tpu.memory_space<vmem>>, vector<1000x128xf32>,
    return
  }
  func.func @transform_0(%arg0: i32) -> (i32, i32) {
    %c0_i32 = arith.constant 0 : i32
    %c0_i32_0 = arith.constant 0 : i32
    return %arg0, %c0_i32 : i32, i32
  }
  func.func @transform_1(%arg0: i32) -> (i32, i32) {
    %c0_i32 = arith.constant 0 : i32
    %c0_i32_0 = arith.constant 0 : i32
    return %arg0, %c0_i32 : i32, i32
  }
  func.func @transform_2(%arg0: i32) -> (i32, i32) {
    %c0_i32 = arith.constant 0 : i32
    %c0_i32_0 = arith.constant 0 : i32
    %c0_i32_1 = arith.constant 0 : i32
    return %c0_i32, %c0_i32_0 : i32, i32
  }
  func.func @transform_3(%arg0: i32) -> (i32, i32) {
    %c0_i32 = arith.constant 0 : i32
    %c0_i32_0 = arith.constant 0 : i32
    %c0_i32_1 = arith.constant 0 : i32
    return %c0_i32, %c0_i32_0 : i32, i32
  }
  func.func @transform_4(%arg0: i32) -> (i32, i32) {
    %c0_i32 = arith.constant 0 : i32
    %c0_i32_0 = arith.constant 0 : i32
    %c0_i32_1 = arith.constant 0 : i32
    return %c0_i32, %c0_i32_0 : i32, i32
  }
  func.func @transform_5(%arg0: i32) -> (i32, i32) {
    %c0_i32 = arith.constant 0 : i32
    %c0_i32_0 = arith.constant 0 : i32
    %c0_i32_1 = arith.constant 0 : i32
    return %c0_i32, %c0_i32_0 : i32, i32
  }
  func.func @transform_6(%arg0: i32) -> (i32, i32) {
    %c0_i32 = arith.constant 0 : i32
    %c0_i32_0 = arith.constant 0 : i32
    %c0_i32_1 = arith.constant 0 : i32
    return %c0_i32, %c0_i32_0 : i32, i32
  }
  func.func @transform_7(%arg0: i32) -> (i32, i32) {
    %c0_i32 = arith.constant 0 : i32
    %c0_i32_0 = arith.constant 0 : i32
    %c0_i32_1 = arith.constant 0 : i32
    return %c0_i32, %c0_i32_0 : i32, i32
  }
  func.func @transform_8(%arg0: i32) -> (i32, i32) {
    %c0_i32 = arith.constant 0 : i32
    %c0_i32_0 = arith.constant 0 : i32
    return %arg0, %c0_i32 : i32, i32
  }
}

</mosaic_0001>

<sc_bundles>
// kernel: closed_call.30.cloned.1.call-start
scs
__scs_entry_jumppad:
0x0: {  	(pc) =	sbr.rel $0x88, $3  }
0x1: {  	(tag) =	ssettag $0x0;
	lr =	simm.s32 $0x1  }
0x2: {  	[smem:$0x3F91] =	sst lr;
	_ =	strace $0xD0000000  }
0x3: {  	_ = 	snop  }
0x4: {  	_ = 	snop  }
0x5: {  	_ = 	snop  }
0x6: {  	_ = 	snop  }
0x7: {  	_ = 	snop  }
__scs_overlays_trampoline_lowered:
0x8: {  	[smem:$0x3FA0] =	sst s0  }
0x9: {  	[smem:$0x3FA1] =	sst s1  }
0xa: {  	[smem:$0x3FA2] =	sst s2  }
0xb: {  	[smem:$0x3FA3] =	sst s3  }
0xc: {  	[smem:$0x3FA4] =	sst s4  }
0xd: {  	[smem:$0x3FA5] =	sst s5  }
0xe: {  	[smem:$0x3FA6] =	sst s6  }
0xf: {  	[smem:$0x3FA7] =	sst s7  }
0x10: {  	[smem:$0x3FA8] =	sst s8  }
0x11: {  	[smem:$0x3FA9] =	sst s9;
	s0 =	simm.s32 @!p0 $0x0  }
0x12: {  	s1 =	sld [smem:$0x3F8F];
	s0 =	simm.s32 @p0 $0x1  }
0x13: {  	[smem:$0x3FAA] =	sst s0;
	s0 =	simm.s32 @!p1 $0x0  }
0x14: {  	s2 =	sld [smem:$0x3F8E];
	s0 =	simm.s32 @p1 $0x1  }
0x15: {  	[smem:$0x3FAB] =	sst s0;
	s0 =	simm.s32 @!p2 $0x0  }
0x16: {  	s3 =	sld [smem:$0x3FDB];
	s0 =	simm.s32 @p2 $0x1  }
0x17: {  	s4 =	simm.s32 $0x1BF5;
	[smem:$0x3FAD] =	sst s0  }
0x18: {  	s0 =	sld [smem:$0x3F90];
	_ =	swait.ge [sflag:s4], $0x0  }
0x19: {  	s7 =	sld [smem:$0x3F91]  }
0x1a: {  	s8 =	sadd.s32 $0xFFFFE003, lr  }
0x1b: {  	s9 =	sadd.s32 $0xFFFFFEF7, lr;
	s5 =	simm.s32 $0xFFFFFFFF;
	p2 =	slt.u32 s8, $0xFFFFF086  }
0x1c: {  	p1 =	slt.u32 s9, $0xF7A;
	s5 =	simm.s32 @!p2 $0x0  }
0x1d: {  	s5 =	simm.s32 @p1 $0x1;
	p0 =	seq.s32 s7, s2  }
0x1e: {  	s7 =	smul.u32 @!p0 $0xF7A, s2;
	p2 =	seq.s32 @!p0 s5, $0x0  }
0x1f: {  	s9 =	smul.u32 $0xF7A, s1;
	s8 =	simm.s32 @!p0 $0x1BF5;
	p2 =	por !p2, p0  }
0x20: {  	[sflag:s8] =	ssyncset.s32 @!p0 $0xFFFFF086;
	s6 =	sadd.s32 @!p0 s3, s7;
	s7 =	simm.s32 @!p0 $0x108  }
0x21: {  	s3 =	sadd.s32 s3, s9;
	s6 =	sadd.s32 @!p0 $0x88, s6;
	s7 =	simm.s32 @p2 $0x1082  }
0x22: {  	[simem:s7], [sflag:s8] =	dma.local @!p0 [hbm:s6], $0xF7A  }
0x23: {  	s9 =	sor.u32 $0xD0000000, s2;
	s6 =	simm.s32 $0x108;
	_ =	swait.ge @!p0 [sflag:s8], $0x0  }
0x24: {  	s3 =	sadd.s32 $0x88, s3;
	s6 =	simm.s32 @!p1 $0x1082;
	[sflag:s4] =	ssyncset.s32 $0xFFFFF086  }
0x25: {  	[simem:s6], [sflag:s4] =	dma.local [hbm:s3], $0xF7A  }
0x26: {  	[smem:$0x3F91] =	sst s1;
	(tag) =	ssettag s2;
	_ =	strace s9  }
0x27: {  	s1 =	sld [smem:$0x3FA1]  }
0x28: {  	s2 =	sld [smem:$0x3FA2]  }
0x29: {  	s4 =	sld [smem:$0x3FA4]  }
0x2a: {  	p0 =	seq.s32 s5, $0x0;
	s5 =	sld [smem:$0x3FA5]  }
0x2b: {  	s6 =	sld [smem:$0x3FA6]  }
0x2c: {  	s7 =	sld [smem:$0x3FA7]  }
0x2d: {  	s3 =	simm.s32 $0x108;
	s8 =	sld [smem:$0x3FA8]  }
0x2e: {  	s3 =	simm.s32 @!p0 $0x1082;
	s9 =	sld [smem:$0x3FA9]  }
0x2f: {  	lr =	sadd.s32 s0, s3;
	s0 =	sld [smem:$0x3FA0]  }
0x30: {  	s3 =	sld [smem:$0x3FA3]  }
0x31: {  	[smem:$0x3FAC] =	sst s10  }
0x32: {  	s10 =	sld [smem:$0x3FAA];
	_ =	sdelay $0x3  }
0x33: {  	p0 =	seq.s32 s10, $0x1;
	s10 =	sld [smem:$0x3FAC];
	_ =	sdelay $0x3  }
0x34: {  	[smem:$0x3FAC] =	sst s10  }
0x35: {  	s10 =	sld [smem:$0x3FAB];
	_ =	sdelay $0x3  }
0x36: {  	p1 =	seq.s32 s10, $0x1;
	s10 =	sld [smem:$0x3FAC];
	_ =	sdelay $0x3  }
0x37: {  	[smem:$0x3FAC] =	sst s10  }
0x38: {  	s10 =	sld [smem:$0x3FAD]  }
0x39: {  	_ = 	snop;
	(pc) =	sbr.ind lr, $3  }
0x3a: {  	_ = 	snop  }
0x3b: {  	_ = 	snop  }
0x3c: {  	p2 =	seq.s32 s10, $0x1;
	s10 =	sld [smem:$0x3FAC]  }
0x3d: {  	_ =	shalt  }
0x3e: {  	_ =	shalt  }
0x3f: {  	_ =	shalt  }
0x40: {  	_ =	shalt  }
0x41: {  	_ =	shalt  }
0x42: {  	_ =	shalt  }
0x43: {  	_ =	shalt  }
0x44: {  	_ =	shalt  }
0x45: {  	_ =	shalt  }
0x46: {  	_ =	shalt  }
0x47: {  	_ =	shalt  }
0x48: {  	_ =	shalt  }
0x49: {  	_ =	shalt  }
0x4a: {  	_ =	shalt  }
0x4b: {  	_ =	shalt  }
0x4c: {  	_ =	shalt  }
0x4d: {  	_ =	shalt  }
0x4e: {  	_ =	shalt  }
0x4f: {  	_ =	shalt  }
0x50: {  	_ =	shalt  }
0x51: {  	_ =	shalt  }
0x52: {  	_ =	shalt  }
0x53: {  	_ =	shalt  }
0x54: {  	_ =	shalt  }
0x55: {  	_ =	shalt  }
0x56: {  	_ =	shalt  }
0x57: {  	_ =	shalt  }
0x58: {  	_ =	shalt  }
0x59: {  	_ =	shalt  }
0x5a: {  	_ =	shalt  }
0x5b: {  	_ =	shalt  }
0x5c: {  	_ =	shalt  }
0x5d: {  	_ =	shalt  }
0x5e: {  	_ =	shalt  }
0x5f: {  	_ =	shalt  }
0x60: {  	_ =	shalt  }
0x61: {  	_ =	shalt  }
0x62: {  	_ =	shalt  }
0x63: {  	_ =	shalt  }
0x64: {  	_ =	shalt  }
0x65: {  	_ =	shalt  }
0x66: {  	_ =	shalt  }
0x67: {  	_ =	shalt  }
0x68: {  	_ =	shalt  }
0x69: {  	_ =	shalt  }
0x6a: {  	_ =	shalt  }
0x6b: {  	_ =	shalt  }
0x6c: {  	_ =	shalt  }
0x6d: {  	_ =	shalt  }
0x6e: {  	_ =	shalt  }
0x6f: {  	_ =	shalt  }
0x70: {  	_ =	shalt  }
0x71: {  	_ =	shalt  }
0x72: {  	_ =	shalt  }
0x73: {  	_ =	shalt  }
0x74: {  	_ =	shalt  }
0x75: {  	_ =	shalt  }
0x76: {  	_ =	shalt  }
0x77: {  	_ =	shalt  }
0x78: {  	_ =	shalt  }
0x79: {  	_ =	shalt  }
0x7a: {  	_ =	shalt  }
0x7b: {  	_ =	shalt  }
0x7c: {  	_ =	shalt  }
0x7d: {  	_ =	shalt  }
0x7e: {  	_ =	shalt  }
0x7f: {  	_ =	shalt  }
0x80: {  	_ =	shalt  }
0x81: {  	_ =	shalt  }
0x82: {  	_ =	shalt  }
0x83: {  	_ =	shalt  }
0x84: {  	_ =	shalt  }
0x85: {  	_ =	shalt  }
0x86: {  	_ =	shalt  }
0x87: {  	_ =	shalt  }
.Lfunc_end0:
.L_simem_size_0:
called_computation_lowered:
.L_overlay_start_0:
0x88: {  	s2 =	sld [smem:$0x3FD9]  }
0x89: {  	s3 =	sld [smem:$0x3FFE];
	_ =	sdelay $0x1  }
0x8a: {  	s1 =	srdreg.scid  }
0x8b: {  	s0 =	sand.u32 $0x1, s1  }
0x8c: {  	s16 =	sshll.u32 s0, $0xA;
	s2 =	sadd.s32 s3, s2  }
0x8d: {  	s2 =	sadd.s32 s2, s16  }
0x8e: {  	[smem:$0x3FB8] =	sst s2  }
0x8f: {  	_ = 	snop  }
0x90: {  	(tm) =	ssettm $0x1  }
0x91: {  	s17 =	sld [smem:$0x3FFB];
	_ =	sdelay $0x3  }
0x92: {  	_ =	strace s17  }
0x93: {  	s2 =	sld [smem:$0x3FFC];
	_ =	sdelay $0x3  }
0x94: {  	_ =	strace s2  }
0x95: {  	s2 =	sld [smem:$0x3FFD];
	_ =	sdelay $0x3  }
0x96: {  	_ =	strace s2  }
0x97: {  	_ =	strace $0x8FFFFFFF  }
0x98: {  	s18 =	sld [smem:$0x3FDB];
	_ =	sdelay $0x1  }
0x99: {  	s19 =	simm.s32 $_scs_section_size  }
0x9a: {  	s4 =	simm.s32 $_size__tile_overlayer_lowered;
	s5 =	simm.s32 $_tile_overlayer_lowered  }
0x9b: {  	s22 =	simm.s32 $0x1BFF;
	s21 =	sshll.u32 s5, $0x1;
	s2 =	sadd.s32 s19, s18  }
0x9c: {  	s6 =	simm.s32 $0x0;
	s20 =	sshll.u32 s4, $0x1;
	s4 =	sadd.s32 s21, s2  }
0x9d: {  	[timem:s6], [sflag:s22] =	dma.local [hbm:s4], s20  }
0x9e: {  	_ =	swait.ge [sflag:s22], s20  }
0x9f: {  	s3 =	ssub.s32 $0x0, s20;
	[sflag:s22] =	ssyncset.done $0x0  }
0xa0: {  	[sflag:s22] =	ssyncadd.s32 s3;
	_ =	sdelay $0x1  }
0xa1: {  	s23 =	simm.s32 $0x1B8B  }
0xa2: {  	_ =	swait.ge [sflag:s23], $0x1  }
0xa3: {  	[sflag:s23] =	ssyncset.done $0x0  }
0xa4: {  	s25 =	simm.s32 $0x1B8E;
	s24 =	sld [smem:$0x3FFE];
	[sflag:s23] =	ssyncadd.s32 $0xFFFFFFFF  }
0xa5: {  	s26 =	simm.s32 $execute0_lowered;
	[smem:$0x3FD2] =	sst s25  }
0xa6: {  	s4 =	sshll.u32 s26, $0x1;
	_ =	strace $0x80000049;
	[dreg:$0x1] =	wrdreg $0xFFFFFFFF  }
0xa7: {  	s28 =	simm.s32 $_size_execute0_lowered;
	s2 =	sadd.s32 s2, s4;
	[dreg:$0x0] =	wrdreg $0x0  }
0xa8: {  	s4 =	sshll.u32 s28, $0x1;
	[dreg:$0x2] =	wrdreg s2  }
0xa9: {  	[dreg:$0x3] =	wrdreg s4  }
0xaa: {  	[dreg:$0x4] =	wrdreg $0xC0  }
0xab: {  	_ =	task [dreg:s6], $0x5FFFF  }
0xac: {  	[dreg:$0x1] =	wrdreg $0xFFFFFFFF  }
0xad: {  	[dreg:$0x0] =	wrdreg $0x60  }
0xae: {  	[dreg:$0x2] =	wrdreg s24  }
0xaf: {  	[dreg:$0x3] =	wrdreg $0x81000  }
0xb0: {  	[dreg:$0x4] =	wrdreg $0x9  }
0xb1: {  	_ =	task.clear_ibuf [dreg:s6], $0x5FFFF;
	_ =	strace $0x90000049  }
0xb2: {  	s29 =	simm.s32 $0x9;
	_ =	strace $0x8000004B  }
0xb3: {  	_ =	swait.ge [sflag:s29], $0x1  }
0xb4: {  	[sflag:s29] =	ssyncadd.s32 $0xFFFFFFFF  }
0xb5: {  	_ =	strace $0x9000004B  }
0xb6: {  	_ =	sfence  }
0xb7: {  	s30 =	sld [smem:$0x0];
	_ =	sdelay $0x2  }
0xb8: {  	s31 =	sshll.u32 s1, $0xD;
	s1 =	sshrl.u32 s1, $0x2  }
0xb9: {  	s3 =	sand.u32 $0x4000, s31;
	s1 =	sadd.s32 s1, s30  }
0xba: {  	s0 =	sor.u32 s3, s0;
	s1 =	sshll.u32 s1, $0x11  }
0xbb: {  	s0 =	sor.u32 s1, s0  }
0xbc: {  	s0 =	sadd.s32 $0x8F2B, s0  }
0xbd: {  	[sflag:s0] =	ssyncadd.remote.s32 $0x1  }
0xbe: {  	_ =	sfence.sel $0xFFFF  }
0xbf: {  	[dreg:$0x0] =	wrdreg $0xFFFFFFFF;
	(pc) =	sbr.abs _section_cstart, $3  }
0xc0: {  	[dreg:$0x1] =	wrdreg $0xFFFFFFFF  }
0xc1: {  	_ =	task.clear_ibuf [dreg:s6], $0x2FFFF;
	_ =	strace $0x9FFFFFFF  }
0xc2: {  	(tm) =	ssettm $0x7FFFFFFF  }
0xc3: {  	_ =	shalt  }
tec
execute0_lowered:
.L_overlay_start_1:
0x0: {  	(tag) =	ssettag $0x1  }
0x1: {  	s8 =	rddreg [dreg:$0x0]  }
0x2: {  	s2 =	rddreg [dreg:$0x1]  }
0x3: {  	s0 =	rddreg [dreg:$0x2]  }
0x4: {  	s4 =	srdreg.scid;
	s1 =	stileid.u32;
	s3 =	simm.s32 $0x0  }
0x5: {  	s20 =	simm.s32 $0x100;
	s21 =	simm.s32 $0x2;
	s22 =	simm.s32 $0x80  }
0x6: {  	s23 =	simm.s32 $0x1;
	s24 =	simm.s32 $0x4100;
	s9 =	sand.u32 $0x1, s4  }
0x7: {  	s6 =	smul.u32 $0x278, s1;
	[smem:$0x7FF] =	sst s3;
	s4 =	sadd.s32 $0x70000, s8  }
0x8: {  	s5 =	sadd.s32 $0x10C400, s8;
	s11 =	smul.u32 $0x4F000, s1;
	s12 =	sshll.u32 s1, $0x1  }
0x9: {  	s7 =	smul.u32 $0x2780, s9;
	_ =	strace $0x8000004A;
	s29 =	ssub.s32 $0x2, s9  }
0xa: {  	s13 =	sor.u32 s9, s12;
	s30 =	sshrl.u32 s11, $0x2;
	s31 =	sshrl.u32 s29, $0x1  }
0xb: {  	s13 =	smul.u32 $0x50, s13;
	s10 =	sadd.s32 s6, s7;
	s6 =	sadd.s32 $0x66000, s8  }
0xc: {  	s7 =	sadd.s32 $0x5C000, s8;
	s19 =	ssub.s32 s29, s31;
	s10 =	sshll.u32 s10, $0x4  }
0xd: {  	s19 =	smax.u32 s19, $0x1;
	s18 =	sadd.s32 s10, s8;
	s8 =	sadd.s32 s30, s2  }
0xe: {  	v0 =	vimm.f32 $0.0e+00;
	v1 =	vimm.s32 $0x0;
	v2 =	vimm.s32 $0x1;
	s9 =	sadd.s32 $0x4000, s8;
	s10 =	sadd.s32 $0x8000, s8;
	s11 =	sadd.s32 $0xC000, s8  }
0xf: {  	v3 =	vimm.s32 $0x2;
	v4 =	vimm.s32 $0x3;
	v5 =	vimm.s32 $0x4;
	s12 =	sadd.s32 $0x10000, s8;
	s14 =	sadd.s32 $0x97200, s18;
	s15 =	sadd.s32 $0x97A00, s18  }
0x10: {  	v6 =	vimm.s32 $0x5;
	v7 =	vimm.s32 $0x6;
	v8 =	vimm.s32 $0x7;
	s16 =	sadd.s32 $0x98200, s18;
	s17 =	sadd.s32 $0x98A00, s18;
	s18 =	sadd.s32 $0x99200, s18  }
.LBB2_1:
0x11: {  	s25 =	simm.s32 $0x0;
	s26 =	simm.s32 $0x200  }
.LBB2_2:
0x12: {  	p0 =	sne.s32 s26, $0xFE00;
	[tilespmem:s25+$0x170] =	vst v0  }
0x13: {  	[tilespmem:s25+$0x100] =	vst v0  }
0x14: {  	[tilespmem:s25+$0x110] =	vst v0  }
.Ltmp0:
0x15: {  	[tilespmem:s25+$0x120] =	vst v0;
	(pc) =	sbr.rel @p0 .LBB2_2-.Ltmp0, $4  }
0x16: {  	[tilespmem:s25+$0x130] =	vst v0  }
0x17: {  	[tilespmem:s25+$0x140] =	vst v0  }
0x18: {  	[tilespmem:s25+$0x150] =	vst v0  }
0x19: {  	[tilespmem:s25+$0x160] =	vst v0;
	s25 =	sshra.s32 s26, $0x2;
	s26 =	sadd.s32 $0x200, s26  }
0x1a: {  	[tilespmem:s25+$0x170] =	vst v0  }
0x1b: {  	[tilespmem:s25+$0x100] =	vst v0  }
0x1c: {  	[tilespmem:s25+$0x110] =	vst v0  }
0x1d: {  	[tilespmem:s25+$0x120] =	vst v0  }
0x1e: {  	[tilespmem:s25+$0x130] =	vst v0  }
0x1f: {  	[tilespmem:s25+$0x140] =	vst v0  }
0x20: {  	[tilespmem:s25+$0x150] =	vst v0  }
0x21: {  	[tilespmem:s25+$0x160] =	vst v0  }
0x22: {  	[spmem:s8] =	stream.linear.scatter [tilespmem:s20], [sflag:$0x2], $0x4000, $0x38;
	[tilespmem:$0x1BD00] =	vst v63  }
0x23: {  	_ =	swait.ge [sflag:s21], $0x4000  }
0x24: {  	[sflag:s21] =	ssyncset.done $0x0  }
0x25: {  	[sflag:s21] =	ssyncadd.s32 $0xFFFFC000  }
0x26: {  	[spmem:s9] =	stream.linear.scatter [tilespmem:s20], [sflag:$0x2], $0x4000, $0x38;
	[tilespmem:$0x1BD00] =	vst v63  }
0x27: {  	_ =	swait.ge [sflag:s21], $0x4000  }
0x28: {  	[sflag:s21] =	ssyncset.done $0x0  }
0x29: {  	[sflag:s21] =	ssyncadd.s32 $0xFFFFC000  }
0x2a: {  	[spmem:s10] =	stream.linear.scatter [tilespmem:s20], [sflag:$0x2], $0x4000, $0x38;
	[tilespmem:$0x1BD00] =	vst v63  }
0x2b: {  	_ =	swait.ge [sflag:s21], $0x4000  }
0x2c: {  	[sflag:s21] =	ssyncset.done $0x0  }
0x2d: {  	[sflag:s21] =	ssyncadd.s32 $0xFFFFC000  }
0x2e: {  	[spmem:s11] =	stream.linear.scatter [tilespmem:s20], [sflag:$0x2], $0x4000, $0x38;
	[tilespmem:$0x1BD00] =	vst v63  }
0x2f: {  	_ =	swait.ge [sflag:s21], $0x4000  }
0x30: {  	[sflag:s21] =	ssyncset.done $0x0  }
0x31: {  	[sflag:s21] =	ssyncadd.s32 $0xFFFFC000  }
0x32: {  	[spmem:s12] =	stream.linear.scatter [tilespmem:s20], [sflag:$0x2], $0x3C00, $0x38;
	[tilespmem:$0x1BD00] =	vst v63  }
0x33: {  	_ =	swait.ge [sflag:s21], $0x3C00  }
0x34: {  	[sflag:s21] =	ssyncset.done $0x0  }
0x35: {  	[sflag:s21] =	ssyncadd.s32 $0xFFFFC400  }
0x36: {  	s25 =	simm.s32 $0x0;
	s26 =	simm.s32 $0x0;
	[bflag:$0x0] =	sbarrier.arrive $0xFFFF  }
.LBB2_4:
0x37: {  	s28 =	sadd.s32 s13, s26  }
0x38: {  	s29 =	sshll.u32 s28, $0x4  }
0x39: {  	s30 =	sadd.s32 s6, s29  }
0x3a: {  	[tilespmem:s25], [sflag:$0x2] =	stream.linear.gather [hbm4b:s30+s25], $0x80, $0x38;
	[tilespmem:$0x1BD00] =	vst v63  }
0x3b: {  	_ =	swait.ge [sflag:s21], $0x80  }
0x3c: {  	[sflag:s21] =	ssyncset.done $0x0  }
0x3d: {  	s29 =	sadd.s32 s7, s29;
	[sflag:s21] =	ssyncadd.s32 $0xFFFFFF80  }
0x3e: {  	[tilespmem:s22], [sflag:$0x2] =	stream.linear.gather [hbm4b:s29+s25], $0x80, $0x38;
	[tilespmem:$0x1BD00] =	vst v63  }
0x3f: {  	_ =	swait.ge [sflag:s21], $0x80  }
0x40: {  	[sflag:s21] =	ssyncset.done $0x0  }
0x41: {  	[sflag:s21] =	ssyncadd.s32 $0xFFFFFF80  }
0x42: {  	[tilespmem:s20], [sflag:$0x1] =	stream.indirect.gather [hbm4b:s4+s22], $0x80, s25, s22, $0xb8;
	[tilespmem:$0x1BD00] =	vst v63  }
0x43: {  	_ =	swait.ge [sflag:s23], $0x4000  }
0x44: {  	s28 =	sshll.u32 s28, $0xB;
	[sflag:s23] =	ssyncset.done $0x0  }
0x45: {  	s28 =	sadd.s32 s5, s28;
	[sflag:s23] =	ssyncadd.s32 $0xFFFFC000  }
0x46: {  	[tilespmem:s24], [sflag:$0x2] =	stream.linear.gather [hbm4b:s28+s25], $0x4000, $0x38;
	[tilespmem:$0x1BD00] =	vst v63  }
0x47: {  	_ =	swait.ge [sflag:s21], $0x4000  }
0x48: {  	[sflag:s21] =	ssyncset.done $0x0  }
0x49: {  	s28 =	simm.s32 $0x0;
	[sflag:s21] =	ssyncadd.s32 $0xFFFFC000  }
0x4a: {  	v9 =	vld [tilespmem:s28+$0x4100]  }
0x4b: {  	v13 =	vld [tilespmem:s28+$0x100]  }
0x4c: {  	v12 =	vld [tilespmem:s28+$0x110]  }
0x4d: {  	v10 =	vld [tilespmem:s28+$0x120]  }
0x4e: {  	v11 =	vld [tilespmem:s28+$0x130]  }
0x4f: {  	v14 =	vld [tilespmem:s28+$0x140];
	v18 =	vperm.xlane v9, v1;
	v16 =	vperm.xlane v9, v3  }
0x50: {  	v15 =	vld [tilespmem:s28+$0x150];
	v19 =	vperm.xlane v9, v2;
	v17 =	vperm.xlane v9, v5  }
0x51: {  	s29 =	simm.s32 $0x200;
	v20 =	vmul.f32 v13, v18;
	v18 =	vperm.xlane v9, v4;
	v13 =	vld [tilespmem:s28+$0x160]  }
.LBB2_5:
0x52: {  	s30 =	sshra.s32 s29, $0x2;
	p0 =	sne.s32 s29, $0xFE00;
	s29 =	sadd.s32 $0x200, s29;
	v12 =	vmul.f32 v12, v19;
	v19 =	vperm.xlane v9, v6;
	v21 =	vld [tilespmem:s28+$0x170]  }
0x53: {  	v10 =	vmul.f32 v10, v16;
	v22 =	vld [tilespmem:s30+$0x4100];
	[tilespmem:s28+$0x100] =	vst v20;
	v11 =	vmul.f32 v11, v18  }
0x54: {  	v16 =	vperm.xlane v9, v8;
	v18 =	vld [tilespmem:s30+$0x100];
	[tilespmem:s28+$0x110] =	vst v12;
	v14 =	vmul.f32 v14, v17  }
0x55: {  	v17 =	vperm.xlane v9, v7;
	v12 =	vld [tilespmem:s30+$0x110];
	[tilespmem:s28+$0x120] =	vst v10;
	v15 =	vmul.f32 v15, v19  }
.Ltmp1:
0x56: {  	v10 =	vld [tilespmem:s30+$0x120];
	[tilespmem:s28+$0x130] =	vst v11;
	(pc) =	sbr.rel @p0 .LBB2_5-.Ltmp1, $4  }
0x57: {  	v13 =	vmul.f32 v13, v17;
	v11 =	vld [tilespmem:s30+$0x130];
	[tilespmem:s28+$0x140] =	vst v14;
	v21 =	vmul.f32 v21, v16  }
0x58: {  	v20 =	vperm.xlane v22, v1;
	v16 =	vperm.xlane v22, v3;
	v14 =	vld [tilespmem:s30+$0x140];
	[tilespmem:s28+$0x150] =	vst v15;
	v9 =	vmov v22  }
0x59: {  	v19 =	vperm.xlane v9, v2;
	v17 =	vperm.xlane v9, v5;
	v15 =	vld [tilespmem:s30+$0x150];
	[tilespmem:s28+$0x160] =	vst v13  }
0x5a: {  	v20 =	vmul.f32 v18, v20;
	v18 =	vperm.xlane v9, v4;
	v13 =	vld [tilespmem:s30+$0x160];
	[tilespmem:s28+$0x170] =	vst v21;
	s28 =	smov.u32 s30  }
0x5b: {  	v12 =	vmul.f32 v12, v19  }
0x5c: {  	v60 =	vld [tilespmem:s28+$0x170];
	v10 =	vmul.f32 v10, v16;
	[tilespmem:s28+$0x100] =	vst v20  }
0x5d: {  	v61 =	vperm.xlane v9, v6;
	v11 =	vmul.f32 v11, v18;
	[tilespmem:s28+$0x110] =	vst v12  }
0x5e: {  	v62 =	vmul.f32 v14, v17;
	[tilespmem:s28+$0x120] =	vst v10;
	v10 =	vperm.xlane v9, v7  }
0x5f: {  	v9 =	vperm.xlane v9, v8;
	v63 =	vmul.f32 v15, v61;
	[tilespmem:s28+$0x130] =	vst v11  }
0x60: {  	[tilespmem:s28+$0x140] =	vst v62;
	v10 =	vmul.f32 v13, v10  }
0x61: {  	s26 =	sadd.s32 $0x1, s26;
	v9 =	vmul.f32 v60, v9;
	[tilespmem:s28+$0x150] =	vst v63  }
0x62: {  	p0 =	sne.s32 s26, $0x50;
	[tilespmem:s28+$0x160] =	vst v10  }
.Ltmp2:
0x63: {  	[tilespmem:s28+$0x170] =	vst v9;
	(pc) =	sbr.rel @p0 .LBB2_4-.Ltmp2, $4  }
0x64: {  	[spmem:s2] =	stream.indirect.scatter.add.f32 [tilespmem:s20], [sflag:$0x2], $0x80, s22, s22, $0xb8;
	[tilespmem:$0x1BD00] =	vst v63  }
0x65: {  	_ =	swait.ge [sflag:s21], $0x4000  }
0x66: {  	[sflag:s21] =	ssyncset.done $0x0  }
0x67: {  	[sflag:s21] =	ssyncadd.s32 $0xFFFFC000  }
0x68: {  	s25 =	sshll.u32 s1, $0x6  }
0x69: {  	[bflag:$0x0] =	sbarrier.arrive $0xFFFF;
	s26 =	sshrl.u32 s8, $0x3;
	s25 =	sor.u32 $0x1C02, s25  }
0x6a: {  	[hbm:s14], [sflag:s25] =	dma.local [spmem:s26], $0x800  }
0x6b: {  	_ =	swait.ge [sflag:s21], $0x800  }
0x6c: {  	[sflag:s21] =	ssyncset.done $0x0  }
0x6d: {  	s28 =	sshrl.u32 s9, $0x3;
	[sflag:s21] =	ssyncadd.s32 $0xFFFFF800  }
0x6e: {  	[hbm:s15], [sflag:s25] =	dma.local [spmem:s28], $0x800  }
0x6f: {  	_ =	swait.ge [sflag:s21], $0x800  }
0x70: {  	[sflag:s21] =	ssyncset.done $0x0  }
0x71: {  	s29 =	sshrl.u32 s10, $0x3;
	[sflag:s21] =	ssyncadd.s32 $0xFFFFF800  }
0x72: {  	[hbm:s16], [sflag:s25] =	dma.local [spmem:s29], $0x800  }
0x73: {  	_ =	swait.ge [sflag:s21], $0x800  }
0x74: {  	[sflag:s21] =	ssyncset.done $0x0  }
0x75: {  	s30 =	sshrl.u32 s11, $0x3;
	[sflag:s21] =	ssyncadd.s32 $0xFFFFF800  }
0x76: {  	[hbm:s17], [sflag:s25] =	dma.local [spmem:s30], $0x800  }
0x77: {  	s3 =	sadd.s32 $0x1, s3;
	_ =	swait.ge [sflag:s21], $0x800  }
0x78: {  	p0 =	sne.s32 s3, s19;
	[sflag:s21] =	ssyncset.done $0x0  }
.Ltmp3:
0x79: {  	s31 =	sshrl.u32 s12, $0x3;
	[sflag:s21] =	ssyncadd.s32 $0xFFFFF800;
	(pc) =	sbr.rel @p0 .LBB2_1-.Ltmp3, $4  }
0x7a: {  	[hbm:s18], [sflag:s25] =	dma.local [spmem:s31], $0x780  }
0x7b: {  	_ =	swait.ge [sflag:s21], $0x780  }
0x7c: {  	[sflag:s21] =	ssyncset.done $0x0  }
0x7d: {  	[sflag:s21] =	ssyncadd.s32 $0xFFFFF880  }
0x7e: {  	_ =	sfence.sel $0x180000  }
0x7f: {  	[bflag:$0x0] =	sbarrier.arrive $0xFFFF  }
0x80: {  	p0 =	sne.s32 s1, $0x0;
	_ =	strace $0x9000004A  }
0x81: {  	s0 =	sadd.s32 @!p0 $0x100000, s0;
	[bflag:$0x2] =	sbarrier.arrive $0xFFFF  }
0x82: {  	[sflag:s0] =	ssyncadd.tile.s32 @!p0 $0x1;
	_ =	shalt  }
.Lfunc_end2:
_tile_overlayer_lowered:
.L_overlay_start_2:
0x83: {  	(tag) =	ssettag $0x2  }
0x84: {  	s0 =	rddreg [dreg:$0x0];
	s2 =	stileid.u32  }
0x85: {  	s1 =	rddreg [dreg:$0x1];
	p0 =	sne.s32 s2, $0x0  }
0x86: {  	s3 =	rddreg [dreg:$0x2];
	[bflag:$0x3] =	sbarrier.arrive $0xFFFF;
	s2 =	simm.s32 @!p0 $0x1C02  }
0x87: {  	[timem:s3], [sflag:s2] =	dma.local @!p0 [hbm:s0], s1  }
0x88: {  	s0 =	simm.s32 @!p0 $0x2  }
0x89: {  	_ =	swait.ge @!p0 [sflag:s0], s1  }
0x8a: {  	s1 =	ssub.s32 @!p0 $0x0, s1;
	[sflag:s0] =	ssyncset.done @!p0 $0x0  }
0x8b: {  	[sflag:s0] =	ssyncadd.s32 @!p0 s1  }
0x8c: {  	[bflag:$0x3] =	sbarrier.arrive $0xFFFF  }
0x8d: {  	_ =	shalt  }

// kernel: kernel.6.cloned.1.call-start
scs
__scs_entry_jumppad:
0x0: {  	(pc) =	sbr.rel $0x88, $3  }
0x1: {  	(tag) =	ssettag $0x0;
	lr =	simm.s32 $0x1  }
0x2: {  	[smem:$0x3F91] =	sst lr;
	_ =	strace $0xD0000000  }
0x3: {  	_ = 	snop  }
0x4: {  	_ = 	snop  }
0x5: {  	_ = 	snop  }
0x6: {  	_ = 	snop  }
0x7: {  	_ = 	snop  }
__scs_overlays_trampoline_lowered:
0x8: {  	[smem:$0x3FA0] =	sst s0  }
0x9: {  	[smem:$0x3FA1] =	sst s1  }
0xa: {  	[smem:$0x3FA2] =	sst s2  }
0xb: {  	[smem:$0x3FA3] =	sst s3  }
0xc: {  	[smem:$0x3FA4] =	sst s4  }
0xd: {  	[smem:$0x3FA5] =	sst s5  }
0xe: {  	[smem:$0x3FA6] =	sst s6  }
0xf: {  	[smem:$0x3FA7] =	sst s7  }
0x10: {  	[smem:$0x3FA8] =	sst s8  }
0x11: {  	[smem:$0x3FA9] =	sst s9;
	s0 =	simm.s32 @!p0 $0x0  }
0x12: {  	s1 =	sld [smem:$0x3F8F];
	s0 =	simm.s32 @p0 $0x1  }
0x13: {  	[smem:$0x3FAA] =	sst s0;
	s0 =	simm.s32 @!p1 $0x0  }
0x14: {  	s2 =	sld [smem:$0x3F8E];
	s0 =	simm.s32 @p1 $0x1  }
0x15: {  	[smem:$0x3FAB] =	sst s0;
	s0 =	simm.s32 @!p2 $0x0  }
0x16: {  	s3 =	sld [smem:$0x3FDB];
	s0 =	simm.s32 @p2 $0x1  }
0x17: {  	s4 =	simm.s32 $0x1BF5;
	[smem:$0x3FAD] =	sst s0  }
0x18: {  	s0 =	sld [smem:$0x3F90];
	_ =	swait.ge [sflag:s4], $0x0  }
0x19: {  	s7 =	sld [smem:$0x3F91]  }
0x1a: {  	s8 =	sadd.s32 $0xFFFFE003, lr  }
0x1b: {  	s9 =	sadd.s32 $0xFFFFFEF7, lr;
	s5 =	simm.s32 $0xFFFFFFFF;
	p2 =	slt.u32 s8, $0xFFFFF086  }
0x1c: {  	p1 =	slt.u32 s9, $0xF7A;
	s5 =	simm.s32 @!p2 $0x0  }
0x1d: {  	s5 =	simm.s32 @p1 $0x1;
	p0 =	seq.s32 s7, s2  }
0x1e: {  	s7 =	smul.u32 @!p0 $0xF7A, s2;
	p2 =	seq.s32 @!p0 s5, $0x0  }
0x1f: {  	s9 =	smul.u32 $0xF7A, s1;
	s8 =	simm.s32 @!p0 $0x1BF5;
	p2 =	por !p2, p0  }
0x20: {  	[sflag:s8] =	ssyncset.s32 @!p0 $0xFFFFF086;
	s6 =	sadd.s32 @!p0 s3, s7;
	s7 =	simm.s32 @!p0 $0x108  }
0x21: {  	s3 =	sadd.s32 s3, s9;
	s6 =	sadd.s32 @!p0 $0x88, s6;
	s7 =	simm.s32 @p2 $0x1082  }
0x22: {  	[simem:s7], [sflag:s8] =	dma.local @!p0 [hbm:s6], $0xF7A  }
0x23: {  	s9 =	sor.u32 $0xD0000000, s2;
	s6 =	simm.s32 $0x108;
	_ =	swait.ge @!p0 [sflag:s8], $0x0  }
0x24: {  	s3 =	sadd.s32 $0x88, s3;
	s6 =	simm.s32 @!p1 $0x1082;
	[sflag:s4] =	ssyncset.s32 $0xFFFFF086  }
0x25: {  	[simem:s6], [sflag:s4] =	dma.local [hbm:s3], $0xF7A  }
0x26: {  	[smem:$0x3F91] =	sst s1;
	(tag) =	ssettag s2;
	_ =	strace s9  }
0x27: {  	s1 =	sld [smem:$0x3FA1]  }
0x28: {  	s2 =	sld [smem:$0x3FA2]  }
0x29: {  	s4 =	sld [smem:$0x3FA4]  }
0x2a: {  	p0 =	seq.s32 s5, $0x0;
	s5 =	sld [smem:$0x3FA5]  }
0x2b: {  	s6 =	sld [smem:$0x3FA6]  }
0x2c: {  	s7 =	sld [smem:$0x3FA7]  }
0x2d: {  	s3 =	simm.s32 $0x108;
	s8 =	sld [smem:$0x3FA8]  }
0x2e: {  	s3 =	simm.s32 @!p0 $0x1082;
	s9 =	sld [smem:$0x3FA9]  }
0x2f: {  	lr =	sadd.s32 s0, s3;
	s0 =	sld [smem:$0x3FA0]  }
0x30: {  	s3 =	sld [smem:$0x3FA3]  }
0x31: {  	[smem:$0x3FAC] =	sst s10  }
0x32: {  	s10 =	sld [smem:$0x3FAA];
	_ =	sdelay $0x3  }
0x33: {  	p0 =	seq.s32 s10, $0x1;
	s10 =	sld [smem:$0x3FAC];
	_ =	sdelay $0x3  }
0x34: {  	[smem:$0x3FAC] =	sst s10  }
0x35: {  	s10 =	sld [smem:$0x3FAB];
	_ =	sdelay $0x3  }
0x36: {  	p1 =	seq.s32 s10, $0x1;
	s10 =	sld [smem:$0x3FAC];
	_ =	sdelay $0x3  }
0x37: {  	[smem:$0x3FAC] =	sst s10  }
0x38: {  	s10 =	sld [smem:$0x3FAD]  }
0x39: {  	_ = 	snop;
	(pc) =	sbr.ind lr, $3  }
0x3a: {  	_ = 	snop  }
0x3b: {  	_ = 	snop  }
0x3c: {  	p2 =	seq.s32 s10, $0x1;
	s10 =	sld [smem:$0x3FAC]  }
0x3d: {  	_ =	shalt  }
0x3e: {  	_ =	shalt  }
0x3f: {  	_ =	shalt  }
0x40: {  	_ =	shalt  }
0x41: {  	_ =	shalt  }
0x42: {  	_ =	shalt  }
0x43: {  	_ =	shalt  }
0x44: {  	_ =	shalt  }
0x45: {  	_ =	shalt  }
0x46: {  	_ =	shalt  }
0x47: {  	_ =	shalt  }
0x48: {  	_ =	shalt  }
0x49: {  	_ =	shalt  }
0x4a: {  	_ =	shalt  }
0x4b: {  	_ =	shalt  }
0x4c: {  	_ =	shalt  }
0x4d: {  	_ =	shalt  }
0x4e: {  	_ =	shalt  }
0x4f: {  	_ =	shalt  }
0x50: {  	_ =	shalt  }
0x51: {  	_ =	shalt  }
0x52: {  	_ =	shalt  }
0x53: {  	_ =	shalt  }
0x54: {  	_ =	shalt  }
0x55: {  	_ =	shalt  }
0x56: {  	_ =	shalt  }
0x57: {  	_ =	shalt  }
0x58: {  	_ =	shalt  }
0x59: {  	_ =	shalt  }
0x5a: {  	_ =	shalt  }
0x5b: {  	_ =	shalt  }
0x5c: {  	_ =	shalt  }
0x5d: {  	_ =	shalt  }
0x5e: {  	_ =	shalt  }
0x5f: {  	_ =	shalt  }
0x60: {  	_ =	shalt  }
0x61: {  	_ =	shalt  }
0x62: {  	_ =	shalt  }
0x63: {  	_ =	shalt  }
0x64: {  	_ =	shalt  }
0x65: {  	_ =	shalt  }
0x66: {  	_ =	shalt  }
0x67: {  	_ =	shalt  }
0x68: {  	_ =	shalt  }
0x69: {  	_ =	shalt  }
0x6a: {  	_ =	shalt  }
0x6b: {  	_ =	shalt  }
0x6c: {  	_ =	shalt  }
0x6d: {  	_ =	shalt  }
0x6e: {  	_ =	shalt  }
0x6f: {  	_ =	shalt  }
0x70: {  	_ =	shalt  }
0x71: {  	_ =	shalt  }
0x72: {  	_ =	shalt  }
0x73: {  	_ =	shalt  }
0x74: {  	_ =	shalt  }
0x75: {  	_ =	shalt  }
0x76: {  	_ =	shalt  }
0x77: {  	_ =	shalt  }
0x78: {  	_ =	shalt  }
0x79: {  	_ =	shalt  }
0x7a: {  	_ =	shalt  }
0x7b: {  	_ =	shalt  }
0x7c: {  	_ =	shalt  }
0x7d: {  	_ =	shalt  }
0x7e: {  	_ =	shalt  }
0x7f: {  	_ =	shalt  }
0x80: {  	_ =	shalt  }
0x81: {  	_ =	shalt  }
0x82: {  	_ =	shalt  }
0x83: {  	_ =	shalt  }
0x84: {  	_ =	shalt  }
0x85: {  	_ =	shalt  }
0x86: {  	_ =	shalt  }
0x87: {  	_ =	shalt  }
.Lfunc_end0:
.L_simem_size_0:
called_computation.1_lowered:
.L_overlay_start_0:
0x88: {  	s2 =	sld [smem:$0x3FD9]  }
0x89: {  	s3 =	sld [smem:$0x3FFE];
	_ =	sdelay $0x1  }
0x8a: {  	s1 =	srdreg.scid  }
0x8b: {  	s0 =	sand.u32 $0x1, s1  }
0x8c: {  	s16 =	sshll.u32 s0, $0xA;
	s2 =	sadd.s32 s3, s2  }
0x8d: {  	s2 =	sadd.s32 s2, s16  }
0x8e: {  	[smem:$0x3FB8] =	sst s2  }
0x8f: {  	_ = 	snop  }
0x90: {  	(tm) =	ssettm $0x1  }
0x91: {  	s17 =	sld [smem:$0x3FFB];
	_ =	sdelay $0x3  }
0x92: {  	_ =	strace s17  }
0x93: {  	s2 =	sld [smem:$0x3FFC];
	_ =	sdelay $0x3  }
0x94: {  	_ =	strace s2  }
0x95: {  	s2 =	sld [smem:$0x3FFD];
	_ =	sdelay $0x3  }
0x96: {  	_ =	strace s2  }
0x97: {  	_ =	strace $0x8FFFFFFF  }
0x98: {  	s18 =	sld [smem:$0x3FDB];
	_ =	sdelay $0x1  }
0x99: {  	s19 =	simm.s32 $_scs_section_size  }
0x9a: {  	s4 =	simm.s32 $_size__tile_overlayer_lowered;
	s5 =	simm.s32 $_tile_overlayer_lowered  }
0x9b: {  	s22 =	simm.s32 $0x1BFF;
	s21 =	sshll.u32 s5, $0x1;
	s2 =	sadd.s32 s19, s18  }
0x9c: {  	s6 =	simm.s32 $0x0;
	s20 =	sshll.u32 s4, $0x1;
	s4 =	sadd.s32 s21, s2  }
0x9d: {  	[timem:s6], [sflag:s22] =	dma.local [hbm:s4], s20  }
0x9e: {  	_ =	swait.ge [sflag:s22], s20  }
0x9f: {  	s3 =	ssub.s32 $0x0, s20;
	[sflag:s22] =	ssyncset.done $0x0  }
0xa0: {  	[sflag:s22] =	ssyncadd.s32 s3;
	_ =	sdelay $0x1  }
0xa1: {  	s23 =	simm.s32 $0x1B8B  }
0xa2: {  	_ =	swait.ge [sflag:s23], $0x1  }
0xa3: {  	[sflag:s23] =	ssyncset.done $0x0  }
0xa4: {  	s25 =	simm.s32 $0x1B8E;
	s24 =	sld [smem:$0x3FFE];
	[sflag:s23] =	ssyncadd.s32 $0xFFFFFFFF  }
0xa5: {  	s26 =	simm.s32 $execute0_lowered;
	[smem:$0x3FD2] =	sst s25  }
0xa6: {  	s4 =	sshll.u32 s26, $0x1;
	_ =	strace $0x80000046;
	[dreg:$0x1] =	wrdreg $0xFFFFFFFF  }
0xa7: {  	s28 =	simm.s32 $_size_execute0_lowered;
	s2 =	sadd.s32 s2, s4;
	[dreg:$0x0] =	wrdreg $0x0  }
0xa8: {  	s4 =	sshll.u32 s28, $0x1;
	[dreg:$0x2] =	wrdreg s2  }
0xa9: {  	[dreg:$0x3] =	wrdreg s4  }
0xaa: {  	[dreg:$0x4] =	wrdreg $0xC0  }
0xab: {  	_ =	task [dreg:s6], $0x5FFFF  }
0xac: {  	[dreg:$0x1] =	wrdreg $0xFFFFFFFF  }
0xad: {  	[dreg:$0x0] =	wrdreg $0x60  }
0xae: {  	[dreg:$0x2] =	wrdreg s24  }
0xaf: {  	[dreg:$0x3] =	wrdreg $0x9  }
0xb0: {  	_ =	task.clear_ibuf [dreg:s6], $0x4FFFF;
	_ =	strace $0x90000046  }
0xb1: {  	s29 =	simm.s32 $0x9;
	_ =	strace $0x80000048  }
0xb2: {  	_ =	swait.ge [sflag:s29], $0x1  }
0xb3: {  	[sflag:s29] =	ssyncadd.s32 $0xFFFFFFFF  }
0xb4: {  	_ =	strace $0x90000048  }
0xb5: {  	_ =	sfence  }
0xb6: {  	s30 =	sld [smem:$0x0];
	_ =	sdelay $0x2  }
0xb7: {  	s31 =	sshll.u32 s1, $0xD;
	s1 =	sshrl.u32 s1, $0x2  }
0xb8: {  	s3 =	sand.u32 $0x4000, s31;
	s1 =	sadd.s32 s1, s30  }
0xb9: {  	s0 =	sor.u32 s3, s0;
	s1 =	sshll.u32 s1, $0x11  }
0xba: {  	s0 =	sor.u32 s1, s0  }
0xbb: {  	s0 =	sadd.s32 $0x8F2B, s0  }
0xbc: {  	[sflag:s0] =	ssyncadd.remote.s32 $0x1  }
0xbd: {  	_ =	sfence.sel $0xFFFF  }
0xbe: {  	[dreg:$0x0] =	wrdreg $0xFFFFFFFF;
	(pc) =	sbr.abs _section_cstart, $3  }
0xbf: {  	[dreg:$0x1] =	wrdreg $0xFFFFFFFF  }
0xc0: {  	_ =	task.clear_ibuf [dreg:s6], $0x2FFFF;
	_ =	strace $0x9FFFFFFF  }
0xc1: {  	(tm) =	ssettm $0x7FFFFFFF  }
tec
execute0_lowered:
.L_overlay_start_1:
0x0: {  	(tag) =	ssettag $0x1  }
0x1: {  	v0 =	vimm.s32 $0xBA98FEDC;
	v1 =	vimm.s32 $0x32107654;
	v2 =	vlaneseq.u32  }
0x2: {  	v3 =	vimm.s32 $0x76543210;
	v4 =	vimm.s32 $0xDCFE98BA;
	v5 =	vimm.s32 $0xFEDCBA98  }
0x3: {  	s0 =	rddreg [dreg:$0x0];
	v6 =	vimm.s32 $0x54761032;
	vm0 =	vmmov $0xffff;
	vm1 =	vmmov $0x1  }
0x4: {  	s1 =	simm.s32 $0x0;
	s28 =	srdreg.scid;
	s5 =	stileid.u32;
	vm2 =	vcmask $0x320;
	v0 =	vunpack.c.l.s4.s8 v0;
	v1 =	vunpack.c.l.s4.s8 v1  }
0x5: {  	s12 =	simm.s32 $0x2;
	s11 =	simm.s32 $0x9100;
	s10 =	simm.s32 $0xA100;
	vm3 =	vcmask $0x720;
	vm4 =	vcmask $0xB20;
	vm5 =	vcmask $0xF20  }
0x6: {  	s13 =	simm.s32 $0xB100;
	s14 =	simm.s32 $0xB900;
	s15 =	simm.s32 $0xC100;
	vm6 =	vcmask $0x1320;
	v0 =	vunpack.c.0.s8.s32 v0;
	v1 =	vunpack.c.0.s8.s32 v1  }
0x7: {  	s16 =	simm.s32 $0xC900;
	s17 =	simm.s32 $0xD100;
	s18 =	simm.s32 $0xD900;
	vm7 =	vcmask $0x1720;
	vm8 =	vcmask $0x1B20;
	v4 =	vunpack.c.l.s4.s8 v4  }
0x8: {  	s19 =	simm.s32 $0xE100;
	s20 =	simm.s32 $0xE900;
	s21 =	simm.s32 $0xF100;
	vm9 =	vmmov $0xff;
	v7 =	vcombine.low v1, v0;
	v0 =	vunpack.c.l.s4.s8 v6  }
0x9: {  	s31 =	simm.s32 $0x1;
	s22 =	simm.s32 $0xF900;
	s23 =	simm.s32 $0x10100;
	v1 =	vunpack.c.0.s8.s32 v4;
	v4 =	vimm.s32 $0xEFCDAB89;
	v6 =	vimm.s32 $0x67452301  }
0xa: {  	[smem:$0x7FF] =	sst s1;
	s3 =	sadd.s32 $0x70000, s0;
	s4 =	sadd.s32 $0xBE200, s0;
	v5 =	vunpack.c.l.s4.s8 v5;
	v4 =	vunpack.c.l.s4.s8 v4;
	v6 =	vunpack.c.l.s4.s8 v6  }
0xb: {  	s2 =	sadd.s32 $0x3C00, s0;
	s1 =	sand.u32 $0x1, s28;
	s6 =	sadd.s32 $0x66000, s0;
	v8 =	vshrl.u32 v2, $0x3;
	v3 =	vunpack.c.l.s4.s8 v3;
	v0 =	vunpack.c.0.s8.s32 v0  }
0xc: {  	s5 =	sshll.u32 s5, $0x1;
	s7 =	sadd.s32 $0x52000, s0;
	s29 =	ssub.s32 $0x2, s1;
	v5 =	vunpack.c.0.s8.s32 v5;
	v4 =	vunpack.c.0.s8.s32 v4;
	v6 =	vunpack.c.0.s8.s32 v6  }
0xd: {  	s8 =	sadd.s32 $0x10C400, s0;
	_ =	strace $0x80000047;
	s9 =	sshrl.u32 s29, $0x1;
	v9 =	vcombine.low v0, v1;
	v1 =	vmul.u32 $0x8, v8;
	v8 =	vunpack.c.0.s8.s32 v3  }
0xe: {  	[dreg:$0x2] =	wrdreg s2;
	s1 =	sor.u32 s1, s5;
	s30 =	ssub.s32 s29, s9;
	v5 =	vand.u32 $0xF, v5;
	v0 =	vand.u32 $0x7, v2;
	v10 =	vcombine.low v6, v4  }
0xf: {  	s5 =	simm.s32 $0x9900;
	s2 =	simm.s32 $0x0;
	s0 =	smax.u32 s30, $0x1;
	v2 =	vor.u32 $0x8, v2;
	v3 =	vimm.s32 $0x8;
	v4 =	vcombine.low v5, v8  }
0x10: {  	s9 =	smul.u32 $0x50, s1;
	s1 =	simm.s32 $0xA900;
	[dreg:$0x3] =	wrdreg s0;
	v5 =	vand.u32 $0xF, v7;
	v6 =	vand.u32 $0xF, v9;
	v7 =	vand.u32 $0xF, v10  }
.LBB2_1:
0x11: {  	[dreg:$0x4] =	wrdreg s2  }
0x12: {  	s0 =	simm.s32 $0x0;
	s30 =	rddreg [dreg:$0x2];
	s24 =	simm.s32 $0x14100  }
0x13: {  	[tilespmem:s24], [sflag:$0x2] =	stream.linear.gather [hbm4b:s30+s0], $0x400, $0x38;
	[tilespmem:$0x14500] =	vst v63  }
0x14: {  	_ =	swait.ge [sflag:s12], $0x400  }
0x15: {  	[sflag:s12] =	ssyncset.done $0x0  }
0x16: {  	[sflag:s12] =	ssyncadd.s32 $0xFFFFFC00  }
0x17: {  	s24 =	simm.s32 $0x0;
	v8 =	vld [tilespmem:$0x14100]  }
.LBB2_2:
0x18: {  	s25 =	sadd.s32 s9, s24  }
0x19: {  	s0 =	sshll.u32 s25, $0x4  }
0x1a: {  	s26 =	simm.s32 $0x0;
	s28 =	sadd.s32 s6, s0  }
0x1b: {  	[tilespmem:s26], [sflag:$0x2] =	stream.linear.gather [hbm4b:s28+s26], $0x80, $0x38;
	[tilespmem:$0x14500] =	vst v63  }
0x1c: {  	_ =	swait.ge [sflag:s12], $0x80  }
0x1d: {  	[sflag:s12] =	ssyncset.done $0x0  }
0x1e: {  	s2 =	simm.s32 $0x80;
	s0 =	sadd.s32 s7, s0;
	[sflag:s12] =	ssyncadd.s32 $0xFFFFFF80  }
0x1f: {  	[tilespmem:s2], [sflag:$0x2] =	stream.linear.gather [hbm4b:s0+s26], $0x80, $0x38;
	[tilespmem:$0x14500] =	vst v63  }
0x20: {  	_ =	swait.ge [sflag:s12], $0x80  }
0x21: {  	[sflag:s12] =	ssyncset.done $0x0  }
0x22: {  	[sflag:s12] =	ssyncadd.s32 $0xFFFFFF80  }
0x23: {  	v9 =	vld [tilespmem:$0x0];
	_ =	sdelay $0x4  }
0x24: {  	v10 =	vshll.u32 v9, $0x1  }
0x25: {  	v9 =	vand.u32 $0x7, v9;
	v10 =	vand.u32 $0xFFFFFFF0, v10  }
0x26: {  	v9 =	vor.u32 v9, v10  }
0x27: {  	v10 =	vperm.xlane v9, v0;
	_ =	sdelay $0x1  }
0x28: {  	v9 =	vperm.xlane v9, v2;
	v10 =	vadd.s32 v1, v10;
	_ =	sdelay $0x1  }
0x29: {  	v9 =	vadd.s32 v1, v9;
	_ =	sdelay $0x1  }
0x2a: {  	s2 =	simm.s32 $0x100  }
0x2b: {  	[tilespmem:s2], [sflag:$0x1] =	stream.indirect_vreg.gather [hbm4b:s3+s26], $0x80, v10, vm0, $0xb8;
	[tilespmem:$0x14500] =	vst v63  }
0x2c: {  	s2 =	simm.s32 $0x900  }
0x2d: {  	[tilespmem:s2], [sflag:$0x1] =	stream.indirect_vreg.gather [hbm4b:s3+s26], $0x80, v9, vm0, $0xb8;
	[tilespmem:$0x14500] =	vst v63  }
0x2e: {  	v9 =	vld [tilespmem:$0x10];
	_ =	sdelay $0x4  }
0x2f: {  	v10 =	vshll.u32 v9, $0x1  }
0x30: {  	v9 =	vand.u32 $0x7, v9;
	v10 =	vand.u32 $0xFFFFFFF0, v10  }
0x31: {  	v9 =	vor.u32 v9, v10  }
0x32: {  	v10 =	vperm.xlane v9, v0;
	_ =	sdelay $0x1  }
0x33: {  	v9 =	vperm.xlane v9, v2;
	v10 =	vadd.s32 v1, v10;
	_ =	sdelay $0x1  }
0x34: {  	v9 =	vadd.s32 v1, v9;
	_ =	sdelay $0x1  }
0x35: {  	s2 =	simm.s32 $0x1100  }
0x36: {  	[tilespmem:s2], [sflag:$0x1] =	stream.indirect_vreg.gather [hbm4b:s3+s26], $0x80, v10, vm0, $0xb8;
	[tilespmem:$0x14500] =	vst v63  }
0x37: {  	s2 =	simm.s32 $0x1900  }
0x38: {  	[tilespmem:s2], [sflag:$0x1] =	stream.indirect_vreg.gather [hbm4b:s3+s26], $0x80, v9, vm0, $0xb8;
	[tilespmem:$0x14500] =	vst v63  }
0x39: {  	v9 =	vld [tilespmem:$0x20];
	_ =	sdelay $0x4  }
0x3a: {  	v10 =	vshll.u32 v9, $0x1  }
0x3b: {  	v9 =	vand.u32 $0x7, v9;
	v10 =	vand.u32 $0xFFFFFFF0, v10  }
0x3c: {  	v9 =	vor.u32 v9, v10  }
0x3d: {  	v10 =	vperm.xlane v9, v0;
	_ =	sdelay $0x1  }
0x3e: {  	v9 =	vperm.xlane v9, v2;
	v10 =	vadd.s32 v1, v10;
	_ =	sdelay $0x1  }
0x3f: {  	v9 =	vadd.s32 v1, v9;
	_ =	sdelay $0x1  }
0x40: {  	s2 =	simm.s32 $0x2100  }
0x41: {  	[tilespmem:s2], [sflag:$0x1] =	stream.indirect_vreg.gather [hbm4b:s3+s26], $0x80, v10, vm0, $0xb8;
	[tilespmem:$0x14500] =	vst v63  }
0x42: {  	s2 =	simm.s32 $0x2900  }
0x43: {  	[tilespmem:s2], [sflag:$0x1] =	stream.indirect_vreg.gather [hbm4b:s3+s26], $0x80, v9, vm0, $0xb8;
	[tilespmem:$0x14500] =	vst v63  }
0x44: {  	v9 =	vld [tilespmem:$0x30];
	_ =	sdelay $0x4  }
0x45: {  	v10 =	vshll.u32 v9, $0x1  }
0x46: {  	v9 =	vand.u32 $0x7, v9;
	v10 =	vand.u32 $0xFFFFFFF0, v10  }
0x47: {  	v9 =	vor.u32 v9, v10  }
0x48: {  	v10 =	vperm.xlane v9, v0;
	_ =	sdelay $0x1  }
0x49: {  	v9 =	vperm.xlane v9, v2;
	v10 =	vadd.s32 v1, v10;
	_ =	sdelay $0x1  }
0x4a: {  	v9 =	vadd.s32 v1, v9;
	_ =	sdelay $0x1  }
0x4b: {  	s2 =	simm.s32 $0x3100  }
0x4c: {  	[tilespmem:s2], [sflag:$0x1] =	stream.indirect_vreg.gather [hbm4b:s3+s26], $0x80, v10, vm0, $0xb8;
	[tilespmem:$0x14500] =	vst v63  }
0x4d: {  	s2 =	simm.s32 $0x3900  }
0x4e: {  	[tilespmem:s2], [sflag:$0x1] =	stream.indirect_vreg.gather [hbm4b:s3+s26], $0x80, v9, vm0, $0xb8;
	[tilespmem:$0x14500] =	vst v63  }
0x4f: {  	v9 =	vld [tilespmem:$0x40];
	_ =	sdelay $0x4  }
0x50: {  	v10 =	vshll.u32 v9, $0x1  }
0x51: {  	v9 =	vand.u32 $0x7, v9;
	v10 =	vand.u32 $0xFFFFFFF0, v10  }
0x52: {  	v9 =	vor.u32 v9, v10  }
0x53: {  	v10 =	vperm.xlane v9, v0;
	_ =	sdelay $0x1  }
0x54: {  	v9 =	vperm.xlane v9, v2;
	v10 =	vadd.s32 v1, v10;
	_ =	sdelay $0x1  }
0x55: {  	v9 =	vadd.s32 v1, v9;
	_ =	sdelay $0x1  }
0x56: {  	s2 =	simm.s32 $0x4100  }
0x57: {  	[tilespmem:s2], [sflag:$0x1] =	stream.indirect_vreg.gather [hbm4b:s3+s26], $0x80, v10, vm0, $0xb8;
	[tilespmem:$0x14500] =	vst v63  }
0x58: {  	s2 =	simm.s32 $0x4900  }
0x59: {  	[tilespmem:s2], [sflag:$0x1] =	stream.indirect_vreg.gather [hbm4b:s3+s26], $0x80, v9, vm0, $0xb8;
	[tilespmem:$0x14500] =	vst v63  }
0x5a: {  	v9 =	vld [tilespmem:$0x50];
	_ =	sdelay $0x4  }
0x5b: {  	v10 =	vshll.u32 v9, $0x1  }
0x5c: {  	v9 =	vand.u32 $0x7, v9;
	v10 =	vand.u32 $0xFFFFFFF0, v10  }
0x5d: {  	v9 =	vor.u32 v9, v10  }
0x5e: {  	v10 =	vperm.xlane v9, v0;
	_ =	sdelay $0x1  }
0x5f: {  	v9 =	vperm.xlane v9, v2;
	v10 =	vadd.s32 v1, v10;
	_ =	sdelay $0x1  }
0x60: {  	v9 =	vadd.s32 v1, v9;
	_ =	sdelay $0x1  }
0x61: {  	s2 =	simm.s32 $0x5100  }
0x62: {  	[tilespmem:s2], [sflag:$0x1] =	stream.indirect_vreg.gather [hbm4b:s3+s26], $0x80, v10, vm0, $0xb8;
	[tilespmem:$0x14500] =	vst v63  }
0x63: {  	s2 =	simm.s32 $0x5900  }
0x64: {  	[tilespmem:s2], [sflag:$0x1] =	stream.indirect_vreg.gather [hbm4b:s3+s26], $0x80, v9, vm0, $0xb8;
	[tilespmem:$0x14500] =	vst v63  }
0x65: {  	v9 =	vld [tilespmem:$0x60];
	_ =	sdelay $0x4  }
0x66: {  	v10 =	vshll.u32 v9, $0x1  }
0x67: {  	v9 =	vand.u32 $0x7, v9;
	v10 =	vand.u32 $0xFFFFFFF0, v10  }
0x68: {  	v9 =	vor.u32 v9, v10  }
0x69: {  	v10 =	vperm.xlane v9, v0;
	_ =	sdelay $0x1  }
0x6a: {  	v9 =	vperm.xlane v9, v2;
	v10 =	vadd.s32 v1, v10;
	_ =	sdelay $0x1  }
0x6b: {  	v9 =	vadd.s32 v1, v9;
	_ =	sdelay $0x1  }
0x6c: {  	s2 =	simm.s32 $0x6100  }
0x6d: {  	[tilespmem:s2], [sflag:$0x1] =	stream.indirect_vreg.gather [hbm4b:s3+s26], $0x80, v10, vm0, $0xb8;
	[tilespmem:$0x14500] =	vst v63  }
0x6e: {  	s2 =	simm.s32 $0x6900  }
0x6f: {  	[tilespmem:s2], [sflag:$0x1] =	stream.indirect_vreg.gather [hbm4b:s3+s26], $0x80, v9, vm0, $0xb8;
	[tilespmem:$0x14500] =	vst v63  }
0x70: {  	v9 =	vld [tilespmem:$0x70];
	_ =	sdelay $0x4  }
0x71: {  	v10 =	vshll.u32 v9, $0x1  }
0x72: {  	v9 =	vand.u32 $0x7, v9;
	v10 =	vand.u32 $0xFFFFFFF0, v10  }
0x73: {  	v9 =	vor.u32 v9, v10  }
0x74: {  	v10 =	vperm.xlane v9, v0;
	_ =	sdelay $0x1  }
0x75: {  	v9 =	vperm.xlane v9, v2;
	v10 =	vadd.s32 v1, v10;
	_ =	sdelay $0x1  }
0x76: {  	v9 =	vadd.s32 v1, v9;
	_ =	sdelay $0x1  }
0x77: {  	s2 =	simm.s32 $0x7100  }
0x78: {  	[tilespmem:s2], [sflag:$0x1] =	stream.indirect_vreg.gather [hbm4b:s3+s26], $0x80, v10, vm0, $0xb8;
	[tilespmem:$0x14500] =	vst v63  }
0x79: {  	s2 =	simm.s32 $0x7900  }
0x7a: {  	[tilespmem:s2], [sflag:$0x1] =	stream.indirect_vreg.gather [hbm4b:s3+s26], $0x80, v9, vm0, $0xb8;
	[tilespmem:$0x14500] =	vst v63  }
0x7b: {  	_ =	swait.ge [sflag:s31], $0x8000  }
0x7c: {  	[sflag:s31] =	ssyncset.done $0x0  }
0x7d: {  	[sflag:s31] =	ssyncadd.s32 $0xFFFF8000  }
0x7e: {  	v9 =	vld [tilespmem:$0x80];
	_ =	sdelay $0x4  }
0x7f: {  	v10 =	vshll.u32 v9, $0x1  }
0x80: {  	v9 =	vand.u32 $0x7, v9;
	v10 =	vand.u32 $0xFFFFFFF0, v10  }
0x81: {  	v9 =	vor.u32 v9, v10  }
0x82: {  	v10 =	vperm.xlane v9, v0;
	_ =	sdelay $0x1  }
0x83: {  	v9 =	vperm.xlane v9, v2;
	v10 =	vadd.s32 v1, v10;
	_ =	sdelay $0x1  }
0x84: {  	v9 =	vadd.s32 v1, v9;
	_ =	sdelay $0x1  }
0x85: {  	s2 =	simm.s32 $0x8100  }
0x86: {  	[tilespmem:s2], [sflag:$0x1] =	stream.indirect_vreg.gather [hbm4b:s4+s26], $0x80, v10, vm0, $0xb8;
	[tilespmem:$0x14500] =	vst v63  }
0x87: {  	s2 =	simm.s32 $0x8900  }
0x88: {  	[tilespmem:s2], [sflag:$0x1] =	stream.indirect_vreg.gather [hbm4b:s4+s26], $0x80, v9, vm0, $0xb8;
	[tilespmem:$0x14500] =	vst v63  }
0x89: {  	v9 =	vld [tilespmem:$0x90];
	_ =	sdelay $0x4  }
0x8a: {  	v10 =	vshll.u32 v9, $0x1  }
0x8b: {  	v9 =	vand.u32 $0x7, v9;
	v10 =	vand.u32 $0xFFFFFFF0, v10  }
0x8c: {  	v9 =	vor.u32 v9, v10  }
0x8d: {  	v10 =	vperm.xlane v9, v0;
	_ =	sdelay $0x1  }
0x8e: {  	v9 =	vperm.xlane v9, v2;
	v10 =	vadd.s32 v1, v10;
	_ =	sdelay $0x1  }
0x8f: {  	v9 =	vadd.s32 v1, v9;
	_ =	sdelay $0x2  }
0x90: {  	[tilespmem:s11], [sflag:$0x1] =	stream.indirect_vreg.gather [hbm4b:s4+s26], $0x80, v10, vm0, $0xb8;
	[tilespmem:$0x14500] =	vst v63  }
0x91: {  	_ = 	snop  }
0x92: {  	[tilespmem:s5], [sflag:$0x1] =	stream.indirect_vreg.gather [hbm4b:s4+s26], $0x80, v9, vm0, $0xb8;
	[tilespmem:$0x14500] =	vst v63  }
0x93: {  	v9 =	vld [tilespmem:$0xA0];
	_ =	sdelay $0x4  }
0x94: {  	v10 =	vshll.u32 v9, $0x1  }
0x95: {  	v9 =	vand.u32 $0x7, v9;
	v10 =	vand.u32 $0xFFFFFFF0, v10  }
0x96: {  	v9 =	vor.u32 v9, v10  }
0x97: {  	v10 =	vperm.xlane v9, v0;
	_ =	sdelay $0x1  }
0x98: {  	v9 =	vperm.xlane v9, v2;
	v10 =	vadd.s32 v1, v10;
	_ =	sdelay $0x1  }
0x99: {  	v9 =	vadd.s32 v1, v9;
	_ =	sdelay $0x2  }
0x9a: {  	[tilespmem:s10], [sflag:$0x1] =	stream.indirect_vreg.gather [hbm4b:s4+s26], $0x80, v10, vm0, $0xb8;
	[tilespmem:$0x14500] =	vst v63  }
0x9b: {  	_ = 	snop  }
0x9c: {  	[tilespmem:s1], [sflag:$0x1] =	stream.indirect_vreg.gather [hbm4b:s4+s26], $0x80, v9, vm0, $0xb8;
	[tilespmem:$0x14500] =	vst v63  }
0x9d: {  	v9 =	vld [tilespmem:$0xB0];
	_ =	sdelay $0x4  }
0x9e: {  	v10 =	vshll.u32 v9, $0x1  }
0x9f: {  	v9 =	vand.u32 $0x7, v9;
	v10 =	vand.u32 $0xFFFFFFF0, v10  }
0xa0: {  	v9 =	vor.u32 v9, v10  }
0xa1: {  	v10 =	vperm.xlane v9, v0;
	_ =	sdelay $0x1  }
0xa2: {  	v9 =	vperm.xlane v9, v2;
	v10 =	vadd.s32 v1, v10;
	_ =	sdelay $0x1  }
0xa3: {  	v9 =	vadd.s32 v1, v9;
	_ =	sdelay $0x2  }
0xa4: {  	[tilespmem:s13], [sflag:$0x1] =	stream.indirect_vreg.gather [hbm4b:s4+s26], $0x80, v10, vm0, $0xb8;
	[tilespmem:$0x14500] =	vst v63  }
0xa5: {  	_ = 	snop  }
0xa6: {  	[tilespmem:s14], [sflag:$0x1] =	stream.indirect_vreg.gather [hbm4b:s4+s26], $0x80, v9, vm0, $0xb8;
	[tilespmem:$0x14500] =	vst v63  }
0xa7: {  	v9 =	vld [tilespmem:$0xC0];
	_ =	sdelay $0x4  }
0xa8: {  	v10 =	vshll.u32 v9, $0x1  }
0xa9: {  	v9 =	vand.u32 $0x7, v9;
	v10 =	vand.u32 $0xFFFFFFF0, v10  }
0xaa: {  	v9 =	vor.u32 v9, v10  }
0xab: {  	v10 =	vperm.xlane v9, v0;
	_ =	sdelay $0x1  }
0xac: {  	v9 =	vperm.xlane v9, v2;
	v10 =	vadd.s32 v1, v10;
	_ =	sdelay $0x1  }
0xad: {  	v9 =	vadd.s32 v1, v9;
	_ =	sdelay $0x2  }
0xae: {  	[tilespmem:s15], [sflag:$0x1] =	stream.indirect_vreg.gather [hbm4b:s4+s26], $0x80, v10, vm0, $0xb8;
	[tilespmem:$0x14500] =	vst v63  }
0xaf: {  	_ = 	snop  }
0xb0: {  	[tilespmem:s16], [sflag:$0x1] =	stream.indirect_vreg.gather [hbm4b:s4+s26], $0x80, v9, vm0, $0xb8;
	[tilespmem:$0x14500] =	vst v63  }
0xb1: {  	v9 =	vld [tilespmem:$0xD0];
	_ =	sdelay $0x4  }
0xb2: {  	v10 =	vshll.u32 v9, $0x1  }
0xb3: {  	v9 =	vand.u32 $0x7, v9;
	v10 =	vand.u32 $0xFFFFFFF0, v10  }
0xb4: {  	v9 =	vor.u32 v9, v10  }
0xb5: {  	v10 =	vperm.xlane v9, v0;
	_ =	sdelay $0x1  }
0xb6: {  	v9 =	vperm.xlane v9, v2;
	v10 =	vadd.s32 v1, v10;
	_ =	sdelay $0x1  }
0xb7: {  	v9 =	vadd.s32 v1, v9;
	_ =	sdelay $0x2  }
0xb8: {  	[tilespmem:s17], [sflag:$0x1] =	stream.indirect_vreg.gather [hbm4b:s4+s26], $0x80, v10, vm0, $0xb8;
	[tilespmem:$0x14500] =	vst v63  }
0xb9: {  	_ = 	snop  }
0xba: {  	[tilespmem:s18], [sflag:$0x1] =	stream.indirect_vreg.gather [hbm4b:s4+s26], $0x80, v9, vm0, $0xb8;
	[tilespmem:$0x14500] =	vst v63  }
0xbb: {  	v9 =	vld [tilespmem:$0xE0];
	_ =	sdelay $0x4  }
0xbc: {  	v10 =	vshll.u32 v9, $0x1  }
0xbd: {  	v9 =	vand.u32 $0x7, v9;
	v10 =	vand.u32 $0xFFFFFFF0, v10  }
0xbe: {  	v9 =	vor.u32 v9, v10  }
0xbf: {  	v10 =	vperm.xlane v9, v0;
	_ =	sdelay $0x1  }
0xc0: {  	v9 =	vperm.xlane v9, v2;
	v10 =	vadd.s32 v1, v10;
	_ =	sdelay $0x1  }
0xc1: {  	v9 =	vadd.s32 v1, v9;
	_ =	sdelay $0x2  }
0xc2: {  	[tilespmem:s19], [sflag:$0x1] =	stream.indirect_vreg.gather [hbm4b:s4+s26], $0x80, v10, vm0, $0xb8;
	[tilespmem:$0x14500] =	vst v63  }
0xc3: {  	_ = 	snop  }
0xc4: {  	[tilespmem:s20], [sflag:$0x1] =	stream.indirect_vreg.gather [hbm4b:s4+s26], $0x80, v9, vm0, $0xb8;
	[tilespmem:$0x14500] =	vst v63  }
0xc5: {  	v9 =	vld [tilespmem:$0xF0];
	_ =	sdelay $0x4  }
0xc6: {  	v10 =	vshll.u32 v9, $0x1  }
0xc7: {  	v9 =	vand.u32 $0x7, v9;
	v10 =	vand.u32 $0xFFFFFFF0, v10  }
0xc8: {  	v9 =	vor.u32 v9, v10  }
0xc9: {  	v10 =	vperm.xlane v9, v0;
	_ =	sdelay $0x1  }
0xca: {  	v9 =	vperm.xlane v9, v2;
	v10 =	vadd.s32 v1, v10;
	_ =	sdelay $0x1  }
0xcb: {  	v9 =	vadd.s32 v1, v9;
	_ =	sdelay $0x2  }
0xcc: {  	[tilespmem:s21], [sflag:$0x1] =	stream.indirect_vreg.gather [hbm4b:s4+s26], $0x80, v10, vm0, $0xb8;
	[tilespmem:$0x14500] =	vst v63  }
0xcd: {  	_ = 	snop  }
0xce: {  	[tilespmem:s22], [sflag:$0x1] =	stream.indirect_vreg.gather [hbm4b:s4+s26], $0x80, v9, vm0, $0xb8;
	[tilespmem:$0x14500] =	vst v63  }
0xcf: {  	_ =	swait.ge [sflag:s31], $0x8000  }
0xd0: {  	s28 =	sand.u32 $0x380, s26;
	s2 =	sand.u32 $0x7800, s26;
	[sflag:s31] =	ssyncset.done $0x0  }
0xd1: {  	s0 =	sor.u32 s28, s2;
	[sflag:s31] =	ssyncadd.s32 $0xFFFF8000  }
0xd2: {  	v9 =	vld [tilespmem:s0+$0x120]  }
0xd3: {  	v10 =	vld [tilespmem:s0+$0x8120]  }
0xd4: {  	v11 =	vld [tilespmem:s0+$0x8110]  }
0xd5: {  	v12 =	vld [tilespmem:s0+$0x100]  }
0xd6: {  	v13 =	vld [tilespmem:s0+$0x110]  }
0xd7: {  	v14 =	vld [tilespmem:s0+$0x8100]  }
0xd8: {  	v15 =	vld [tilespmem:s0+$0x8130]  }
0xd9: {  	v16 =	vld [tilespmem:s0+$0x130]  }
0xda: {  	v27 =	vld [tilespmem:s0+$0x150]  }
0xdb: {  	v18 =	vld [tilespmem:s0+$0x8150]  }
0xdc: {  	v29 =	vld [tilespmem:s0+$0x8170]  }
0xdd: {  	v32 =	vld [tilespmem:s0+$0x170]  }
0xde: {  	v20 =	vld [tilespmem:s0+$0x160]  }
0xdf: {  	v35 =	vld [tilespmem:s0+$0x8160]  }
0xe0: {  	v23 =	vld [tilespmem:s0+$0x8500]  }
0xe1: {  	v9 =	vmul.f32 v10, v9  }
0xe2: {  	v11 =	vmul.f32 v11, v13;
	v12 =	vmul.f32 v14, v12  }
0xe3: {  	v15 =	vmul.f32 v15, v16;
	v14 =	vmul.f32 v18, v27  }
0xe4: {  	v26 =	vld [tilespmem:s0+$0x140];
	v16 =	vmul.f32 v29, v32;
	v41 =	vmul.f32 v35, v20  }
0xe5: {  	v37 =	vld [tilespmem:s0+$0x500];
	v46 =	vperm.xlane v23, v3;
	v17 =	vperm.xlane v9, v4  }
0xe6: {  	v10 =	vld [tilespmem:s0+$0x8140];
	v19 =	vperm.xlane v11, v4;
	v28 =	vperm.xlane v12, v4  }
0xe7: {  	v31 =	vperm.xlane v15, v4;
	v38 =	vperm.xlane v14, v4  }
0xe8: {  	v43 =	vperm.xlane v16, v4;
	v9 =	vadd.f32 v17, v9;
	v11 =	vadd.f32 v19, v11  }
0xe9: {  	v45 =	vperm.xlane v41, v4;
	v12 =	vadd.f32 v28, v12;
	v13 =	vadd.f32 v31, v15  }
0xea: {  	v49 =	vmul.f32 $6.250000000e-02, v46;
	v14 =	vadd.f32 v38, v14;
	v19 =	vadd.f32 v23, v37  }
0xeb: {  	v15 =	vadd.f32 v45, v41;
	v10 =	vmul.f32 v10, v26;
	v30 =	vperm.xlane v9, v5  }
0xec: {  	v16 =	vadd.f32 v43, v16;
	v21 =	vperm.xlane v11, v5;
	v33 =	vperm.xlane v12, v5  }
0xed: {  	v22 =	vperm.xlane v13, v5;
	v44 =	vperm.xlane v14, v5;
	v19 =	vsub.f32 $0.0e+00, v19  }
0xee: {  	v52 =	vperm.xlane v15, v5;
	v53 =	vperm.xlane v16, v5;
	v9 =	vadd.f32 v30, v9  }
0xef: {  	v34 =	vperm.xlane v10, v4;
	v11 =	vadd.f32 v21, v11;
	v12 =	vadd.f32 v33, v12  }
0xf0: {  	v13 =	vadd.f32 v22, v13;
	v14 =	vadd.f32 v44, v14;
	v19 =	vmul.f32 $1.442695020e+00, v19  }
0xf1: {  	v10 =	vadd.f32 v34, v10;
	v36 =	vperm.xlane v9, v6;
	v39 =	vperm.xlane v12, v6  }
0xf2: {  	v15 =	vadd.f32 v52, v15;
	v24 =	vperm.xlane v11, v6;
	v48 =	vperm.xlane v13, v6  }
0xf3: {  	v16 =	vadd.f32 v53, v16;
	v50 =	vperm.xlane v14, v6;
	v40 =	vperm.xlane v10, v5  }
0xf4: {  	v57 =	vperm.xlane v15, v6;
	v9 =	vadd.f32 v36, v9;
	v12 =	vadd.f32 v39, v12  }
0xf5: {  	(erf) = vpow2.f32 v19;
	v11 =	vadd.f32 v24, v11;
	v10 =	vadd.f32 v40, v10  }
0xf6: {  	v58 =	vperm.xlane v16, v6;
	v14 =	vadd.f32 v50, v14;
	v13 =	vadd.f32 v48, v13  }
0xf7: {  	v15 =	vadd.f32 v57, v15;
	v51 =	vperm.xlane v12, v7;
	v47 =	vperm.xlane v10, v6  }
0xf8: {  	v16 =	vadd.f32 v58, v16;
	v42 =	vperm.xlane v9, v7;
	v54 =	vperm.xlane v11, v7  }
0xf9: {  	v56 =	vperm.xlane v14, v7;
	v12 =	vadd.f32 v51, v12;
	v10 =	vadd.f32 v47, v10  }
0xfa: {  	v59 =	vperm.xlane v13, v7;
	v60 =	vperm.xlane v15, v7;
	v11 =	vadd.f32 v54, v11  }
0xfb: {  	v9 =	vadd.f32 v42, v9;
	v12 =	vmul.f32 v12, v49;
	v55 =	vperm.xlane v10, v7  }
0xfc: {  	v18 =	vperm.xlane v16, v7;
	v13 =	vadd.f32 v59, v13;
	v11 =	vmul.f32 v11, v49  }
0xfd: {  	v9 =	vmul.f32 v9, v49;
	v12 =	vnsel vm1, $0x0, v12;
	v10 =	vadd.f32 v55, v10  }
0xfe: {  	v14 =	vadd.f32 v56, v14;
	v61 =	vmul.f32 v13, v49;
	v11 =	vsel vm2, v12, v11  }
0xff: {  	v62 =	vadd.f32 v60, v15;
	v9 =	vsel vm3, v11, v9;
	v10 =	vmul.f32 v10, v49  }
0x100: {  	v63 =	vadd.f32 v18, v16;
	v11 =	vmul.f32 v14, v49;
	v9 =	vsel vm4, v9, v61  }
0x101: {  	v9 =	vsel vm5, v9, v10;
	v10 =	vmul.f32 v62, v49  }
0x102: {  	v9 =	vsel vm6, v9, v11;
	v11 =	vmul.f32 v63, v49  }
0x103: {  	v9 =	vsel vm7, v9, v10  }
0x104: {  	v9 =	vsel vm8, v9, v11;
	_ =	sdelay $0x2  }
0x105: {  	v10 =	vsub.f32 v9, v8;
	v9 =	vpop (erf)  }
0x106: {  	v9 =	vadd.f32 $1.000000000e+00, v9  }
0x107: {  	s29 =	simm.s32 $0x10100;
	s30 =	simm.s32 $0x100;
	s28 =	simm.s32 $0x10100;
	v10 =	vmul.f32 $1.442695020e+00, v10  }
.LBB2_3:
0x108: {  	p0 =	sne.s32 s30, $0x7F00;
	s29 =	sadd.s32 $0x80, s29;
	s26 =	sadd.s32 $0x80, s26;
	(erf) = vrcp.f32 v9  }
0x109: {  	s0 =	smov.u32 s30;
	s30 =	sadd.s32 $0x100, s30;
	(erf) = vpow2.f32 v10;
	_ =	sdelay $0x7  }
0x10a: {  	v9 =	vpop (erf)  }
0x10b: {  	v10 =	vpop (erf)  }
0x10c: {  	v9 =	vmul.f32 v10, v9;
	_ =	sdelay $0x1  }
0x10d: {  	s0 =	sand.u32 $0x7800, s0;
	s2 =	sand.u32 $0x380, s26;
	v9 =	vnsel vm9, $0x0, v9  }
0x10e: {  	s0 =	sor.u32 s2, s0;
	[tilespmem:s28+$0x0] =	vst v9;
	s28 =	smov.u32 s29  }
0x10f: {  	v9 =	vld [tilespmem:s0+$0x120]  }
0x110: {  	v10 =	vld [tilespmem:s0+$0x8130]  }
0x111: {  	v11 =	vld [tilespmem:s0+$0x8140]  }
0x112: {  	v12 =	vld [tilespmem:s0+$0x8120]  }
0x113: {  	v13 =	vld [tilespmem:s0+$0x8110]  }
0x114: {  	v14 =	vld [tilespmem:s0+$0x100]  }
0x115: {  	v15 =	vld [tilespmem:s0+$0x110]  }
0x116: {  	v16 =	vld [tilespmem:s0+$0x8100]  }
0x117: {  	v17 =	vld [tilespmem:s0+$0x130]  }
0x118: {  	v9 =	vmul.f32 v12, v9;
	v12 =	vld [tilespmem:s0+$0x140]  }
0x119: {  	v18 =	vld [tilespmem:s0+$0x150]  }
0x11a: {  	v13 =	vmul.f32 v13, v15;
	v15 =	vperm.xlane v9, v4  }
0x11b: {  	v14 =	vmul.f32 v16, v14;
	v16 =	vld [tilespmem:s0+$0x8150]  }
0x11c: {  	v19 =	vperm.xlane v13, v4;
	v9 =	vadd.f32 v15, v9;
	v10 =	vmul.f32 v10, v17  }
0x11d: {  	v15 =	vperm.xlane v14, v4;
	v11 =	vmul.f32 v11, v12;
	v12 =	vld [tilespmem:s0+$0x8170]  }
0x11e: {  	v13 =	vadd.f32 v19, v13;
	v17 =	vperm.xlane v9, v5;
	v19 =	vld [tilespmem:s0+$0x160]  }
0x11f: {  	v14 =	vadd.f32 v15, v14;
	v15 =	vperm.xlane v10, v4;
	v20 =	vld [tilespmem:s0+$0x170]  }
0x120: {  	v21 =	vperm.xlane v13, v5;
	v9 =	vadd.f32 v17, v9;
	v16 =	vmul.f32 v16, v18  }
0x121: {  	v17 =	vperm.xlane v14, v5;
	v10 =	vadd.f32 v15, v10;
	v15 =	vperm.xlane v11, v4;
	v18 =	vld [tilespmem:s0+$0x8160]  }
0x122: {  	v13 =	vadd.f32 v21, v13;
	v21 =	vperm.xlane v9, v6  }
0x123: {  	v22 =	vld [tilespmem:s0+$0x500];
	v14 =	vadd.f32 v17, v14;
	v17 =	vperm.xlane v10, v5;
	v11 =	vadd.f32 v15, v11  }
0x124: {  	v15 =	vld [tilespmem:s0+$0x8500];
	v9 =	vadd.f32 v21, v9;
	v21 =	vperm.xlane v16, v4;
	v12 =	vmul.f32 v12, v20  }
0x125: {  	v20 =	vperm.xlane v14, v6;
	v10 =	vadd.f32 v17, v10;
	v17 =	vperm.xlane v11, v5  }
0x126: {  	v23 =	vperm.xlane v13, v6;
	v16 =	vadd.f32 v21, v16;
	v18 =	vmul.f32 v18, v19  }
0x127: {  	v19 =	vperm.xlane v9, v7;
	v14 =	vadd.f32 v20, v14;
	v20 =	vperm.xlane v12, v4  }
0x128: {  	v13 =	vadd.f32 v23, v13;
	v11 =	vadd.f32 v17, v11;
	v17 =	vperm.xlane v16, v5  }
0x129: {  	v9 =	vadd.f32 v19, v9;
	v19 =	vperm.xlane v18, v4;
	v21 =	vadd.f32 v15, v22  }
0x12a: {  	v15 =	vperm.xlane v15, v3;
	v22 =	vperm.xlane v11, v6;
	v16 =	vadd.f32 v17, v16  }
0x12b: {  	v18 =	vadd.f32 v19, v18;
	v17 =	vsub.f32 $0.0e+00, v21;
	v21 =	vperm.xlane v10, v6  }
0x12c: {  	v12 =	vadd.f32 v20, v12;
	v15 =	vmul.f32 $6.250000000e-02, v15;
	v19 =	vperm.xlane v16, v6  }
0x12d: {  	v20 =	vperm.xlane v14, v7;
	v11 =	vadd.f32 v22, v11;
	v22 =	vperm.xlane v18, v5  }
0x12e: {  	v17 =	vmul.f32 $1.442695020e+00, v17;
	v16 =	vadd.f32 v19, v16;
	v19 =	vperm.xlane v12, v5  }
0x12f: {  	v23 =	vperm.xlane v13, v7;
	v24 =	vperm.xlane v11, v7;
	v18 =	vadd.f32 v22, v18  }
0x130: {  	v14 =	vadd.f32 v20, v14;
	v20 =	vperm.xlane v16, v7;
	v12 =	vadd.f32 v19, v12  }
0x131: {  	v10 =	vadd.f32 v21, v10;
	v19 =	vperm.xlane v18, v6;
	(erf) = vpow2.f32 v17  }
0x132: {  	v14 =	vmul.f32 v14, v15;
	v16 =	vadd.f32 v20, v16;
	v17 =	vperm.xlane v12, v6  }
0x133: {  	v13 =	vadd.f32 v23, v13;
	v20 =	vperm.xlane v10, v7;
	v18 =	vadd.f32 v19, v18  }
0x134: {  	v14 =	vnsel vm1, $0x0, v14;
	v16 =	vmul.f32 v16, v15;
	v12 =	vadd.f32 v17, v12  }
0x135: {  	v13 =	vmul.f32 v13, v15;
	v10 =	vadd.f32 v20, v10;
	v17 =	vperm.xlane v18, v7  }
0x136: {  	v9 =	vmul.f32 v9, v15;
	v11 =	vadd.f32 v24, v11;
	v19 =	vperm.xlane v12, v7  }
0x137: {  	v13 =	vsel vm2, v14, v13;
	v10 =	vmul.f32 v10, v15;
	v14 =	vadd.f32 v17, v18  }
0x138: {  	v11 =	vmul.f32 v11, v15;
	v17 =	vsel vm3, v13, v9;
	v12 =	vadd.f32 v19, v12  }
0x139: {  	v13 =	vsel vm4, v17, v10  }
0x13a: {  	v10 =	vsel vm5, v13, v11;
	v11 =	vmul.f32 v14, v15;
	v9 =	vpop (erf)  }
0x13b: {  	v10 =	vsel vm6, v10, v16;
	v12 =	vmul.f32 v12, v15;
	v9 =	vadd.f32 $1.000000000e+00, v9  }
.Ltmp0:
0x13c: {  	v10 =	vsel vm7, v10, v11;
	(pc) =	sbr.rel @p0 .LBB2_3-.Ltmp0, $3  }
0x13d: {  	v10 =	vsel vm8, v10, v12  }
0x13e: {  	v10 =	vsub.f32 v10, v8;
	_ =	sdelay $0x1  }
0x13f: {  	v10 =	vmul.f32 $1.442695020e+00, v10  }
0x140: {  	(erf) = vrcp.f32 v9  }
0x141: {  	(erf) = vpow2.f32 v10;
	_ =	sdelay $0x7  }
0x142: {  	v9 =	vpop (erf)  }
0x143: {  	v10 =	vpop (erf)  }
0x144: {  	v9 =	vmul.f32 v10, v9  }
0x145: {  	s24 =	sadd.s32 $0x1, s24  }
0x146: {  	s0 =	sshll.u32 s25, $0xB;
	p0 =	sne.s32 s24, $0x50;
	v9 =	vnsel vm9, $0x0, v9  }
.Ltmp1:
0x147: {  	s2 =	simm.s32 $0x0;
	s0 =	sadd.s32 s8, s0;
	[tilespmem:s28+$0x0] =	vst v9;
	(pc) =	sbr.rel @p0 .LBB2_2-.Ltmp1, $4  }
0x148: {  	[hbm4b:s0+s2] =	stream.linear.scatter [tilespmem:s23], [sflag:$0x2], $0x4000, $0x38;
	[tilespmem:$0x14500] =	vst v63  }
0x149: {  	_ =	swait.ge [sflag:s12], $0x4000  }
0x14a: {  	[sflag:s12] =	ssyncset.done $0x0  }
0x14b: {  	[sflag:s12] =	ssyncadd.s32 $0xFFFFC000  }
0x14c: {  	s2 =	rddreg [dreg:$0x4]  }
0x14d: {  	s0 =	rddreg [dreg:$0x3];
	s2 =	sadd.s32 $0x1, s2  }
0x14e: {  	p0 =	sne.s32 s2, s0  }
.Ltmp2:
0x14f: {  	_ = 	snop;
	(pc) =	sbr.rel @p0 .LBB2_1-.Ltmp2, $1  }
0x150: {  	_ =	sdelay $0x3  }
0x151: {  	_ =	sfence.sel $0x180000  }
0x152: {  	[bflag:$0x0] =	sbarrier.arrive $0xFFFF  }
0x153: {  	_ =	strace $0x90000047  }
0x154: {  	s0 =	stileid.u32;
	[bflag:$0x2] =	sbarrier.arrive $0xFFFF  }
0x155: {  	p0 =	sne.s32 s0, $0x0;
	s0 =	rddreg [dreg:$0x1]  }
0x156: {  	s0 =	sadd.s32 @!p0 $0x100000, s0  }
0x157: {  	[sflag:s0] =	ssyncadd.tile.s32 @!p0 $0x1;
	_ =	shalt  }
.Lfunc_end2:
_tile_overlayer_lowered:
.L_overlay_start_2:
0x158: {  	(tag) =	ssettag $0x2  }
0x159: {  	s0 =	rddreg [dreg:$0x0];
	s2 =	stileid.u32  }
0x15a: {  	s1 =	rddreg [dreg:$0x1];
	p0 =	sne.s32 s2, $0x0  }
0x15b: {  	s3 =	rddreg [dreg:$0x2];
	[bflag:$0x3] =	sbarrier.arrive $0xFFFF;
	s2 =	simm.s32 @!p0 $0x1C02  }
0x15c: {  	[timem:s3], [sflag:s2] =	dma.local @!p0 [hbm:s0], s1  }
0x15d: {  	s0 =	simm.s32 @!p0 $0x2  }
0x15e: {  	_ =	swait.ge @!p0 [sflag:s0], s1  }
0x15f: {  	s1 =	ssub.s32 @!p0 $0x0, s1;
	[sflag:s0] =	ssyncset.done @!p0 $0x0  }
0x160: {  	[sflag:s0] =	ssyncadd.s32 @!p0 s1  }
0x161: {  	[bflag:$0x3] =	sbarrier.arrive $0xFFFF  }
0x162: {  	_ =	shalt  }

</sc_bundles>
